<compile_context>
chip_gen: v7x
topology: tpu7x:2x2x1
jax: 0.10.2.dev20260603
libtpu: 0.0.44.dev20260713+nightly
codegen_flags: <defaults>
</compile_context>

<pallas_src>
import functools

import jax
import jax.numpy as jnp
from jax import lax
from jax.experimental import pallas as pl
from jax.experimental.pallas import tpu as pltpu
from jax.experimental.pallas import tpu_sc as plsc

_NBUF = 4


def _make_sc_kernel(N, V, F):
    info = plsc.get_sparse_core_info()
    NC = info.num_cores
    NW = NC * info.num_subcores
    CH = 128
    n_full = N // CH
    tail = N % CH
    per_w = (n_full + NW - 1) // NW
    tail_worker = n_full % NW

    ZR = 3 * N
    ZCH = 256
    z_full = ZR // ZCH
    z_tail = ZR % ZCH
    z_rounds = (z_full + NW - 1) // NW
    z_tail_worker = z_full % NW

    mesh = plsc.VectorSubcoreMesh(core_axis_name="c", subcore_axis_name="s")

    @functools.partial(
        pl.kernel,
        mesh=mesh,
        out_type=[
            jax.ShapeDtypeStruct((N, F), jnp.float32),
            jax.ShapeDtypeStruct((ZR, F), jnp.float32),
        ],
        scratch_types=[
            pltpu.VMEM((per_w, CH), jnp.int32),
            pltpu.VMEM((_NBUF, CH, F), jnp.float32),
            pltpu.VMEM((tail,), jnp.int32),
            pltpu.VMEM((tail, F), jnp.float32),
            pltpu.VMEM((ZCH, F), jnp.float32),
            pltpu.VMEM_SHARED((V, F), jnp.float32),
            pltpu.SemaphoreType.DMA,
            pltpu.SemaphoreType.DMA,
            pltpu.SemaphoreType.DMA,
        ]
        + [pltpu.SemaphoreType.DMA] * (2 * _NBUF),
    )
    def sck(z_hbm, tab_hbm, out_hbm, zout_hbm, idx_v, rows_v, tidx_v,
            trows_v, zbuf, tab_s, sem_i, sem_t, sem_z, *bsems):
        gs, ss = bsems[:_NBUF], bsems[_NBUF:]
        sid = lax.axis_index("s")
        wid = sid * NC + lax.axis_index("c")

        zv = jnp.zeros((16,), jnp.float32)

        def _zrow(r, carry):
            for c in range(F // 16):
                zbuf[r, pl.ds(c * 16, 16)] = zv
            return carry

        lax.fori_loop(0, ZCH, _zrow, 0)

        for g in range(z_rounds):
            k = wid + g * NW

            @pl.when(k < z_full)
            def _(g=g):
                k = wid + g * NW
                pltpu.async_copy(
                    zbuf, zout_hbm.at[pl.ds(k * ZCH, ZCH)], sem_z)

        if z_tail:

            @pl.when(wid == z_tail_worker)
            def _():
                pltpu.async_copy(
                    zbuf.at[pl.ds(0, z_tail)],
                    zout_hbm.at[pl.ds(z_full * ZCH, z_tail)], sem_z)

        @pl.when(sid == 0)
        def _():
            pltpu.sync_copy(tab_hbm, tab_s)

        for i in range(per_w):
            c = wid + i * NW

            @pl.when(c < n_full)
            def _(i=i, c=c):
                pltpu.async_copy(z_hbm.at[pl.ds(c * CH, CH)], idx_v.at[i], sem_i)

        if tail:

            @pl.when(wid == tail_worker)
            def _():
                pltpu.async_copy(
                    z_hbm.at[pl.ds(n_full * CH, tail)], tidx_v, sem_t)

        for i in range(per_w):
            c = wid + i * NW

            @pl.when(c < n_full)
            def _(i=i):
                pltpu.make_async_copy(
                    z_hbm.at[pl.ds(0, CH)], idx_v.at[i], sem_i).wait()

        plsc.subcore_barrier()

        for j in range(per_w + 1):
            if j < per_w:
                b = j % _NBUF
                c = wid + j * NW

                @pl.when(c < n_full)
                def _(j=j, b=b):
                    if j >= _NBUF:
                        pltpu.make_async_copy(
                            rows_v.at[b], out_hbm.at[pl.ds(0, CH)], ss[b]
                        ).wait()
                    pltpu.async_copy(
                        tab_s.at[idx_v.at[j]], rows_v.at[b], gs[b])

            if j >= 1:
                pj = j - 1
                pb = pj % _NBUF
                pc = wid + pj * NW

                @pl.when(pc < n_full)
                def _(pj=pj, pb=pb, pc=pc):
                    pltpu.make_async_copy(
                        tab_s.at[idx_v.at[pj]], rows_v.at[pb], gs[pb]).wait()
                    pltpu.async_copy(
                        rows_v.at[pb], out_hbm.at[pl.ds(pc * CH, CH)], ss[pb])

        for i in range(per_w):
            cond = (wid + i * NW) < n_full
            if i + _NBUF <= per_w - 1:
                cond = jnp.logical_and(
                    cond, jnp.logical_not((wid + (i + _NBUF) * NW) < n_full))

            @pl.when(cond)
            def _(i=i):
                pltpu.make_async_copy(
                    rows_v.at[i % _NBUF], out_hbm.at[pl.ds(0, CH)],
                    ss[i % _NBUF]).wait()

        if tail:

            @pl.when(wid == tail_worker)
            def _():
                pltpu.make_async_copy(
                    z_hbm.at[pl.ds(0, tail)], tidx_v, sem_t).wait()
                pltpu.async_copy(tab_s.at[tidx_v], trows_v, sem_t).wait()
                pltpu.sync_copy(trows_v, out_hbm.at[pl.ds(n_full * CH, tail)])

        for g in range(z_rounds):
            k = wid + g * NW

            @pl.when(k < z_full)
            def _(g=g):
                pltpu.make_async_copy(
                    zbuf, zout_hbm.at[pl.ds(0, ZCH)], sem_z).wait()

        if z_tail:

            @pl.when(wid == z_tail_worker)
            def _():
                pltpu.make_async_copy(
                    zbuf.at[pl.ds(0, z_tail)],
                    zout_hbm.at[pl.ds(0, z_tail)], sem_z).wait()

    return sck


def _make_zeros(N, F):
    B = 2000
    assert N % B == 0
    grid = N // B

    def zk(o5):
        o5[...] = jnp.zeros(o5.shape, jnp.float32)

    return pl.pallas_call(
        zk,
        grid=(grid,),
        out_specs=[pl.BlockSpec((5, B, F), lambda i: (0, i, 0))],
        out_shape=[jax.ShapeDtypeStruct((5, N, F), jnp.float32)],
    )


def kernel(Z, table):
    N = Z.shape[0]
    V, F = table.shape
    x0, z3 = _make_sc_kernel(N, V, F)(Z, table)
    (z5,) = _make_zeros(N, F)()
    return (
        x0.reshape(N, 1, F),
        jnp.transpose(z3.reshape(3, N, F), (1, 0, 2)),
        jnp.transpose(z5, (1, 0, 2)),
    )

# --- scband reference (transcript-rebuilt; emitter-appended) ---
"""Pipeline reference for scband-spherical-embedding-79886391705991 (READ-ONLY COPY).

The authoritative reference and input builder live on the scoring server;
editing this copy changes nothing except your own understanding.
"""

import jax, jax.numpy as jnp
import numpy as np

ORDER = 2
NUM_FEATURES = 128
ZMAX = 87
N = 50000


def setup_inputs(seed: int = 0) -> dict:
    key = jax.random.key(seed)
    k1, k2 = jax.random.split(key)
    Z = jax.random.randint(k1, (N,), 0, ZMAX, dtype=jnp.int32)
    table = jax.random.normal(k2, (ZMAX, NUM_FEATURES), dtype=jnp.float32)
    return {"Z": Z, "table": table}


def reference(Z, table):
    # embedding lookup: [N] -> [N, num_features]
    emb = jnp.take(table, Z, axis=0)
    # L == 0: view(*Z.shape, 1, -1); repeat with all-ones multipliers is a no-op
    x0 = emb.reshape(Z.shape + (1, NUM_FEATURES))
    xs = [x0]
    # L > 0: zeros_like(xs[0]) repeated along the (2L+1) spherical-harmonic axis
    for L in range(1, ORDER + 1):
        zeros = jnp.zeros_like(x0)
        reps = (1,) * len(Z.shape) + (2 * L + 1, 1)
        xs.append(jnp.tile(zeros, reps))
    return tuple(xs)

if __name__ == "__main__":
    import jax
    _d = setup_inputs()
    print(jax.jit(kernel)(*tuple(_d.values())))

</pallas_src>

<mosaic_0001>
#map = affine_map<(d0, d1) -> (0)>
#map1 = affine_map<(d0, d1) -> (0, 0)>
module attributes {stable_mosaic.version = 14 : i64} {
  func.func @sck(%arg0: i32, %arg1: i32, %arg2: memref<50000xi32, #tpu.memory_space<hbm>>, %arg3: memref<87x128xf32, #tpu.memory_space<hbm>>, %arg4: memref<50000x128xf32, #tpu.memory_space<hbm>>, %arg5: memref<150000x128xf32, #tpu.memory_space<hbm>>, %arg6: memref<13x128xi32, #tpu.memory_space<vmem>>, %arg7: memref<4x128x128xf32, #tpu.memory_space<vmem>>, %arg8: memref<80xi32, #tpu.memory_space<vmem>>, %arg9: memref<80x128xf32, #tpu.memory_space<vmem>>, %arg10: memref<256x128xf32, #tpu.memory_space<vmem>>, %arg11: memref<87x128xf32, #tpu.memory_space<vmem_shared>>, %arg12: memref<!tpu.dma_semaphore, #tpu.memory_space<semaphore_mem>>, %arg13: memref<!tpu.dma_semaphore, #tpu.memory_space<semaphore_mem>>, %arg14: memref<!tpu.dma_semaphore, #tpu.memory_space<semaphore_mem>>, %arg15: memref<!tpu.dma_semaphore, #tpu.memory_space<semaphore_mem>>, %arg16: memref<!tpu.dma_semaphore, #tpu.memory_space<semaphore_mem>>, %arg17: memref<!tpu.dma_semaphore, #tpu.memory_space<semaphore_mem>>, %arg18: memref<!tpu.dma_semaphore, #tpu.memory_space<semaphore_mem>>, %arg19: memref<!tpu.dma_semaphore, #tpu.memory_space<semaphore_mem>>, %arg20: memref<!tpu.dma_semaphore, #tpu.memory_space<semaphore_mem>>, %arg21: memref<!tpu.dma_semaphore, #tpu.memory_space<semaphore_mem>>, %arg22: memref<!tpu.dma_semaphore, #tpu.memory_space<semaphore_mem>>) attributes {dimension_semantics = [#tpu.dimension_semantics<core_parallel>, #tpu.dimension_semantics<subcore_parallel>], iteration_bounds = array<i64: 2, 16>, scalar_prefetch = 0 : i64, scratch_operands = 17 : i64, tpu.core_type = #tpu.core_type<sc_vector_subcore>, window_params = [{transform_indices = #map}, {transform_indices = #map1}, {transform_indices = #map1}, {transform_indices = #map1}]} {
    %mul3A = arith.constant 2 : i32
    %mul3A_0 = arith.muli %arg1, %mul3A : i32
    %add3A = arith.addi %mul3A_0, %arg0 : i32
    %broadcast_in_dim3A = arith.constant 0.000000e+00 : f32
    %broadcast_in_dim3A_1 = vector.broadcast %broadcast_in_dim3A : f32 to vector<16xf32>
    %scan3A = arith.constant 0 : i32
    %scan3A_2 = arith.constant 0 : i32
    %scan3A_3 = arith.constant 256 : i32
    %scan3A_4 = arith.addi %scan3A_2, %scan3A_3 : i32
    %scan3A_5 = arith.constant 1 : i32
    scf.for %scan3A_810 = %scan3A_2 to %scan3A_4 step %scan3A_5  : i32 {
      %swap3A = arith.index_cast %scan3A_810 : i32 to index
      %swap3A_811 = arith.constant 0 : index
      %swap3A_812 = tpu.vector_load %arg10[%swap3A, %swap3A_811] {strides = array<i32>} : memref<256x128xf32, #tpu.memory_space<vmem>>, vector<1x16xf32>,
      %swap3A_813 = vector.shape_cast %swap3A_812 : vector<1x16xf32> to vector<16xf32>
      %swap3A_814 = vector.shape_cast %broadcast_in_dim3A_1 : vector<16xf32> to vector<1x16xf32>
      tpu.vector_store %arg10[%swap3A, %swap3A_811], %swap3A_814 {strides = array<i32>} : memref<256x128xf32, #tpu.memory_space<vmem>>, vector<1x16xf32>,
      %swap3A_815 = arith.index_cast %scan3A_810 : i32 to index
      %swap3A_816 = arith.constant 16 : index
      %swap3A_817 = tpu.vector_load %arg10[%swap3A_815, %swap3A_816] {strides = array<i32>} : memref<256x128xf32, #tpu.memory_space<vmem>>, vector<1x16xf32>,
      %swap3A_818 = vector.shape_cast %swap3A_817 : vector<1x16xf32> to vector<16xf32>
      %swap3A_819 = vector.shape_cast %broadcast_in_dim3A_1 : vector<16xf32> to vector<1x16xf32>
      tpu.vector_store %arg10[%swap3A_815, %swap3A_816], %swap3A_819 {strides = array<i32>} : memref<256x128xf32, #tpu.memory_space<vmem>>, vector<1x16xf32>,
      %swap3A_820 = arith.index_cast %scan3A_810 : i32 to index
      %swap3A_821 = arith.constant 32 : index
      %swap3A_822 = tpu.vector_load %arg10[%swap3A_820, %swap3A_821] {strides = array<i32>} : memref<256x128xf32, #tpu.memory_space<vmem>>, vector<1x16xf32>,
      %swap3A_823 = vector.shape_cast %swap3A_822 : vector<1x16xf32> to vector<16xf32>
      %swap3A_824 = vector.shape_cast %broadcast_in_dim3A_1 : vector<16xf32> to vector<1x16xf32>
      tpu.vector_store %arg10[%swap3A_820, %swap3A_821], %swap3A_824 {strides = array<i32>} : memref<256x128xf32, #tpu.memory_space<vmem>>, vector<1x16xf32>,
      %swap3A_825 = arith.index_cast %scan3A_810 : i32 to index
      %swap3A_826 = arith.constant 48 : index
      %swap3A_827 = tpu.vector_load %arg10[%swap3A_825, %swap3A_826] {strides = array<i32>} : memref<256x128xf32, #tpu.memory_space<vmem>>, vector<1x16xf32>,
      %swap3A_828 = vector.shape_cast %swap3A_827 : vector<1x16xf32> to vector<16xf32>
      %swap3A_829 = vector.shape_cast %broadcast_in_dim3A_1 : vector<16xf32> to vector<1x16xf32>
      tpu.vector_store %arg10[%swap3A_825, %swap3A_826], %swap3A_829 {strides = array<i32>} : memref<256x128xf32, #tpu.memory_space<vmem>>, vector<1x16xf32>,
      %swap3A_830 = arith.index_cast %scan3A_810 : i32 to index
      %swap3A_831 = arith.constant 64 : index
      %swap3A_832 = tpu.vector_load %arg10[%swap3A_830, %swap3A_831] {strides = array<i32>} : memref<256x128xf32, #tpu.memory_space<vmem>>, vector<1x16xf32>,
      %swap3A_833 = vector.shape_cast %swap3A_832 : vector<1x16xf32> to vector<16xf32>
      %swap3A_834 = vector.shape_cast %broadcast_in_dim3A_1 : vector<16xf32> to vector<1x16xf32>
      tpu.vector_store %arg10[%swap3A_830, %swap3A_831], %swap3A_834 {strides = array<i32>} : memref<256x128xf32, #tpu.memory_space<vmem>>, vector<1x16xf32>,
      %swap3A_835 = arith.index_cast %scan3A_810 : i32 to index
      %swap3A_836 = arith.constant 80 : index
      %swap3A_837 = tpu.vector_load %arg10[%swap3A_835, %swap3A_836] {strides = array<i32>} : memref<256x128xf32, #tpu.memory_space<vmem>>, vector<1x16xf32>,
      %swap3A_838 = vector.shape_cast %swap3A_837 : vector<1x16xf32> to vector<16xf32>
      %swap3A_839 = vector.shape_cast %broadcast_in_dim3A_1 : vector<16xf32> to vector<1x16xf32>
      tpu.vector_store %arg10[%swap3A_835, %swap3A_836], %swap3A_839 {strides = array<i32>} : memref<256x128xf32, #tpu.memory_space<vmem>>, vector<1x16xf32>,
      %swap3A_840 = arith.index_cast %scan3A_810 : i32 to index
      %swap3A_841 = arith.constant 96 : index
      %swap3A_842 = tpu.vector_load %arg10[%swap3A_840, %swap3A_841] {strides = array<i32>} : memref<256x128xf32, #tpu.memory_space<vmem>>, vector<1x16xf32>,
      %swap3A_843 = vector.shape_cast %swap3A_842 : vector<1x16xf32> to vector<16xf32>
      %swap3A_844 = vector.shape_cast %broadcast_in_dim3A_1 : vector<16xf32> to vector<1x16xf32>
      tpu.vector_store %arg10[%swap3A_840, %swap3A_841], %swap3A_844 {strides = array<i32>} : memref<256x128xf32, #tpu.memory_space<vmem>>, vector<1x16xf32>,
      %swap3A_845 = arith.index_cast %scan3A_810 : i32 to index
      %swap3A_846 = arith.constant 112 : index
      %swap3A_847 = tpu.vector_load %arg10[%swap3A_845, %swap3A_846] {strides = array<i32>} : memref<256x128xf32, #tpu.memory_space<vmem>>, vector<1x16xf32>,
      %swap3A_848 = vector.shape_cast %swap3A_847 : vector<1x16xf32> to vector<16xf32>
      %swap3A_849 = vector.shape_cast %broadcast_in_dim3A_1 : vector<16xf32> to vector<1x16xf32>
      tpu.vector_store %arg10[%swap3A_845, %swap3A_846], %swap3A_849 {strides = array<i32>} : memref<256x128xf32, #tpu.memory_space<vmem>>, vector<1x16xf32>,
    }
    %scan3A_6 = arith.constant 256 : i32
    %add3A_7 = arith.constant 0 : i32
    %add3A_8 = arith.addi %add3A, %add3A_7 : i32
    %lt3A = arith.constant 585 : i32
    %lt3A_9 = arith.cmpi slt, %add3A_8, %lt3A : i32
    %convert_element_type3A = arith.extui %lt3A_9 : i1 to i32
    %cond3A = arith.constant 0 : i32
    %cond3A_10 = arith.cmpi ne, %convert_element_type3A, %cond3A : i32
    scf.if %cond3A_10 {
      %add3A_810 = arith.constant 0 : i32
      %add3A_811 = arith.addi %add3A, %add3A_810 : i32
      %mul3A_812 = arith.constant 256 : i32
      %mul3A_813 = arith.muli %add3A_811, %mul3A_812 : i32
      %dma_start3A = arith.constant 0 : i32
      %dma_start3A_814 = tpu.memref_slice %arg5[%mul3A_813, %dma_start3A] : memref<150000x128xf32, #tpu.memory_space<hbm>> -> memref<256x128xf32, #tpu.memory_space<hbm>>
      %dma_start3A_815 = arith.constant 0 : i32
      %dma_start3A_816 = tpu.memref_slice %arg5[%mul3A_813, %dma_start3A_815] : memref<150000x128xf32, #tpu.memory_space<hbm>> -> memref<256x128xf32, #tpu.memory_space<hbm>>
      tpu.enqueue_dma source(%arg10 : memref<256x128xf32, #tpu.memory_space<vmem>>) target(%dma_start3A_816 : memref<256x128xf32, #tpu.memory_space<hbm>>) target_semaphore(%arg14 : memref<!tpu.dma_semaphore, #tpu.memory_space<semaphore_mem>>)
    } else {
    }
    %add3A_11 = arith.constant 32 : i32
    %add3A_12 = arith.addi %add3A, %add3A_11 : i32
    %lt3A_13 = arith.constant 585 : i32
    %lt3A_14 = arith.cmpi slt, %add3A_12, %lt3A_13 : i32
    %convert_element_type3A_15 = arith.extui %lt3A_14 : i1 to i32
    %cond3A_16 = arith.constant 0 : i32
    %cond3A_17 = arith.cmpi ne, %convert_element_type3A_15, %cond3A_16 : i32
    scf.if %cond3A_17 {
      %add3A_810 = arith.constant 32 : i32
      %add3A_811 = arith.addi %add3A, %add3A_810 : i32
      %mul3A_812 = arith.constant 256 : i32
      %mul3A_813 = arith.muli %add3A_811, %mul3A_812 : i32
      %dma_start3A = arith.constant 0 : i32
      %dma_start3A_814 = tpu.memref_slice %arg5[%mul3A_813, %dma_start3A] : memref<150000x128xf32, #tpu.memory_space<hbm>> -> memref<256x128xf32, #tpu.memory_space<hbm>>
      %dma_start3A_815 = arith.constant 0 : i32
      %dma_start3A_816 = tpu.memref_slice %arg5[%mul3A_813, %dma_start3A_815] : memref<150000x128xf32, #tpu.memory_space<hbm>> -> memref<256x128xf32, #tpu.memory_space<hbm>>
      tpu.enqueue_dma source(%arg10 : memref<256x128xf32, #tpu.memory_space<vmem>>) target(%dma_start3A_816 : memref<256x128xf32, #tpu.memory_space<hbm>>) target_semaphore(%arg14 : memref<!tpu.dma_semaphore, #tpu.memory_space<semaphore_mem>>)
    } else {
    }
    %add3A_18 = arith.constant 64 : i32
    %add3A_19 = arith.addi %add3A, %add3A_18 : i32
    %lt3A_20 = arith.constant 585 : i32
    %lt3A_21 = arith.cmpi slt, %add3A_19, %lt3A_20 : i32
    %convert_element_type3A_22 = arith.extui %lt3A_21 : i1 to i32
    %cond3A_23 = arith.constant 0 : i32
    %cond3A_24 = arith.cmpi ne, %convert_element_type3A_22, %cond3A_23 : i32
    scf.if %cond3A_24 {
      %add3A_810 = arith.constant 64 : i32
      %add3A_811 = arith.addi %add3A, %add3A_810 : i32
      %mul3A_812 = arith.constant 256 : i32
      %mul3A_813 = arith.muli %add3A_811, %mul3A_812 : i32
      %dma_start3A = arith.constant 0 : i32
      %dma_start3A_814 = tpu.memref_slice %arg5[%mul3A_813, %dma_start3A] : memref<150000x128xf32, #tpu.memory_space<hbm>> -> memref<256x128xf32, #tpu.memory_space<hbm>>
      %dma_start3A_815 = arith.constant 0 : i32
      %dma_start3A_816 = tpu.memref_slice %arg5[%mul3A_813, %dma_start3A_815] : memref<150000x128xf32, #tpu.memory_space<hbm>> -> memref<256x128xf32, #tpu.memory_space<hbm>>
      tpu.enqueue_dma source(%arg10 : memref<256x128xf32, #tpu.memory_space<vmem>>) target(%dma_start3A_816 : memref<256x128xf32, #tpu.memory_space<hbm>>) target_semaphore(%arg14 : memref<!tpu.dma_semaphore, #tpu.memory_space<semaphore_mem>>)
    } else {
    }
    %add3A_25 = arith.constant 96 : i32
    %add3A_26 = arith.addi %add3A, %add3A_25 : i32
    %lt3A_27 = arith.constant 585 : i32
    %lt3A_28 = arith.cmpi slt, %add3A_26, %lt3A_27 : i32
    %convert_element_type3A_29 = arith.extui %lt3A_28 : i1 to i32
    %cond3A_30 = arith.constant 0 : i32
    %cond3A_31 = arith.cmpi ne, %convert_element_type3A_29, %cond3A_30 : i32
    scf.if %cond3A_31 {
      %add3A_810 = arith.constant 96 : i32
      %add3A_811 = arith.addi %add3A, %add3A_810 : i32
      %mul3A_812 = arith.constant 256 : i32
      %mul3A_813 = arith.muli %add3A_811, %mul3A_812 : i32
      %dma_start3A = arith.constant 0 : i32
      %dma_start3A_814 = tpu.memref_slice %arg5[%mul3A_813, %dma_start3A] : memref<150000x128xf32, #tpu.memory_space<hbm>> -> memref<256x128xf32, #tpu.memory_space<hbm>>
      %dma_start3A_815 = arith.constant 0 : i32
      %dma_start3A_816 = tpu.memref_slice %arg5[%mul3A_813, %dma_start3A_815] : memref<150000x128xf32, #tpu.memory_space<hbm>> -> memref<256x128xf32, #tpu.memory_space<hbm>>
      tpu.enqueue_dma source(%arg10 : memref<256x128xf32, #tpu.memory_space<vmem>>) target(%dma_start3A_816 : memref<256x128xf32, #tpu.memory_space<hbm>>) target_semaphore(%arg14 : memref<!tpu.dma_semaphore, #tpu.memory_space<semaphore_mem>>)
    } else {
    }
    %add3A_32 = arith.constant 128 : i32
    %add3A_33 = arith.addi %add3A, %add3A_32 : i32
    %lt3A_34 = arith.constant 585 : i32
    %lt3A_35 = arith.cmpi slt, %add3A_33, %lt3A_34 : i32
    %convert_element_type3A_36 = arith.extui %lt3A_35 : i1 to i32
    %cond3A_37 = arith.constant 0 : i32
    %cond3A_38 = arith.cmpi ne, %convert_element_type3A_36, %cond3A_37 : i32
    scf.if %cond3A_38 {
      %add3A_810 = arith.constant 128 : i32
      %add3A_811 = arith.addi %add3A, %add3A_810 : i32
      %mul3A_812 = arith.constant 256 : i32
      %mul3A_813 = arith.muli %add3A_811, %mul3A_812 : i32
      %dma_start3A = arith.constant 0 : i32
      %dma_start3A_814 = tpu.memref_slice %arg5[%mul3A_813, %dma_start3A] : memref<150000x128xf32, #tpu.memory_space<hbm>> -> memref<256x128xf32, #tpu.memory_space<hbm>>
      %dma_start3A_815 = arith.constant 0 : i32
      %dma_start3A_816 = tpu.memref_slice %arg5[%mul3A_813, %dma_start3A_815] : memref<150000x128xf32, #tpu.memory_space<hbm>> -> memref<256x128xf32, #tpu.memory_space<hbm>>
      tpu.enqueue_dma source(%arg10 : memref<256x128xf32, #tpu.memory_space<vmem>>) target(%dma_start3A_816 : memref<256x128xf32, #tpu.memory_space<hbm>>) target_semaphore(%arg14 : memref<!tpu.dma_semaphore, #tpu.memory_space<semaphore_mem>>)
    } else {
    }
    %add3A_39 = arith.constant 160 : i32
    %add3A_40 = arith.addi %add3A, %add3A_39 : i32
    %lt3A_41 = arith.constant 585 : i32
    %lt3A_42 = arith.cmpi slt, %add3A_40, %lt3A_41 : i32
    %convert_element_type3A_43 = arith.extui %lt3A_42 : i1 to i32
    %cond3A_44 = arith.constant 0 : i32
    %cond3A_45 = arith.cmpi ne, %convert_element_type3A_43, %cond3A_44 : i32
    scf.if %cond3A_45 {
      %add3A_810 = arith.constant 160 : i32
      %add3A_811 = arith.addi %add3A, %add3A_810 : i32
      %mul3A_812 = arith.constant 256 : i32
      %mul3A_813 = arith.muli %add3A_811, %mul3A_812 : i32
      %dma_start3A = arith.constant 0 : i32
      %dma_start3A_814 = tpu.memref_slice %arg5[%mul3A_813, %dma_start3A] : memref<150000x128xf32, #tpu.memory_space<hbm>> -> memref<256x128xf32, #tpu.memory_space<hbm>>
      %dma_start3A_815 = arith.constant 0 : i32
      %dma_start3A_816 = tpu.memref_slice %arg5[%mul3A_813, %dma_start3A_815] : memref<150000x128xf32, #tpu.memory_space<hbm>> -> memref<256x128xf32, #tpu.memory_space<hbm>>
      tpu.enqueue_dma source(%arg10 : memref<256x128xf32, #tpu.memory_space<vmem>>) target(%dma_start3A_816 : memref<256x128xf32, #tpu.memory_space<hbm>>) target_semaphore(%arg14 : memref<!tpu.dma_semaphore, #tpu.memory_space<semaphore_mem>>)
    } else {
    }
    %add3A_46 = arith.constant 192 : i32
    %add3A_47 = arith.addi %add3A, %add3A_46 : i32
    %lt3A_48 = arith.constant 585 : i32
    %lt3A_49 = arith.cmpi slt, %add3A_47, %lt3A_48 : i32
    %convert_element_type3A_50 = arith.extui %lt3A_49 : i1 to i32
    %cond3A_51 = arith.constant 0 : i32
    %cond3A_52 = arith.cmpi ne, %convert_element_type3A_50, %cond3A_51 : i32
    scf.if %cond3A_52 {
      %add3A_810 = arith.constant 192 : i32
      %add3A_811 = arith.addi %add3A, %add3A_810 : i32
      %mul3A_812 = arith.constant 256 : i32
      %mul3A_813 = arith.muli %add3A_811, %mul3A_812 : i32
      %dma_start3A = arith.constant 0 : i32
      %dma_start3A_814 = tpu.memref_slice %arg5[%mul3A_813, %dma_start3A] : memref<150000x128xf32, #tpu.memory_space<hbm>> -> memref<256x128xf32, #tpu.memory_space<hbm>>
      %dma_start3A_815 = arith.constant 0 : i32
      %dma_start3A_816 = tpu.memref_slice %arg5[%mul3A_813, %dma_start3A_815] : memref<150000x128xf32, #tpu.memory_space<hbm>> -> memref<256x128xf32, #tpu.memory_space<hbm>>
      tpu.enqueue_dma source(%arg10 : memref<256x128xf32, #tpu.memory_space<vmem>>) target(%dma_start3A_816 : memref<256x128xf32, #tpu.memory_space<hbm>>) target_semaphore(%arg14 : memref<!tpu.dma_semaphore, #tpu.memory_space<semaphore_mem>>)
    } else {
    }
    %add3A_53 = arith.constant 224 : i32
    %add3A_54 = arith.addi %add3A, %add3A_53 : i32
    %lt3A_55 = arith.constant 585 : i32
    %lt3A_56 = arith.cmpi slt, %add3A_54, %lt3A_55 : i32
    %convert_element_type3A_57 = arith.extui %lt3A_56 : i1 to i32
    %cond3A_58 = arith.constant 0 : i32
    %cond3A_59 = arith.cmpi ne, %convert_element_type3A_57, %cond3A_58 : i32
    scf.if %cond3A_59 {
      %add3A_810 = arith.constant 224 : i32
      %add3A_811 = arith.addi %add3A, %add3A_810 : i32
      %mul3A_812 = arith.constant 256 : i32
      %mul3A_813 = arith.muli %add3A_811, %mul3A_812 : i32
      %dma_start3A = arith.constant 0 : i32
      %dma_start3A_814 = tpu.memref_slice %arg5[%mul3A_813, %dma_start3A] : memref<150000x128xf32, #tpu.memory_space<hbm>> -> memref<256x128xf32, #tpu.memory_space<hbm>>
      %dma_start3A_815 = arith.constant 0 : i32
      %dma_start3A_816 = tpu.memref_slice %arg5[%mul3A_813, %dma_start3A_815] : memref<150000x128xf32, #tpu.memory_space<hbm>> -> memref<256x128xf32, #tpu.memory_space<hbm>>
      tpu.enqueue_dma source(%arg10 : memref<256x128xf32, #tpu.memory_space<vmem>>) target(%dma_start3A_816 : memref<256x128xf32, #tpu.memory_space<hbm>>) target_semaphore(%arg14 : memref<!tpu.dma_semaphore, #tpu.memory_space<semaphore_mem>>)
    } else {
    }
    %add3A_60 = arith.constant 256 : i32
    %add3A_61 = arith.addi %add3A, %add3A_60 : i32
    %lt3A_62 = arith.constant 585 : i32
    %lt3A_63 = arith.cmpi slt, %add3A_61, %lt3A_62 : i32
    %convert_element_type3A_64 = arith.extui %lt3A_63 : i1 to i32
    %cond3A_65 = arith.constant 0 : i32
    %cond3A_66 = arith.cmpi ne, %convert_element_type3A_64, %cond3A_65 : i32
    scf.if %cond3A_66 {
      %add3A_810 = arith.constant 256 : i32
      %add3A_811 = arith.addi %add3A, %add3A_810 : i32
      %mul3A_812 = arith.constant 256 : i32
      %mul3A_813 = arith.muli %add3A_811, %mul3A_812 : i32
      %dma_start3A = arith.constant 0 : i32
      %dma_start3A_814 = tpu.memref_slice %arg5[%mul3A_813, %dma_start3A] : memref<150000x128xf32, #tpu.memory_space<hbm>> -> memref<256x128xf32, #tpu.memory_space<hbm>>
      %dma_start3A_815 = arith.constant 0 : i32
      %dma_start3A_816 = tpu.memref_slice %arg5[%mul3A_813, %dma_start3A_815] : memref<150000x128xf32, #tpu.memory_space<hbm>> -> memref<256x128xf32, #tpu.memory_space<hbm>>
      tpu.enqueue_dma source(%arg10 : memref<256x128xf32, #tpu.memory_space<vmem>>) target(%dma_start3A_816 : memref<256x128xf32, #tpu.memory_space<hbm>>) target_semaphore(%arg14 : memref<!tpu.dma_semaphore, #tpu.memory_space<semaphore_mem>>)
    } else {
    }
    %add3A_67 = arith.constant 288 : i32
    %add3A_68 = arith.addi %add3A, %add3A_67 : i32
    %lt3A_69 = arith.constant 585 : i32
    %lt3A_70 = arith.cmpi slt, %add3A_68, %lt3A_69 : i32
    %convert_element_type3A_71 = arith.extui %lt3A_70 : i1 to i32
    %cond3A_72 = arith.constant 0 : i32
    %cond3A_73 = arith.cmpi ne, %convert_element_type3A_71, %cond3A_72 : i32
    scf.if %cond3A_73 {
      %add3A_810 = arith.constant 288 : i32
      %add3A_811 = arith.addi %add3A, %add3A_810 : i32
      %mul3A_812 = arith.constant 256 : i32
      %mul3A_813 = arith.muli %add3A_811, %mul3A_812 : i32
      %dma_start3A = arith.constant 0 : i32
      %dma_start3A_814 = tpu.memref_slice %arg5[%mul3A_813, %dma_start3A] : memref<150000x128xf32, #tpu.memory_space<hbm>> -> memref<256x128xf32, #tpu.memory_space<hbm>>
      %dma_start3A_815 = arith.constant 0 : i32
      %dma_start3A_816 = tpu.memref_slice %arg5[%mul3A_813, %dma_start3A_815] : memref<150000x128xf32, #tpu.memory_space<hbm>> -> memref<256x128xf32, #tpu.memory_space<hbm>>
      tpu.enqueue_dma source(%arg10 : memref<256x128xf32, #tpu.memory_space<vmem>>) target(%dma_start3A_816 : memref<256x128xf32, #tpu.memory_space<hbm>>) target_semaphore(%arg14 : memref<!tpu.dma_semaphore, #tpu.memory_space<semaphore_mem>>)
    } else {
    }
    %add3A_74 = arith.constant 320 : i32
    %add3A_75 = arith.addi %add3A, %add3A_74 : i32
    %lt3A_76 = arith.constant 585 : i32
    %lt3A_77 = arith.cmpi slt, %add3A_75, %lt3A_76 : i32
    %convert_element_type3A_78 = arith.extui %lt3A_77 : i1 to i32
    %cond3A_79 = arith.constant 0 : i32
    %cond3A_80 = arith.cmpi ne, %convert_element_type3A_78, %cond3A_79 : i32
    scf.if %cond3A_80 {
      %add3A_810 = arith.constant 320 : i32
      %add3A_811 = arith.addi %add3A, %add3A_810 : i32
      %mul3A_812 = arith.constant 256 : i32
      %mul3A_813 = arith.muli %add3A_811, %mul3A_812 : i32
      %dma_start3A = arith.constant 0 : i32
      %dma_start3A_814 = tpu.memref_slice %arg5[%mul3A_813, %dma_start3A] : memref<150000x128xf32, #tpu.memory_space<hbm>> -> memref<256x128xf32, #tpu.memory_space<hbm>>
      %dma_start3A_815 = arith.constant 0 : i32
      %dma_start3A_816 = tpu.memref_slice %arg5[%mul3A_813, %dma_start3A_815] : memref<150000x128xf32, #tpu.memory_space<hbm>> -> memref<256x128xf32, #tpu.memory_space<hbm>>
      tpu.enqueue_dma source(%arg10 : memref<256x128xf32, #tpu.memory_space<vmem>>) target(%dma_start3A_816 : memref<256x128xf32, #tpu.memory_space<hbm>>) target_semaphore(%arg14 : memref<!tpu.dma_semaphore, #tpu.memory_space<semaphore_mem>>)
    } else {
    }
    %add3A_81 = arith.constant 352 : i32
    %add3A_82 = arith.addi %add3A, %add3A_81 : i32
    %lt3A_83 = arith.constant 585 : i32
    %lt3A_84 = arith.cmpi slt, %add3A_82, %lt3A_83 : i32
    %convert_element_type3A_85 = arith.extui %lt3A_84 : i1 to i32
    %cond3A_86 = arith.constant 0 : i32
    %cond3A_87 = arith.cmpi ne, %convert_element_type3A_85, %cond3A_86 : i32
    scf.if %cond3A_87 {
      %add3A_810 = arith.constant 352 : i32
      %add3A_811 = arith.addi %add3A, %add3A_810 : i32
      %mul3A_812 = arith.constant 256 : i32
      %mul3A_813 = arith.muli %add3A_811, %mul3A_812 : i32
      %dma_start3A = arith.constant 0 : i32
      %dma_start3A_814 = tpu.memref_slice %arg5[%mul3A_813, %dma_start3A] : memref<150000x128xf32, #tpu.memory_space<hbm>> -> memref<256x128xf32, #tpu.memory_space<hbm>>
      %dma_start3A_815 = arith.constant 0 : i32
      %dma_start3A_816 = tpu.memref_slice %arg5[%mul3A_813, %dma_start3A_815] : memref<150000x128xf32, #tpu.memory_space<hbm>> -> memref<256x128xf32, #tpu.memory_space<hbm>>
      tpu.enqueue_dma source(%arg10 : memref<256x128xf32, #tpu.memory_space<vmem>>) target(%dma_start3A_816 : memref<256x128xf32, #tpu.memory_space<hbm>>) target_semaphore(%arg14 : memref<!tpu.dma_semaphore, #tpu.memory_space<semaphore_mem>>)
    } else {
    }
    %add3A_88 = arith.constant 384 : i32
    %add3A_89 = arith.addi %add3A, %add3A_88 : i32
    %lt3A_90 = arith.constant 585 : i32
    %lt3A_91 = arith.cmpi slt, %add3A_89, %lt3A_90 : i32
    %convert_element_type3A_92 = arith.extui %lt3A_91 : i1 to i32
    %cond3A_93 = arith.constant 0 : i32
    %cond3A_94 = arith.cmpi ne, %convert_element_type3A_92, %cond3A_93 : i32
    scf.if %cond3A_94 {
      %add3A_810 = arith.constant 384 : i32
      %add3A_811 = arith.addi %add3A, %add3A_810 : i32
      %mul3A_812 = arith.constant 256 : i32
      %mul3A_813 = arith.muli %add3A_811, %mul3A_812 : i32
      %dma_start3A = arith.constant 0 : i32
      %dma_start3A_814 = tpu.memref_slice %arg5[%mul3A_813, %dma_start3A] : memref<150000x128xf32, #tpu.memory_space<hbm>> -> memref<256x128xf32, #tpu.memory_space<hbm>>
      %dma_start3A_815 = arith.constant 0 : i32
      %dma_start3A_816 = tpu.memref_slice %arg5[%mul3A_813, %dma_start3A_815] : memref<150000x128xf32, #tpu.memory_space<hbm>> -> memref<256x128xf32, #tpu.memory_space<hbm>>
      tpu.enqueue_dma source(%arg10 : memref<256x128xf32, #tpu.memory_space<vmem>>) target(%dma_start3A_816 : memref<256x128xf32, #tpu.memory_space<hbm>>) target_semaphore(%arg14 : memref<!tpu.dma_semaphore, #tpu.memory_space<semaphore_mem>>)
    } else {
    }
    %add3A_95 = arith.constant 416 : i32
    %add3A_96 = arith.addi %add3A, %add3A_95 : i32
    %lt3A_97 = arith.constant 585 : i32
    %lt3A_98 = arith.cmpi slt, %add3A_96, %lt3A_97 : i32
    %convert_element_type3A_99 = arith.extui %lt3A_98 : i1 to i32
    %cond3A_100 = arith.constant 0 : i32
    %cond3A_101 = arith.cmpi ne, %convert_element_type3A_99, %cond3A_100 : i32
    scf.if %cond3A_101 {
      %add3A_810 = arith.constant 416 : i32
      %add3A_811 = arith.addi %add3A, %add3A_810 : i32
      %mul3A_812 = arith.constant 256 : i32
      %mul3A_813 = arith.muli %add3A_811, %mul3A_812 : i32
      %dma_start3A = arith.constant 0 : i32
      %dma_start3A_814 = tpu.memref_slice %arg5[%mul3A_813, %dma_start3A] : memref<150000x128xf32, #tpu.memory_space<hbm>> -> memref<256x128xf32, #tpu.memory_space<hbm>>
      %dma_start3A_815 = arith.constant 0 : i32
      %dma_start3A_816 = tpu.memref_slice %arg5[%mul3A_813, %dma_start3A_815] : memref<150000x128xf32, #tpu.memory_space<hbm>> -> memref<256x128xf32, #tpu.memory_space<hbm>>
      tpu.enqueue_dma source(%arg10 : memref<256x128xf32, #tpu.memory_space<vmem>>) target(%dma_start3A_816 : memref<256x128xf32, #tpu.memory_space<hbm>>) target_semaphore(%arg14 : memref<!tpu.dma_semaphore, #tpu.memory_space<semaphore_mem>>)
    } else {
    }
    %add3A_102 = arith.constant 448 : i32
    %add3A_103 = arith.addi %add3A, %add3A_102 : i32
    %lt3A_104 = arith.constant 585 : i32
    %lt3A_105 = arith.cmpi slt, %add3A_103, %lt3A_104 : i32
    %convert_element_type3A_106 = arith.extui %lt3A_105 : i1 to i32
    %cond3A_107 = arith.constant 0 : i32
    %cond3A_108 = arith.cmpi ne, %convert_element_type3A_106, %cond3A_107 : i32
    scf.if %cond3A_108 {
      %add3A_810 = arith.constant 448 : i32
      %add3A_811 = arith.addi %add3A, %add3A_810 : i32
      %mul3A_812 = arith.constant 256 : i32
      %mul3A_813 = arith.muli %add3A_811, %mul3A_812 : i32
      %dma_start3A = arith.constant 0 : i32
      %dma_start3A_814 = tpu.memref_slice %arg5[%mul3A_813, %dma_start3A] : memref<150000x128xf32, #tpu.memory_space<hbm>> -> memref<256x128xf32, #tpu.memory_space<hbm>>
      %dma_start3A_815 = arith.constant 0 : i32
      %dma_start3A_816 = tpu.memref_slice %arg5[%mul3A_813, %dma_start3A_815] : memref<150000x128xf32, #tpu.memory_space<hbm>> -> memref<256x128xf32, #tpu.memory_space<hbm>>
      tpu.enqueue_dma source(%arg10 : memref<256x128xf32, #tpu.memory_space<vmem>>) target(%dma_start3A_816 : memref<256x128xf32, #tpu.memory_space<hbm>>) target_semaphore(%arg14 : memref<!tpu.dma_semaphore, #tpu.memory_space<semaphore_mem>>)
    } else {
    }
    %add3A_109 = arith.constant 480 : i32
    %add3A_110 = arith.addi %add3A, %add3A_109 : i32
    %lt3A_111 = arith.constant 585 : i32
    %lt3A_112 = arith.cmpi slt, %add3A_110, %lt3A_111 : i32
    %convert_element_type3A_113 = arith.extui %lt3A_112 : i1 to i32
    %cond3A_114 = arith.constant 0 : i32
    %cond3A_115 = arith.cmpi ne, %convert_element_type3A_113, %cond3A_114 : i32
    scf.if %cond3A_115 {
      %add3A_810 = arith.constant 480 : i32
      %add3A_811 = arith.addi %add3A, %add3A_810 : i32
      %mul3A_812 = arith.constant 256 : i32
      %mul3A_813 = arith.muli %add3A_811, %mul3A_812 : i32
      %dma_start3A = arith.constant 0 : i32
      %dma_start3A_814 = tpu.memref_slice %arg5[%mul3A_813, %dma_start3A] : memref<150000x128xf32, #tpu.memory_space<hbm>> -> memref<256x128xf32, #tpu.memory_space<hbm>>
      %dma_start3A_815 = arith.constant 0 : i32
      %dma_start3A_816 = tpu.memref_slice %arg5[%mul3A_813, %dma_start3A_815] : memref<150000x128xf32, #tpu.memory_space<hbm>> -> memref<256x128xf32, #tpu.memory_space<hbm>>
      tpu.enqueue_dma source(%arg10 : memref<256x128xf32, #tpu.memory_space<vmem>>) target(%dma_start3A_816 : memref<256x128xf32, #tpu.memory_space<hbm>>) target_semaphore(%arg14 : memref<!tpu.dma_semaphore, #tpu.memory_space<semaphore_mem>>)
    } else {
    }
    %add3A_116 = arith.constant 512 : i32
    %add3A_117 = arith.addi %add3A, %add3A_116 : i32
    %lt3A_118 = arith.constant 585 : i32
    %lt3A_119 = arith.cmpi slt, %add3A_117, %lt3A_118 : i32
    %convert_element_type3A_120 = arith.extui %lt3A_119 : i1 to i32
    %cond3A_121 = arith.constant 0 : i32
    %cond3A_122 = arith.cmpi ne, %convert_element_type3A_120, %cond3A_121 : i32
    scf.if %cond3A_122 {
      %add3A_810 = arith.constant 512 : i32
      %add3A_811 = arith.addi %add3A, %add3A_810 : i32
      %mul3A_812 = arith.constant 256 : i32
      %mul3A_813 = arith.muli %add3A_811, %mul3A_812 : i32
      %dma_start3A = arith.constant 0 : i32
      %dma_start3A_814 = tpu.memref_slice %arg5[%mul3A_813, %dma_start3A] : memref<150000x128xf32, #tpu.memory_space<hbm>> -> memref<256x128xf32, #tpu.memory_space<hbm>>
      %dma_start3A_815 = arith.constant 0 : i32
      %dma_start3A_816 = tpu.memref_slice %arg5[%mul3A_813, %dma_start3A_815] : memref<150000x128xf32, #tpu.memory_space<hbm>> -> memref<256x128xf32, #tpu.memory_space<hbm>>
      tpu.enqueue_dma source(%arg10 : memref<256x128xf32, #tpu.memory_space<vmem>>) target(%dma_start3A_816 : memref<256x128xf32, #tpu.memory_space<hbm>>) target_semaphore(%arg14 : memref<!tpu.dma_semaphore, #tpu.memory_space<semaphore_mem>>)
    } else {
    }
    %add3A_123 = arith.constant 544 : i32
    %add3A_124 = arith.addi %add3A, %add3A_123 : i32
    %lt3A_125 = arith.constant 585 : i32
    %lt3A_126 = arith.cmpi slt, %add3A_124, %lt3A_125 : i32
    %convert_element_type3A_127 = arith.extui %lt3A_126 : i1 to i32
    %cond3A_128 = arith.constant 0 : i32
    %cond3A_129 = arith.cmpi ne, %convert_element_type3A_127, %cond3A_128 : i32
    scf.if %cond3A_129 {
      %add3A_810 = arith.constant 544 : i32
      %add3A_811 = arith.addi %add3A, %add3A_810 : i32
      %mul3A_812 = arith.constant 256 : i32
      %mul3A_813 = arith.muli %add3A_811, %mul3A_812 : i32
      %dma_start3A = arith.constant 0 : i32
      %dma_start3A_814 = tpu.memref_slice %arg5[%mul3A_813, %dma_start3A] : memref<150000x128xf32, #tpu.memory_space<hbm>> -> memref<256x128xf32, #tpu.memory_space<hbm>>
      %dma_start3A_815 = arith.constant 0 : i32
      %dma_start3A_816 = tpu.memref_slice %arg5[%mul3A_813, %dma_start3A_815] : memref<150000x128xf32, #tpu.memory_space<hbm>> -> memref<256x128xf32, #tpu.memory_space<hbm>>
      tpu.enqueue_dma source(%arg10 : memref<256x128xf32, #tpu.memory_space<vmem>>) target(%dma_start3A_816 : memref<256x128xf32, #tpu.memory_space<hbm>>) target_semaphore(%arg14 : memref<!tpu.dma_semaphore, #tpu.memory_space<semaphore_mem>>)
    } else {
    }
    %add3A_130 = arith.constant 576 : i32
    %add3A_131 = arith.addi %add3A, %add3A_130 : i32
    %lt3A_132 = arith.constant 585 : i32
    %lt3A_133 = arith.cmpi slt, %add3A_131, %lt3A_132 : i32
    %convert_element_type3A_134 = arith.extui %lt3A_133 : i1 to i32
    %cond3A_135 = arith.constant 0 : i32
    %cond3A_136 = arith.cmpi ne, %convert_element_type3A_134, %cond3A_135 : i32
    scf.if %cond3A_136 {
      %add3A_810 = arith.constant 576 : i32
      %add3A_811 = arith.addi %add3A, %add3A_810 : i32
      %mul3A_812 = arith.constant 256 : i32
      %mul3A_813 = arith.muli %add3A_811, %mul3A_812 : i32
      %dma_start3A = arith.constant 0 : i32
      %dma_start3A_814 = tpu.memref_slice %arg5[%mul3A_813, %dma_start3A] : memref<150000x128xf32, #tpu.memory_space<hbm>> -> memref<256x128xf32, #tpu.memory_space<hbm>>
      %dma_start3A_815 = arith.constant 0 : i32
      %dma_start3A_816 = tpu.memref_slice %arg5[%mul3A_813, %dma_start3A_815] : memref<150000x128xf32, #tpu.memory_space<hbm>> -> memref<256x128xf32, #tpu.memory_space<hbm>>
      tpu.enqueue_dma source(%arg10 : memref<256x128xf32, #tpu.memory_space<vmem>>) target(%dma_start3A_816 : memref<256x128xf32, #tpu.memory_space<hbm>>) target_semaphore(%arg14 : memref<!tpu.dma_semaphore, #tpu.memory_space<semaphore_mem>>)
    } else {
    }
    %eq3A = arith.constant 9 : i32
    %eq3A_137 = arith.cmpi eq, %add3A, %eq3A : i32
    %convert_element_type3A_138 = arith.extui %eq3A_137 : i1 to i32
    %cond3A_139 = arith.constant 0 : i32
    %cond3A_140 = arith.cmpi ne, %convert_element_type3A_138, %cond3A_139 : i32
    scf.if %cond3A_140 {
      %dma_start3A = arith.constant 0 : i32
      %dma_start3A_810 = arith.constant 0 : i32
      %dma_start3A_811 = tpu.memref_slice %arg10[%dma_start3A, %dma_start3A_810] : memref<256x128xf32, #tpu.memory_space<vmem>> -> memref<240x128xf32, #tpu.memory_space<vmem>>
      %dma_start3A_812 = arith.constant 149760 : i32
      %dma_start3A_813 = arith.constant 0 : i32
      %dma_start3A_814 = tpu.memref_slice %arg5[%dma_start3A_812, %dma_start3A_813] : memref<150000x128xf32, #tpu.memory_space<hbm>> -> memref<240x128xf32, #tpu.memory_space<hbm>>
      %dma_start3A_815 = arith.constant 149760 : i32
      %dma_start3A_816 = arith.constant 0 : i32
      %dma_start3A_817 = tpu.memref_slice %arg5[%dma_start3A_815, %dma_start3A_816] : memref<150000x128xf32, #tpu.memory_space<hbm>> -> memref<240x128xf32, #tpu.memory_space<hbm>>
      %dma_start3A_818 = arith.constant 0 : i32
      %dma_start3A_819 = arith.constant 0 : i32
      %dma_start3A_820 = tpu.memref_slice %arg10[%dma_start3A_818, %dma_start3A_819] : memref<256x128xf32, #tpu.memory_space<vmem>> -> memref<240x128xf32, #tpu.memory_space<vmem>>
      tpu.enqueue_dma source(%dma_start3A_820 : memref<240x128xf32, #tpu.memory_space<vmem>>) target(%dma_start3A_817 : memref<240x128xf32, #tpu.memory_space<hbm>>) target_semaphore(%arg14 : memref<!tpu.dma_semaphore, #tpu.memory_space<semaphore_mem>>)
    } else {
    }
    %eq3A_141 = arith.constant 0 : i32
    %eq3A_142 = arith.cmpi eq, %arg1, %eq3A_141 : i32
    %convert_element_type3A_143 = arith.extui %eq3A_142 : i1 to i32
    %cond3A_144 = arith.constant 0 : i32
    %cond3A_145 = arith.cmpi ne, %convert_element_type3A_143, %cond3A_144 : i32
    scf.if %cond3A_145 {
      "tpu.region"() ({
        %run_scoped3A = tpu.sem_alloc : memref<!tpu.dma_semaphore, #tpu.memory_space<semaphore_mem>>
        tpu.enqueue_dma source(%arg3 : memref<87x128xf32, #tpu.memory_space<hbm>>) target(%arg11 : memref<87x128xf32, #tpu.memory_space<vmem_shared>>) target_semaphore(%run_scoped3A : memref<!tpu.dma_semaphore, #tpu.memory_space<semaphore_mem>>)
        tpu.wait_dma2 semaphore(%run_scoped3A : memref<!tpu.dma_semaphore, #tpu.memory_space<semaphore_mem>>) src(%arg3 : memref<87x128xf32, #tpu.memory_space<hbm>>) dst(%arg11 : memref<87x128xf32, #tpu.memory_space<vmem_shared>>)
        tpu.yield
      }) : () -> ()
    } else {
    }
    %add3A_146 = arith.constant 0 : i32
    %add3A_147 = arith.addi %add3A, %add3A_146 : i32
    %lt3A_148 = arith.constant 390 : i32
    %lt3A_149 = arith.cmpi slt, %add3A_147, %lt3A_148 : i32
    %convert_element_type3A_150 = arith.extui %lt3A_149 : i1 to i32
    %cond3A_151 = arith.constant 0 : i32
    %cond3A_152 = arith.cmpi ne, %convert_element_type3A_150, %cond3A_151 : i32
    scf.if %cond3A_152 {
      %mul3A_810 = arith.constant 128 : i32
      %mul3A_811 = arith.muli %add3A_147, %mul3A_810 : i32
      %dma_start3A = arith.constant 0 : i32
      %dma_start3A_812 = arith.constant 0 : i32
      %dma_start3A_813 = tpu.memref_slice %arg6[%dma_start3A, %dma_start3A_812] : memref<13x128xi32, #tpu.memory_space<vmem>> -> memref<1x128xi32, #tpu.memory_space<vmem>>
      %dma_start3A_814 = tpu.memref_squeeze %dma_start3A_813 : memref<1x128xi32, #tpu.memory_space<vmem>> -> memref<128xi32, #tpu.memory_space<vmem>>
      %dma_start3A_815 = tpu.memref_slice %arg2[%mul3A_811] : memref<50000xi32, #tpu.memory_space<hbm>> -> memref<128xi32, #tpu.memory_space<hbm>>
      %dma_start3A_816 = arith.constant 0 : i32
      %dma_start3A_817 = tpu.memref_slice %arg6[%dma_start3A, %dma_start3A_816] : memref<13x128xi32, #tpu.memory_space<vmem>> -> memref<1x128xi32, #tpu.memory_space<vmem>>
      %dma_start3A_818 = tpu.memref_squeeze %dma_start3A_817 : memref<1x128xi32, #tpu.memory_space<vmem>> -> memref<128xi32, #tpu.memory_space<vmem>>
      %dma_start3A_819 = tpu.memref_slice %arg2[%mul3A_811] : memref<50000xi32, #tpu.memory_space<hbm>> -> memref<128xi32, #tpu.memory_space<hbm>>
      tpu.enqueue_dma source(%dma_start3A_819 : memref<128xi32, #tpu.memory_space<hbm>>) target(%dma_start3A_818 : memref<128xi32, #tpu.memory_space<vmem>>) target_semaphore(%arg12 : memref<!tpu.dma_semaphore, #tpu.memory_space<semaphore_mem>>)
    } else {
    }
    %add3A_153 = arith.constant 32 : i32
    %add3A_154 = arith.addi %add3A, %add3A_153 : i32
    %lt3A_155 = arith.constant 390 : i32
    %lt3A_156 = arith.cmpi slt, %add3A_154, %lt3A_155 : i32
    %convert_element_type3A_157 = arith.extui %lt3A_156 : i1 to i32
    %cond3A_158 = arith.constant 0 : i32
    %cond3A_159 = arith.cmpi ne, %convert_element_type3A_157, %cond3A_158 : i32
    scf.if %cond3A_159 {
      %mul3A_810 = arith.constant 128 : i32
      %mul3A_811 = arith.muli %add3A_154, %mul3A_810 : i32
      %dma_start3A = arith.constant 1 : i32
      %dma_start3A_812 = arith.constant 0 : i32
      %dma_start3A_813 = tpu.memref_slice %arg6[%dma_start3A, %dma_start3A_812] : memref<13x128xi32, #tpu.memory_space<vmem>> -> memref<1x128xi32, #tpu.memory_space<vmem>>
      %dma_start3A_814 = tpu.memref_squeeze %dma_start3A_813 : memref<1x128xi32, #tpu.memory_space<vmem>> -> memref<128xi32, #tpu.memory_space<vmem>>
      %dma_start3A_815 = tpu.memref_slice %arg2[%mul3A_811] : memref<50000xi32, #tpu.memory_space<hbm>> -> memref<128xi32, #tpu.memory_space<hbm>>
      %dma_start3A_816 = arith.constant 0 : i32
      %dma_start3A_817 = tpu.memref_slice %arg6[%dma_start3A, %dma_start3A_816] : memref<13x128xi32, #tpu.memory_space<vmem>> -> memref<1x128xi32, #tpu.memory_space<vmem>>
      %dma_start3A_818 = tpu.memref_squeeze %dma_start3A_817 : memref<1x128xi32, #tpu.memory_space<vmem>> -> memref<128xi32, #tpu.memory_space<vmem>>
      %dma_start3A_819 = tpu.memref_slice %arg2[%mul3A_811] : memref<50000xi32, #tpu.memory_space<hbm>> -> memref<128xi32, #tpu.memory_space<hbm>>
      tpu.enqueue_dma source(%dma_start3A_819 : memref<128xi32, #tpu.memory_space<hbm>>) target(%dma_start3A_818 : memref<128xi32, #tpu.memory_space<vmem>>) target_semaphore(%arg12 : memref<!tpu.dma_semaphore, #tpu.memory_space<semaphore_mem>>)
    } else {
    }
    %add3A_160 = arith.constant 64 : i32
    %add3A_161 = arith.addi %add3A, %add3A_160 : i32
    %lt3A_162 = arith.constant 390 : i32
    %lt3A_163 = arith.cmpi slt, %add3A_161, %lt3A_162 : i32
    %convert_element_type3A_164 = arith.extui %lt3A_163 : i1 to i32
    %cond3A_165 = arith.constant 0 : i32
    %cond3A_166 = arith.cmpi ne, %convert_element_type3A_164, %cond3A_165 : i32
    scf.if %cond3A_166 {
      %mul3A_810 = arith.constant 128 : i32
      %mul3A_811 = arith.muli %add3A_161, %mul3A_810 : i32
      %dma_start3A = arith.constant 2 : i32
      %dma_start3A_812 = arith.constant 0 : i32
      %dma_start3A_813 = tpu.memref_slice %arg6[%dma_start3A, %dma_start3A_812] : memref<13x128xi32, #tpu.memory_space<vmem>> -> memref<1x128xi32, #tpu.memory_space<vmem>>
      %dma_start3A_814 = tpu.memref_squeeze %dma_start3A_813 : memref<1x128xi32, #tpu.memory_space<vmem>> -> memref<128xi32, #tpu.memory_space<vmem>>
      %dma_start3A_815 = tpu.memref_slice %arg2[%mul3A_811] : memref<50000xi32, #tpu.memory_space<hbm>> -> memref<128xi32, #tpu.memory_space<hbm>>
      %dma_start3A_816 = arith.constant 0 : i32
      %dma_start3A_817 = tpu.memref_slice %arg6[%dma_start3A, %dma_start3A_816] : memref<13x128xi32, #tpu.memory_space<vmem>> -> memref<1x128xi32, #tpu.memory_space<vmem>>
      %dma_start3A_818 = tpu.memref_squeeze %dma_start3A_817 : memref<1x128xi32, #tpu.memory_space<vmem>> -> memref<128xi32, #tpu.memory_space<vmem>>
      %dma_start3A_819 = tpu.memref_slice %arg2[%mul3A_811] : memref<50000xi32, #tpu.memory_space<hbm>> -> memref<128xi32, #tpu.memory_space<hbm>>
      tpu.enqueue_dma source(%dma_start3A_819 : memref<128xi32, #tpu.memory_space<hbm>>) target(%dma_start3A_818 : memref<128xi32, #tpu.memory_space<vmem>>) target_semaphore(%arg12 : memref<!tpu.dma_semaphore, #tpu.memory_space<semaphore_mem>>)
    } else {
    }
    %add3A_167 = arith.constant 96 : i32
    %add3A_168 = arith.addi %add3A, %add3A_167 : i32
    %lt3A_169 = arith.constant 390 : i32
    %lt3A_170 = arith.cmpi slt, %add3A_168, %lt3A_169 : i32
    %convert_element_type3A_171 = arith.extui %lt3A_170 : i1 to i32
    %cond3A_172 = arith.constant 0 : i32
    %cond3A_173 = arith.cmpi ne, %convert_element_type3A_171, %cond3A_172 : i32
    scf.if %cond3A_173 {
      %mul3A_810 = arith.constant 128 : i32
      %mul3A_811 = arith.muli %add3A_168, %mul3A_810 : i32
      %dma_start3A = arith.constant 3 : i32
      %dma_start3A_812 = arith.constant 0 : i32
      %dma_start3A_813 = tpu.memref_slice %arg6[%dma_start3A, %dma_start3A_812] : memref<13x128xi32, #tpu.memory_space<vmem>> -> memref<1x128xi32, #tpu.memory_space<vmem>>
      %dma_start3A_814 = tpu.memref_squeeze %dma_start3A_813 : memref<1x128xi32, #tpu.memory_space<vmem>> -> memref<128xi32, #tpu.memory_space<vmem>>
      %dma_start3A_815 = tpu.memref_slice %arg2[%mul3A_811] : memref<50000xi32, #tpu.memory_space<hbm>> -> memref<128xi32, #tpu.memory_space<hbm>>
      %dma_start3A_816 = arith.constant 0 : i32
      %dma_start3A_817 = tpu.memref_slice %arg6[%dma_start3A, %dma_start3A_816] : memref<13x128xi32, #tpu.memory_space<vmem>> -> memref<1x128xi32, #tpu.memory_space<vmem>>
      %dma_start3A_818 = tpu.memref_squeeze %dma_start3A_817 : memref<1x128xi32, #tpu.memory_space<vmem>> -> memref<128xi32, #tpu.memory_space<vmem>>
      %dma_start3A_819 = tpu.memref_slice %arg2[%mul3A_811] : memref<50000xi32, #tpu.memory_space<hbm>> -> memref<128xi32, #tpu.memory_space<hbm>>
      tpu.enqueue_dma source(%dma_start3A_819 : memref<128xi32, #tpu.memory_space<hbm>>) target(%dma_start3A_818 : memref<128xi32, #tpu.memory_space<vmem>>) target_semaphore(%arg12 : memref<!tpu.dma_semaphore, #tpu.memory_space<semaphore_mem>>)
    } else {
    }
    %add3A_174 = arith.constant 128 : i32
    %add3A_175 = arith.addi %add3A, %add3A_174 : i32
    %lt3A_176 = arith.constant 390 : i32
    %lt3A_177 = arith.cmpi slt, %add3A_175, %lt3A_176 : i32
    %convert_element_type3A_178 = arith.extui %lt3A_177 : i1 to i32
    %cond3A_179 = arith.constant 0 : i32
    %cond3A_180 = arith.cmpi ne, %convert_element_type3A_178, %cond3A_179 : i32
    scf.if %cond3A_180 {
      %mul3A_810 = arith.constant 128 : i32
      %mul3A_811 = arith.muli %add3A_175, %mul3A_810 : i32
      %dma_start3A = arith.constant 4 : i32
      %dma_start3A_812 = arith.constant 0 : i32
      %dma_start3A_813 = tpu.memref_slice %arg6[%dma_start3A, %dma_start3A_812] : memref<13x128xi32, #tpu.memory_space<vmem>> -> memref<1x128xi32, #tpu.memory_space<vmem>>
      %dma_start3A_814 = tpu.memref_squeeze %dma_start3A_813 : memref<1x128xi32, #tpu.memory_space<vmem>> -> memref<128xi32, #tpu.memory_space<vmem>>
      %dma_start3A_815 = tpu.memref_slice %arg2[%mul3A_811] : memref<50000xi32, #tpu.memory_space<hbm>> -> memref<128xi32, #tpu.memory_space<hbm>>
      %dma_start3A_816 = arith.constant 0 : i32
      %dma_start3A_817 = tpu.memref_slice %arg6[%dma_start3A, %dma_start3A_816] : memref<13x128xi32, #tpu.memory_space<vmem>> -> memref<1x128xi32, #tpu.memory_space<vmem>>
      %dma_start3A_818 = tpu.memref_squeeze %dma_start3A_817 : memref<1x128xi32, #tpu.memory_space<vmem>> -> memref<128xi32, #tpu.memory_space<vmem>>
      %dma_start3A_819 = tpu.memref_slice %arg2[%mul3A_811] : memref<50000xi32, #tpu.memory_space<hbm>> -> memref<128xi32, #tpu.memory_space<hbm>>
      tpu.enqueue_dma source(%dma_start3A_819 : memref<128xi32, #tpu.memory_space<hbm>>) target(%dma_start3A_818 : memref<128xi32, #tpu.memory_space<vmem>>) target_semaphore(%arg12 : memref<!tpu.dma_semaphore, #tpu.memory_space<semaphore_mem>>)
    } else {
    }
    %add3A_181 = arith.constant 160 : i32
    %add3A_182 = arith.addi %add3A, %add3A_181 : i32
    %lt3A_183 = arith.constant 390 : i32
    %lt3A_184 = arith.cmpi slt, %add3A_182, %lt3A_183 : i32
    %convert_element_type3A_185 = arith.extui %lt3A_184 : i1 to i32
    %cond3A_186 = arith.constant 0 : i32
    %cond3A_187 = arith.cmpi ne, %convert_element_type3A_185, %cond3A_186 : i32
    scf.if %cond3A_187 {
      %mul3A_810 = arith.constant 128 : i32
      %mul3A_811 = arith.muli %add3A_182, %mul3A_810 : i32
      %dma_start3A = arith.constant 5 : i32
      %dma_start3A_812 = arith.constant 0 : i32
      %dma_start3A_813 = tpu.memref_slice %arg6[%dma_start3A, %dma_start3A_812] : memref<13x128xi32, #tpu.memory_space<vmem>> -> memref<1x128xi32, #tpu.memory_space<vmem>>
      %dma_start3A_814 = tpu.memref_squeeze %dma_start3A_813 : memref<1x128xi32, #tpu.memory_space<vmem>> -> memref<128xi32, #tpu.memory_space<vmem>>
      %dma_start3A_815 = tpu.memref_slice %arg2[%mul3A_811] : memref<50000xi32, #tpu.memory_space<hbm>> -> memref<128xi32, #tpu.memory_space<hbm>>
      %dma_start3A_816 = arith.constant 0 : i32
      %dma_start3A_817 = tpu.memref_slice %arg6[%dma_start3A, %dma_start3A_816] : memref<13x128xi32, #tpu.memory_space<vmem>> -> memref<1x128xi32, #tpu.memory_space<vmem>>
      %dma_start3A_818 = tpu.memref_squeeze %dma_start3A_817 : memref<1x128xi32, #tpu.memory_space<vmem>> -> memref<128xi32, #tpu.memory_space<vmem>>
      %dma_start3A_819 = tpu.memref_slice %arg2[%mul3A_811] : memref<50000xi32, #tpu.memory_space<hbm>> -> memref<128xi32, #tpu.memory_space<hbm>>
      tpu.enqueue_dma source(%dma_start3A_819 : memref<128xi32, #tpu.memory_space<hbm>>) target(%dma_start3A_818 : memref<128xi32, #tpu.memory_space<vmem>>) target_semaphore(%arg12 : memref<!tpu.dma_semaphore, #tpu.memory_space<semaphore_mem>>)
    } else {
    }
    %add3A_188 = arith.constant 192 : i32
    %add3A_189 = arith.addi %add3A, %add3A_188 : i32
    %lt3A_190 = arith.constant 390 : i32
    %lt3A_191 = arith.cmpi slt, %add3A_189, %lt3A_190 : i32
    %convert_element_type3A_192 = arith.extui %lt3A_191 : i1 to i32
    %cond3A_193 = arith.constant 0 : i32
    %cond3A_194 = arith.cmpi ne, %convert_element_type3A_192, %cond3A_193 : i32
    scf.if %cond3A_194 {
      %mul3A_810 = arith.constant 128 : i32
      %mul3A_811 = arith.muli %add3A_189, %mul3A_810 : i32
      %dma_start3A = arith.constant 6 : i32
      %dma_start3A_812 = arith.constant 0 : i32
      %dma_start3A_813 = tpu.memref_slice %arg6[%dma_start3A, %dma_start3A_812] : memref<13x128xi32, #tpu.memory_space<vmem>> -> memref<1x128xi32, #tpu.memory_space<vmem>>
      %dma_start3A_814 = tpu.memref_squeeze %dma_start3A_813 : memref<1x128xi32, #tpu.memory_space<vmem>> -> memref<128xi32, #tpu.memory_space<vmem>>
      %dma_start3A_815 = tpu.memref_slice %arg2[%mul3A_811] : memref<50000xi32, #tpu.memory_space<hbm>> -> memref<128xi32, #tpu.memory_space<hbm>>
      %dma_start3A_816 = arith.constant 0 : i32
      %dma_start3A_817 = tpu.memref_slice %arg6[%dma_start3A, %dma_start3A_816] : memref<13x128xi32, #tpu.memory_space<vmem>> -> memref<1x128xi32, #tpu.memory_space<vmem>>
      %dma_start3A_818 = tpu.memref_squeeze %dma_start3A_817 : memref<1x128xi32, #tpu.memory_space<vmem>> -> memref<128xi32, #tpu.memory_space<vmem>>
      %dma_start3A_819 = tpu.memref_slice %arg2[%mul3A_811] : memref<50000xi32, #tpu.memory_space<hbm>> -> memref<128xi32, #tpu.memory_space<hbm>>
      tpu.enqueue_dma source(%dma_start3A_819 : memref<128xi32, #tpu.memory_space<hbm>>) target(%dma_start3A_818 : memref<128xi32, #tpu.memory_space<vmem>>) target_semaphore(%arg12 : memref<!tpu.dma_semaphore, #tpu.memory_space<semaphore_mem>>)
    } else {
    }
    %add3A_195 = arith.constant 224 : i32
    %add3A_196 = arith.addi %add3A, %add3A_195 : i32
    %lt3A_197 = arith.constant 390 : i32
    %lt3A_198 = arith.cmpi slt, %add3A_196, %lt3A_197 : i32
    %convert_element_type3A_199 = arith.extui %lt3A_198 : i1 to i32
    %cond3A_200 = arith.constant 0 : i32
    %cond3A_201 = arith.cmpi ne, %convert_element_type3A_199, %cond3A_200 : i32
    scf.if %cond3A_201 {
      %mul3A_810 = arith.constant 128 : i32
      %mul3A_811 = arith.muli %add3A_196, %mul3A_810 : i32
      %dma_start3A = arith.constant 7 : i32
      %dma_start3A_812 = arith.constant 0 : i32
      %dma_start3A_813 = tpu.memref_slice %arg6[%dma_start3A, %dma_start3A_812] : memref<13x128xi32, #tpu.memory_space<vmem>> -> memref<1x128xi32, #tpu.memory_space<vmem>>
      %dma_start3A_814 = tpu.memref_squeeze %dma_start3A_813 : memref<1x128xi32, #tpu.memory_space<vmem>> -> memref<128xi32, #tpu.memory_space<vmem>>
      %dma_start3A_815 = tpu.memref_slice %arg2[%mul3A_811] : memref<50000xi32, #tpu.memory_space<hbm>> -> memref<128xi32, #tpu.memory_space<hbm>>
      %dma_start3A_816 = arith.constant 0 : i32
      %dma_start3A_817 = tpu.memref_slice %arg6[%dma_start3A, %dma_start3A_816] : memref<13x128xi32, #tpu.memory_space<vmem>> -> memref<1x128xi32, #tpu.memory_space<vmem>>
      %dma_start3A_818 = tpu.memref_squeeze %dma_start3A_817 : memref<1x128xi32, #tpu.memory_space<vmem>> -> memref<128xi32, #tpu.memory_space<vmem>>
      %dma_start3A_819 = tpu.memref_slice %arg2[%mul3A_811] : memref<50000xi32, #tpu.memory_space<hbm>> -> memref<128xi32, #tpu.memory_space<hbm>>
      tpu.enqueue_dma source(%dma_start3A_819 : memref<128xi32, #tpu.memory_space<hbm>>) target(%dma_start3A_818 : memref<128xi32, #tpu.memory_space<vmem>>) target_semaphore(%arg12 : memref<!tpu.dma_semaphore, #tpu.memory_space<semaphore_mem>>)
    } else {
    }
    %add3A_202 = arith.constant 256 : i32
    %add3A_203 = arith.addi %add3A, %add3A_202 : i32
    %lt3A_204 = arith.constant 390 : i32
    %lt3A_205 = arith.cmpi slt, %add3A_203, %lt3A_204 : i32
    %convert_element_type3A_206 = arith.extui %lt3A_205 : i1 to i32
    %cond3A_207 = arith.constant 0 : i32
    %cond3A_208 = arith.cmpi ne, %convert_element_type3A_206, %cond3A_207 : i32
    scf.if %cond3A_208 {
      %mul3A_810 = arith.constant 128 : i32
      %mul3A_811 = arith.muli %add3A_203, %mul3A_810 : i32
      %dma_start3A = arith.constant 8 : i32
      %dma_start3A_812 = arith.constant 0 : i32
      %dma_start3A_813 = tpu.memref_slice %arg6[%dma_start3A, %dma_start3A_812] : memref<13x128xi32, #tpu.memory_space<vmem>> -> memref<1x128xi32, #tpu.memory_space<vmem>>
      %dma_start3A_814 = tpu.memref_squeeze %dma_start3A_813 : memref<1x128xi32, #tpu.memory_space<vmem>> -> memref<128xi32, #tpu.memory_space<vmem>>
      %dma_start3A_815 = tpu.memref_slice %arg2[%mul3A_811] : memref<50000xi32, #tpu.memory_space<hbm>> -> memref<128xi32, #tpu.memory_space<hbm>>
      %dma_start3A_816 = arith.constant 0 : i32
      %dma_start3A_817 = tpu.memref_slice %arg6[%dma_start3A, %dma_start3A_816] : memref<13x128xi32, #tpu.memory_space<vmem>> -> memref<1x128xi32, #tpu.memory_space<vmem>>
      %dma_start3A_818 = tpu.memref_squeeze %dma_start3A_817 : memref<1x128xi32, #tpu.memory_space<vmem>> -> memref<128xi32, #tpu.memory_space<vmem>>
      %dma_start3A_819 = tpu.memref_slice %arg2[%mul3A_811] : memref<50000xi32, #tpu.memory_space<hbm>> -> memref<128xi32, #tpu.memory_space<hbm>>
      tpu.enqueue_dma source(%dma_start3A_819 : memref<128xi32, #tpu.memory_space<hbm>>) target(%dma_start3A_818 : memref<128xi32, #tpu.memory_space<vmem>>) target_semaphore(%arg12 : memref<!tpu.dma_semaphore, #tpu.memory_space<semaphore_mem>>)
    } else {
    }
    %add3A_209 = arith.constant 288 : i32
    %add3A_210 = arith.addi %add3A, %add3A_209 : i32
    %lt3A_211 = arith.constant 390 : i32
    %lt3A_212 = arith.cmpi slt, %add3A_210, %lt3A_211 : i32
    %convert_element_type3A_213 = arith.extui %lt3A_212 : i1 to i32
    %cond3A_214 = arith.constant 0 : i32
    %cond3A_215 = arith.cmpi ne, %convert_element_type3A_213, %cond3A_214 : i32
    scf.if %cond3A_215 {
      %mul3A_810 = arith.constant 128 : i32
      %mul3A_811 = arith.muli %add3A_210, %mul3A_810 : i32
      %dma_start3A = arith.constant 9 : i32
      %dma_start3A_812 = arith.constant 0 : i32
      %dma_start3A_813 = tpu.memref_slice %arg6[%dma_start3A, %dma_start3A_812] : memref<13x128xi32, #tpu.memory_space<vmem>> -> memref<1x128xi32, #tpu.memory_space<vmem>>
      %dma_start3A_814 = tpu.memref_squeeze %dma_start3A_813 : memref<1x128xi32, #tpu.memory_space<vmem>> -> memref<128xi32, #tpu.memory_space<vmem>>
      %dma_start3A_815 = tpu.memref_slice %arg2[%mul3A_811] : memref<50000xi32, #tpu.memory_space<hbm>> -> memref<128xi32, #tpu.memory_space<hbm>>
      %dma_start3A_816 = arith.constant 0 : i32
      %dma_start3A_817 = tpu.memref_slice %arg6[%dma_start3A, %dma_start3A_816] : memref<13x128xi32, #tpu.memory_space<vmem>> -> memref<1x128xi32, #tpu.memory_space<vmem>>
      %dma_start3A_818 = tpu.memref_squeeze %dma_start3A_817 : memref<1x128xi32, #tpu.memory_space<vmem>> -> memref<128xi32, #tpu.memory_space<vmem>>
      %dma_start3A_819 = tpu.memref_slice %arg2[%mul3A_811] : memref<50000xi32, #tpu.memory_space<hbm>> -> memref<128xi32, #tpu.memory_space<hbm>>
      tpu.enqueue_dma source(%dma_start3A_819 : memref<128xi32, #tpu.memory_space<hbm>>) target(%dma_start3A_818 : memref<128xi32, #tpu.memory_space<vmem>>) target_semaphore(%arg12 : memref<!tpu.dma_semaphore, #tpu.memory_space<semaphore_mem>>)
    } else {
    }
    %add3A_216 = arith.constant 320 : i32
    %add3A_217 = arith.addi %add3A, %add3A_216 : i32
    %lt3A_218 = arith.constant 390 : i32
    %lt3A_219 = arith.cmpi slt, %add3A_217, %lt3A_218 : i32
    %convert_element_type3A_220 = arith.extui %lt3A_219 : i1 to i32
    %cond3A_221 = arith.constant 0 : i32
    %cond3A_222 = arith.cmpi ne, %convert_element_type3A_220, %cond3A_221 : i32
    scf.if %cond3A_222 {
      %mul3A_810 = arith.constant 128 : i32
      %mul3A_811 = arith.muli %add3A_217, %mul3A_810 : i32
      %dma_start3A = arith.constant 10 : i32
      %dma_start3A_812 = arith.constant 0 : i32
      %dma_start3A_813 = tpu.memref_slice %arg6[%dma_start3A, %dma_start3A_812] : memref<13x128xi32, #tpu.memory_space<vmem>> -> memref<1x128xi32, #tpu.memory_space<vmem>>
      %dma_start3A_814 = tpu.memref_squeeze %dma_start3A_813 : memref<1x128xi32, #tpu.memory_space<vmem>> -> memref<128xi32, #tpu.memory_space<vmem>>
      %dma_start3A_815 = tpu.memref_slice %arg2[%mul3A_811] : memref<50000xi32, #tpu.memory_space<hbm>> -> memref<128xi32, #tpu.memory_space<hbm>>
      %dma_start3A_816 = arith.constant 0 : i32
      %dma_start3A_817 = tpu.memref_slice %arg6[%dma_start3A, %dma_start3A_816] : memref<13x128xi32, #tpu.memory_space<vmem>> -> memref<1x128xi32, #tpu.memory_space<vmem>>
      %dma_start3A_818 = tpu.memref_squeeze %dma_start3A_817 : memref<1x128xi32, #tpu.memory_space<vmem>> -> memref<128xi32, #tpu.memory_space<vmem>>
      %dma_start3A_819 = tpu.memref_slice %arg2[%mul3A_811] : memref<50000xi32, #tpu.memory_space<hbm>> -> memref<128xi32, #tpu.memory_space<hbm>>
      tpu.enqueue_dma source(%dma_start3A_819 : memref<128xi32, #tpu.memory_space<hbm>>) target(%dma_start3A_818 : memref<128xi32, #tpu.memory_space<vmem>>) target_semaphore(%arg12 : memref<!tpu.dma_semaphore, #tpu.memory_space<semaphore_mem>>)
    } else {
    }
    %add3A_223 = arith.constant 352 : i32
    %add3A_224 = arith.addi %add3A, %add3A_223 : i32
    %lt3A_225 = arith.constant 390 : i32
    %lt3A_226 = arith.cmpi slt, %add3A_224, %lt3A_225 : i32
    %convert_element_type3A_227 = arith.extui %lt3A_226 : i1 to i32
    %cond3A_228 = arith.constant 0 : i32
    %cond3A_229 = arith.cmpi ne, %convert_element_type3A_227, %cond3A_228 : i32
    scf.if %cond3A_229 {
      %mul3A_810 = arith.constant 128 : i32
      %mul3A_811 = arith.muli %add3A_224, %mul3A_810 : i32
      %dma_start3A = arith.constant 11 : i32
      %dma_start3A_812 = arith.constant 0 : i32
      %dma_start3A_813 = tpu.memref_slice %arg6[%dma_start3A, %dma_start3A_812] : memref<13x128xi32, #tpu.memory_space<vmem>> -> memref<1x128xi32, #tpu.memory_space<vmem>>
      %dma_start3A_814 = tpu.memref_squeeze %dma_start3A_813 : memref<1x128xi32, #tpu.memory_space<vmem>> -> memref<128xi32, #tpu.memory_space<vmem>>
      %dma_start3A_815 = tpu.memref_slice %arg2[%mul3A_811] : memref<50000xi32, #tpu.memory_space<hbm>> -> memref<128xi32, #tpu.memory_space<hbm>>
      %dma_start3A_816 = arith.constant 0 : i32
      %dma_start3A_817 = tpu.memref_slice %arg6[%dma_start3A, %dma_start3A_816] : memref<13x128xi32, #tpu.memory_space<vmem>> -> memref<1x128xi32, #tpu.memory_space<vmem>>
      %dma_start3A_818 = tpu.memref_squeeze %dma_start3A_817 : memref<1x128xi32, #tpu.memory_space<vmem>> -> memref<128xi32, #tpu.memory_space<vmem>>
      %dma_start3A_819 = tpu.memref_slice %arg2[%mul3A_811] : memref<50000xi32, #tpu.memory_space<hbm>> -> memref<128xi32, #tpu.memory_space<hbm>>
      tpu.enqueue_dma source(%dma_start3A_819 : memref<128xi32, #tpu.memory_space<hbm>>) target(%dma_start3A_818 : memref<128xi32, #tpu.memory_space<vmem>>) target_semaphore(%arg12 : memref<!tpu.dma_semaphore, #tpu.memory_space<semaphore_mem>>)
    } else {
    }
    %add3A_230 = arith.constant 384 : i32
    %add3A_231 = arith.addi %add3A, %add3A_230 : i32
    %lt3A_232 = arith.constant 390 : i32
    %lt3A_233 = arith.cmpi slt, %add3A_231, %lt3A_232 : i32
    %convert_element_type3A_234 = arith.extui %lt3A_233 : i1 to i32
    %cond3A_235 = arith.constant 0 : i32
    %cond3A_236 = arith.cmpi ne, %convert_element_type3A_234, %cond3A_235 : i32
    scf.if %cond3A_236 {
      %mul3A_810 = arith.constant 128 : i32
      %mul3A_811 = arith.muli %add3A_231, %mul3A_810 : i32
      %dma_start3A = arith.constant 12 : i32
      %dma_start3A_812 = arith.constant 0 : i32
      %dma_start3A_813 = tpu.memref_slice %arg6[%dma_start3A, %dma_start3A_812] : memref<13x128xi32, #tpu.memory_space<vmem>> -> memref<1x128xi32, #tpu.memory_space<vmem>>
      %dma_start3A_814 = tpu.memref_squeeze %dma_start3A_813 : memref<1x128xi32, #tpu.memory_space<vmem>> -> memref<128xi32, #tpu.memory_space<vmem>>
      %dma_start3A_815 = tpu.memref_slice %arg2[%mul3A_811] : memref<50000xi32, #tpu.memory_space<hbm>> -> memref<128xi32, #tpu.memory_space<hbm>>
      %dma_start3A_816 = arith.constant 0 : i32
      %dma_start3A_817 = tpu.memref_slice %arg6[%dma_start3A, %dma_start3A_816] : memref<13x128xi32, #tpu.memory_space<vmem>> -> memref<1x128xi32, #tpu.memory_space<vmem>>
      %dma_start3A_818 = tpu.memref_squeeze %dma_start3A_817 : memref<1x128xi32, #tpu.memory_space<vmem>> -> memref<128xi32, #tpu.memory_space<vmem>>
      %dma_start3A_819 = tpu.memref_slice %arg2[%mul3A_811] : memref<50000xi32, #tpu.memory_space<hbm>> -> memref<128xi32, #tpu.memory_space<hbm>>
      tpu.enqueue_dma source(%dma_start3A_819 : memref<128xi32, #tpu.memory_space<hbm>>) target(%dma_start3A_818 : memref<128xi32, #tpu.memory_space<vmem>>) target_semaphore(%arg12 : memref<!tpu.dma_semaphore, #tpu.memory_space<semaphore_mem>>)
    } else {
    }
    %eq3A_237 = arith.constant 6 : i32
    %eq3A_238 = arith.cmpi eq, %add3A, %eq3A_237 : i32
    %convert_element_type3A_239 = arith.extui %eq3A_238 : i1 to i32
    %cond3A_240 = arith.constant 0 : i32
    %cond3A_241 = arith.cmpi ne, %convert_element_type3A_239, %cond3A_240 : i32
    scf.if %cond3A_241 {
      %dma_start3A = arith.constant 49920 : i32
      %dma_start3A_810 = tpu.memref_slice %arg2[%dma_start3A] : memref<50000xi32, #tpu.memory_space<hbm>> -> memref<80xi32, #tpu.memory_space<hbm>>
      %dma_start3A_811 = arith.constant 49920 : i32
      %dma_start3A_812 = tpu.memref_slice %arg2[%dma_start3A_811] : memref<50000xi32, #tpu.memory_space<hbm>> -> memref<80xi32, #tpu.memory_space<hbm>>
      tpu.enqueue_dma source(%dma_start3A_812 : memref<80xi32, #tpu.memory_space<hbm>>) target(%arg8 : memref<80xi32, #tpu.memory_space<vmem>>) target_semaphore(%arg13 : memref<!tpu.dma_semaphore, #tpu.memory_space<semaphore_mem>>)
    } else {
    }
    %add3A_242 = arith.constant 0 : i32
    %add3A_243 = arith.addi %add3A, %add3A_242 : i32
    %lt3A_244 = arith.constant 390 : i32
    %lt3A_245 = arith.cmpi slt, %add3A_243, %lt3A_244 : i32
    %convert_element_type3A_246 = arith.extui %lt3A_245 : i1 to i32
    %cond3A_247 = arith.constant 0 : i32
    %cond3A_248 = arith.cmpi ne, %convert_element_type3A_246, %cond3A_247 : i32
    scf.if %cond3A_248 {
      %dma_wait3A = arith.constant 0 : i32
      %dma_wait3A_810 = arith.constant 0 : i32
      %dma_wait3A_811 = tpu.memref_slice %arg6[%dma_wait3A, %dma_wait3A_810] : memref<13x128xi32, #tpu.memory_space<vmem>> -> memref<1x128xi32, #tpu.memory_space<vmem>>
      %dma_wait3A_812 = tpu.memref_squeeze %dma_wait3A_811 : memref<1x128xi32, #tpu.memory_space<vmem>> -> memref<128xi32, #tpu.memory_space<vmem>>
      %dma_wait3A_813 = arith.constant 0 : i32
      %dma_wait3A_814 = tpu.memref_slice %arg2[%dma_wait3A_813] : memref<50000xi32, #tpu.memory_space<hbm>> -> memref<128xi32, #tpu.memory_space<hbm>>
      %dma_wait3A_815 = arith.constant 0 : i32
      %dma_wait3A_816 = tpu.memref_slice %arg6[%dma_wait3A, %dma_wait3A_815] : memref<13x128xi32, #tpu.memory_space<vmem>> -> memref<1x128xi32, #tpu.memory_space<vmem>>
      %dma_wait3A_817 = tpu.memref_squeeze %dma_wait3A_816 : memref<1x128xi32, #tpu.memory_space<vmem>> -> memref<128xi32, #tpu.memory_space<vmem>>
      %dma_wait3A_818 = arith.constant 0 : i32
      %dma_wait3A_819 = tpu.memref_slice %arg2[%dma_wait3A_818] : memref<50000xi32, #tpu.memory_space<hbm>> -> memref<128xi32, #tpu.memory_space<hbm>>
      tpu.wait_dma2 semaphore(%arg12 : memref<!tpu.dma_semaphore, #tpu.memory_space<semaphore_mem>>) src(%dma_wait3A_819 : memref<128xi32, #tpu.memory_space<hbm>>) dst(%dma_wait3A_817 : memref<128xi32, #tpu.memory_space<vmem>>)
    } else {
    }
    %add3A_249 = arith.constant 32 : i32
    %add3A_250 = arith.addi %add3A, %add3A_249 : i32
    %lt3A_251 = arith.constant 390 : i32
    %lt3A_252 = arith.cmpi slt, %add3A_250, %lt3A_251 : i32
    %convert_element_type3A_253 = arith.extui %lt3A_252 : i1 to i32
    %cond3A_254 = arith.constant 0 : i32
    %cond3A_255 = arith.cmpi ne, %convert_element_type3A_253, %cond3A_254 : i32
    scf.if %cond3A_255 {
      %dma_wait3A = arith.constant 1 : i32
      %dma_wait3A_810 = arith.constant 0 : i32
      %dma_wait3A_811 = tpu.memref_slice %arg6[%dma_wait3A, %dma_wait3A_810] : memref<13x128xi32, #tpu.memory_space<vmem>> -> memref<1x128xi32, #tpu.memory_space<vmem>>
      %dma_wait3A_812 = tpu.memref_squeeze %dma_wait3A_811 : memref<1x128xi32, #tpu.memory_space<vmem>> -> memref<128xi32, #tpu.memory_space<vmem>>
      %dma_wait3A_813 = arith.constant 0 : i32
      %dma_wait3A_814 = tpu.memref_slice %arg2[%dma_wait3A_813] : memref<50000xi32, #tpu.memory_space<hbm>> -> memref<128xi32, #tpu.memory_space<hbm>>
      %dma_wait3A_815 = arith.constant 0 : i32
      %dma_wait3A_816 = tpu.memref_slice %arg6[%dma_wait3A, %dma_wait3A_815] : memref<13x128xi32, #tpu.memory_space<vmem>> -> memref<1x128xi32, #tpu.memory_space<vmem>>
      %dma_wait3A_817 = tpu.memref_squeeze %dma_wait3A_816 : memref<1x128xi32, #tpu.memory_space<vmem>> -> memref<128xi32, #tpu.memory_space<vmem>>
      %dma_wait3A_818 = arith.constant 0 : i32
      %dma_wait3A_819 = tpu.memref_slice %arg2[%dma_wait3A_818] : memref<50000xi32, #tpu.memory_space<hbm>> -> memref<128xi32, #tpu.memory_space<hbm>>
      tpu.wait_dma2 semaphore(%arg12 : memref<!tpu.dma_semaphore, #tpu.memory_space<semaphore_mem>>) src(%dma_wait3A_819 : memref<128xi32, #tpu.memory_space<hbm>>) dst(%dma_wait3A_817 : memref<128xi32, #tpu.memory_space<vmem>>)
    } else {
    }
    %add3A_256 = arith.constant 64 : i32
    %add3A_257 = arith.addi %add3A, %add3A_256 : i32
    %lt3A_258 = arith.constant 390 : i32
    %lt3A_259 = arith.cmpi slt, %add3A_257, %lt3A_258 : i32
    %convert_element_type3A_260 = arith.extui %lt3A_259 : i1 to i32
    %cond3A_261 = arith.constant 0 : i32
    %cond3A_262 = arith.cmpi ne, %convert_element_type3A_260, %cond3A_261 : i32
    scf.if %cond3A_262 {
      %dma_wait3A = arith.constant 2 : i32
      %dma_wait3A_810 = arith.constant 0 : i32
      %dma_wait3A_811 = tpu.memref_slice %arg6[%dma_wait3A, %dma_wait3A_810] : memref<13x128xi32, #tpu.memory_space<vmem>> -> memref<1x128xi32, #tpu.memory_space<vmem>>
      %dma_wait3A_812 = tpu.memref_squeeze %dma_wait3A_811 : memref<1x128xi32, #tpu.memory_space<vmem>> -> memref<128xi32, #tpu.memory_space<vmem>>
      %dma_wait3A_813 = arith.constant 0 : i32
      %dma_wait3A_814 = tpu.memref_slice %arg2[%dma_wait3A_813] : memref<50000xi32, #tpu.memory_space<hbm>> -> memref<128xi32, #tpu.memory_space<hbm>>
      %dma_wait3A_815 = arith.constant 0 : i32
      %dma_wait3A_816 = tpu.memref_slice %arg6[%dma_wait3A, %dma_wait3A_815] : memref<13x128xi32, #tpu.memory_space<vmem>> -> memref<1x128xi32, #tpu.memory_space<vmem>>
      %dma_wait3A_817 = tpu.memref_squeeze %dma_wait3A_816 : memref<1x128xi32, #tpu.memory_space<vmem>> -> memref<128xi32, #tpu.memory_space<vmem>>
      %dma_wait3A_818 = arith.constant 0 : i32
      %dma_wait3A_819 = tpu.memref_slice %arg2[%dma_wait3A_818] : memref<50000xi32, #tpu.memory_space<hbm>> -> memref<128xi32, #tpu.memory_space<hbm>>
      tpu.wait_dma2 semaphore(%arg12 : memref<!tpu.dma_semaphore, #tpu.memory_space<semaphore_mem>>) src(%dma_wait3A_819 : memref<128xi32, #tpu.memory_space<hbm>>) dst(%dma_wait3A_817 : memref<128xi32, #tpu.memory_space<vmem>>)
    } else {
    }
    %add3A_263 = arith.constant 96 : i32
    %add3A_264 = arith.addi %add3A, %add3A_263 : i32
    %lt3A_265 = arith.constant 390 : i32
    %lt3A_266 = arith.cmpi slt, %add3A_264, %lt3A_265 : i32
    %convert_element_type3A_267 = arith.extui %lt3A_266 : i1 to i32
    %cond3A_268 = arith.constant 0 : i32
    %cond3A_269 = arith.cmpi ne, %convert_element_type3A_267, %cond3A_268 : i32
    scf.if %cond3A_269 {
      %dma_wait3A = arith.constant 3 : i32
      %dma_wait3A_810 = arith.constant 0 : i32
      %dma_wait3A_811 = tpu.memref_slice %arg6[%dma_wait3A, %dma_wait3A_810] : memref<13x128xi32, #tpu.memory_space<vmem>> -> memref<1x128xi32, #tpu.memory_space<vmem>>
      %dma_wait3A_812 = tpu.memref_squeeze %dma_wait3A_811 : memref<1x128xi32, #tpu.memory_space<vmem>> -> memref<128xi32, #tpu.memory_space<vmem>>
      %dma_wait3A_813 = arith.constant 0 : i32
      %dma_wait3A_814 = tpu.memref_slice %arg2[%dma_wait3A_813] : memref<50000xi32, #tpu.memory_space<hbm>> -> memref<128xi32, #tpu.memory_space<hbm>>
      %dma_wait3A_815 = arith.constant 0 : i32
      %dma_wait3A_816 = tpu.memref_slice %arg6[%dma_wait3A, %dma_wait3A_815] : memref<13x128xi32, #tpu.memory_space<vmem>> -> memref<1x128xi32, #tpu.memory_space<vmem>>
      %dma_wait3A_817 = tpu.memref_squeeze %dma_wait3A_816 : memref<1x128xi32, #tpu.memory_space<vmem>> -> memref<128xi32, #tpu.memory_space<vmem>>
      %dma_wait3A_818 = arith.constant 0 : i32
      %dma_wait3A_819 = tpu.memref_slice %arg2[%dma_wait3A_818] : memref<50000xi32, #tpu.memory_space<hbm>> -> memref<128xi32, #tpu.memory_space<hbm>>
      tpu.wait_dma2 semaphore(%arg12 : memref<!tpu.dma_semaphore, #tpu.memory_space<semaphore_mem>>) src(%dma_wait3A_819 : memref<128xi32, #tpu.memory_space<hbm>>) dst(%dma_wait3A_817 : memref<128xi32, #tpu.memory_space<vmem>>)
    } else {
    }
    %add3A_270 = arith.constant 128 : i32
    %add3A_271 = arith.addi %add3A, %add3A_270 : i32
    %lt3A_272 = arith.constant 390 : i32
    %lt3A_273 = arith.cmpi slt, %add3A_271, %lt3A_272 : i32
    %convert_element_type3A_274 = arith.extui %lt3A_273 : i1 to i32
    %cond3A_275 = arith.constant 0 : i32
    %cond3A_276 = arith.cmpi ne, %convert_element_type3A_274, %cond3A_275 : i32
    scf.if %cond3A_276 {
      %dma_wait3A = arith.constant 4 : i32
      %dma_wait3A_810 = arith.constant 0 : i32
      %dma_wait3A_811 = tpu.memref_slice %arg6[%dma_wait3A, %dma_wait3A_810] : memref<13x128xi32, #tpu.memory_space<vmem>> -> memref<1x128xi32, #tpu.memory_space<vmem>>
      %dma_wait3A_812 = tpu.memref_squeeze %dma_wait3A_811 : memref<1x128xi32, #tpu.memory_space<vmem>> -> memref<128xi32, #tpu.memory_space<vmem>>
      %dma_wait3A_813 = arith.constant 0 : i32
      %dma_wait3A_814 = tpu.memref_slice %arg2[%dma_wait3A_813] : memref<50000xi32, #tpu.memory_space<hbm>> -> memref<128xi32, #tpu.memory_space<hbm>>
      %dma_wait3A_815 = arith.constant 0 : i32
      %dma_wait3A_816 = tpu.memref_slice %arg6[%dma_wait3A, %dma_wait3A_815] : memref<13x128xi32, #tpu.memory_space<vmem>> -> memref<1x128xi32, #tpu.memory_space<vmem>>
      %dma_wait3A_817 = tpu.memref_squeeze %dma_wait3A_816 : memref<1x128xi32, #tpu.memory_space<vmem>> -> memref<128xi32, #tpu.memory_space<vmem>>
      %dma_wait3A_818 = arith.constant 0 : i32
      %dma_wait3A_819 = tpu.memref_slice %arg2[%dma_wait3A_818] : memref<50000xi32, #tpu.memory_space<hbm>> -> memref<128xi32, #tpu.memory_space<hbm>>
      tpu.wait_dma2 semaphore(%arg12 : memref<!tpu.dma_semaphore, #tpu.memory_space<semaphore_mem>>) src(%dma_wait3A_819 : memref<128xi32, #tpu.memory_space<hbm>>) dst(%dma_wait3A_817 : memref<128xi32, #tpu.memory_space<vmem>>)
    } else {
    }
    %add3A_277 = arith.constant 160 : i32
    %add3A_278 = arith.addi %add3A, %add3A_277 : i32
    %lt3A_279 = arith.constant 390 : i32
    %lt3A_280 = arith.cmpi slt, %add3A_278, %lt3A_279 : i32
    %convert_element_type3A_281 = arith.extui %lt3A_280 : i1 to i32
    %cond3A_282 = arith.constant 0 : i32
    %cond3A_283 = arith.cmpi ne, %convert_element_type3A_281, %cond3A_282 : i32
    scf.if %cond3A_283 {
      %dma_wait3A = arith.constant 5 : i32
      %dma_wait3A_810 = arith.constant 0 : i32
      %dma_wait3A_811 = tpu.memref_slice %arg6[%dma_wait3A, %dma_wait3A_810] : memref<13x128xi32, #tpu.memory_space<vmem>> -> memref<1x128xi32, #tpu.memory_space<vmem>>
      %dma_wait3A_812 = tpu.memref_squeeze %dma_wait3A_811 : memref<1x128xi32, #tpu.memory_space<vmem>> -> memref<128xi32, #tpu.memory_space<vmem>>
      %dma_wait3A_813 = arith.constant 0 : i32
      %dma_wait3A_814 = tpu.memref_slice %arg2[%dma_wait3A_813] : memref<50000xi32, #tpu.memory_space<hbm>> -> memref<128xi32, #tpu.memory_space<hbm>>
      %dma_wait3A_815 = arith.constant 0 : i32
      %dma_wait3A_816 = tpu.memref_slice %arg6[%dma_wait3A, %dma_wait3A_815] : memref<13x128xi32, #tpu.memory_space<vmem>> -> memref<1x128xi32, #tpu.memory_space<vmem>>
      %dma_wait3A_817 = tpu.memref_squeeze %dma_wait3A_816 : memref<1x128xi32, #tpu.memory_space<vmem>> -> memref<128xi32, #tpu.memory_space<vmem>>
      %dma_wait3A_818 = arith.constant 0 : i32
      %dma_wait3A_819 = tpu.memref_slice %arg2[%dma_wait3A_818] : memref<50000xi32, #tpu.memory_space<hbm>> -> memref<128xi32, #tpu.memory_space<hbm>>
      tpu.wait_dma2 semaphore(%arg12 : memref<!tpu.dma_semaphore, #tpu.memory_space<semaphore_mem>>) src(%dma_wait3A_819 : memref<128xi32, #tpu.memory_space<hbm>>) dst(%dma_wait3A_817 : memref<128xi32, #tpu.memory_space<vmem>>)
    } else {
    }
    %add3A_284 = arith.constant 192 : i32
    %add3A_285 = arith.addi %add3A, %add3A_284 : i32
    %lt3A_286 = arith.constant 390 : i32
    %lt3A_287 = arith.cmpi slt, %add3A_285, %lt3A_286 : i32
    %convert_element_type3A_288 = arith.extui %lt3A_287 : i1 to i32
    %cond3A_289 = arith.constant 0 : i32
    %cond3A_290 = arith.cmpi ne, %convert_element_type3A_288, %cond3A_289 : i32
    scf.if %cond3A_290 {
      %dma_wait3A = arith.constant 6 : i32
      %dma_wait3A_810 = arith.constant 0 : i32
      %dma_wait3A_811 = tpu.memref_slice %arg6[%dma_wait3A, %dma_wait3A_810] : memref<13x128xi32, #tpu.memory_space<vmem>> -> memref<1x128xi32, #tpu.memory_space<vmem>>
      %dma_wait3A_812 = tpu.memref_squeeze %dma_wait3A_811 : memref<1x128xi32, #tpu.memory_space<vmem>> -> memref<128xi32, #tpu.memory_space<vmem>>
      %dma_wait3A_813 = arith.constant 0 : i32
      %dma_wait3A_814 = tpu.memref_slice %arg2[%dma_wait3A_813] : memref<50000xi32, #tpu.memory_space<hbm>> -> memref<128xi32, #tpu.memory_space<hbm>>
      %dma_wait3A_815 = arith.constant 0 : i32
      %dma_wait3A_816 = tpu.memref_slice %arg6[%dma_wait3A, %dma_wait3A_815] : memref<13x128xi32, #tpu.memory_space<vmem>> -> memref<1x128xi32, #tpu.memory_space<vmem>>
      %dma_wait3A_817 = tpu.memref_squeeze %dma_wait3A_816 : memref<1x128xi32, #tpu.memory_space<vmem>> -> memref<128xi32, #tpu.memory_space<vmem>>
      %dma_wait3A_818 = arith.constant 0 : i32
      %dma_wait3A_819 = tpu.memref_slice %arg2[%dma_wait3A_818] : memref<50000xi32, #tpu.memory_space<hbm>> -> memref<128xi32, #tpu.memory_space<hbm>>
      tpu.wait_dma2 semaphore(%arg12 : memref<!tpu.dma_semaphore, #tpu.memory_space<semaphore_mem>>) src(%dma_wait3A_819 : memref<128xi32, #tpu.memory_space<hbm>>) dst(%dma_wait3A_817 : memref<128xi32, #tpu.memory_space<vmem>>)
    } else {
    }
    %add3A_291 = arith.constant 224 : i32
    %add3A_292 = arith.addi %add3A, %add3A_291 : i32
    %lt3A_293 = arith.constant 390 : i32
    %lt3A_294 = arith.cmpi slt, %add3A_292, %lt3A_293 : i32
    %convert_element_type3A_295 = arith.extui %lt3A_294 : i1 to i32
    %cond3A_296 = arith.constant 0 : i32
    %cond3A_297 = arith.cmpi ne, %convert_element_type3A_295, %cond3A_296 : i32
    scf.if %cond3A_297 {
      %dma_wait3A = arith.constant 7 : i32
      %dma_wait3A_810 = arith.constant 0 : i32
      %dma_wait3A_811 = tpu.memref_slice %arg6[%dma_wait3A, %dma_wait3A_810] : memref<13x128xi32, #tpu.memory_space<vmem>> -> memref<1x128xi32, #tpu.memory_space<vmem>>
      %dma_wait3A_812 = tpu.memref_squeeze %dma_wait3A_811 : memref<1x128xi32, #tpu.memory_space<vmem>> -> memref<128xi32, #tpu.memory_space<vmem>>
      %dma_wait3A_813 = arith.constant 0 : i32
      %dma_wait3A_814 = tpu.memref_slice %arg2[%dma_wait3A_813] : memref<50000xi32, #tpu.memory_space<hbm>> -> memref<128xi32, #tpu.memory_space<hbm>>
      %dma_wait3A_815 = arith.constant 0 : i32
      %dma_wait3A_816 = tpu.memref_slice %arg6[%dma_wait3A, %dma_wait3A_815] : memref<13x128xi32, #tpu.memory_space<vmem>> -> memref<1x128xi32, #tpu.memory_space<vmem>>
      %dma_wait3A_817 = tpu.memref_squeeze %dma_wait3A_816 : memref<1x128xi32, #tpu.memory_space<vmem>> -> memref<128xi32, #tpu.memory_space<vmem>>
      %dma_wait3A_818 = arith.constant 0 : i32
      %dma_wait3A_819 = tpu.memref_slice %arg2[%dma_wait3A_818] : memref<50000xi32, #tpu.memory_space<hbm>> -> memref<128xi32, #tpu.memory_space<hbm>>
      tpu.wait_dma2 semaphore(%arg12 : memref<!tpu.dma_semaphore, #tpu.memory_space<semaphore_mem>>) src(%dma_wait3A_819 : memref<128xi32, #tpu.memory_space<hbm>>) dst(%dma_wait3A_817 : memref<128xi32, #tpu.memory_space<vmem>>)
    } else {
    }
    %add3A_298 = arith.constant 256 : i32
    %add3A_299 = arith.addi %add3A, %add3A_298 : i32
    %lt3A_300 = arith.constant 390 : i32
    %lt3A_301 = arith.cmpi slt, %add3A_299, %lt3A_300 : i32
    %convert_element_type3A_302 = arith.extui %lt3A_301 : i1 to i32
    %cond3A_303 = arith.constant 0 : i32
    %cond3A_304 = arith.cmpi ne, %convert_element_type3A_302, %cond3A_303 : i32
    scf.if %cond3A_304 {
      %dma_wait3A = arith.constant 8 : i32
      %dma_wait3A_810 = arith.constant 0 : i32
      %dma_wait3A_811 = tpu.memref_slice %arg6[%dma_wait3A, %dma_wait3A_810] : memref<13x128xi32, #tpu.memory_space<vmem>> -> memref<1x128xi32, #tpu.memory_space<vmem>>
      %dma_wait3A_812 = tpu.memref_squeeze %dma_wait3A_811 : memref<1x128xi32, #tpu.memory_space<vmem>> -> memref<128xi32, #tpu.memory_space<vmem>>
      %dma_wait3A_813 = arith.constant 0 : i32
      %dma_wait3A_814 = tpu.memref_slice %arg2[%dma_wait3A_813] : memref<50000xi32, #tpu.memory_space<hbm>> -> memref<128xi32, #tpu.memory_space<hbm>>
      %dma_wait3A_815 = arith.constant 0 : i32
      %dma_wait3A_816 = tpu.memref_slice %arg6[%dma_wait3A, %dma_wait3A_815] : memref<13x128xi32, #tpu.memory_space<vmem>> -> memref<1x128xi32, #tpu.memory_space<vmem>>
      %dma_wait3A_817 = tpu.memref_squeeze %dma_wait3A_816 : memref<1x128xi32, #tpu.memory_space<vmem>> -> memref<128xi32, #tpu.memory_space<vmem>>
      %dma_wait3A_818 = arith.constant 0 : i32
      %dma_wait3A_819 = tpu.memref_slice %arg2[%dma_wait3A_818] : memref<50000xi32, #tpu.memory_space<hbm>> -> memref<128xi32, #tpu.memory_space<hbm>>
      tpu.wait_dma2 semaphore(%arg12 : memref<!tpu.dma_semaphore, #tpu.memory_space<semaphore_mem>>) src(%dma_wait3A_819 : memref<128xi32, #tpu.memory_space<hbm>>) dst(%dma_wait3A_817 : memref<128xi32, #tpu.memory_space<vmem>>)
    } else {
    }
    %add3A_305 = arith.constant 288 : i32
    %add3A_306 = arith.addi %add3A, %add3A_305 : i32
    %lt3A_307 = arith.constant 390 : i32
    %lt3A_308 = arith.cmpi slt, %add3A_306, %lt3A_307 : i32
    %convert_element_type3A_309 = arith.extui %lt3A_308 : i1 to i32
    %cond3A_310 = arith.constant 0 : i32
    %cond3A_311 = arith.cmpi ne, %convert_element_type3A_309, %cond3A_310 : i32
    scf.if %cond3A_311 {
      %dma_wait3A = arith.constant 9 : i32
      %dma_wait3A_810 = arith.constant 0 : i32
      %dma_wait3A_811 = tpu.memref_slice %arg6[%dma_wait3A, %dma_wait3A_810] : memref<13x128xi32, #tpu.memory_space<vmem>> -> memref<1x128xi32, #tpu.memory_space<vmem>>
      %dma_wait3A_812 = tpu.memref_squeeze %dma_wait3A_811 : memref<1x128xi32, #tpu.memory_space<vmem>> -> memref<128xi32, #tpu.memory_space<vmem>>
      %dma_wait3A_813 = arith.constant 0 : i32
      %dma_wait3A_814 = tpu.memref_slice %arg2[%dma_wait3A_813] : memref<50000xi32, #tpu.memory_space<hbm>> -> memref<128xi32, #tpu.memory_space<hbm>>
      %dma_wait3A_815 = arith.constant 0 : i32
      %dma_wait3A_816 = tpu.memref_slice %arg6[%dma_wait3A, %dma_wait3A_815] : memref<13x128xi32, #tpu.memory_space<vmem>> -> memref<1x128xi32, #tpu.memory_space<vmem>>
      %dma_wait3A_817 = tpu.memref_squeeze %dma_wait3A_816 : memref<1x128xi32, #tpu.memory_space<vmem>> -> memref<128xi32, #tpu.memory_space<vmem>>
      %dma_wait3A_818 = arith.constant 0 : i32
      %dma_wait3A_819 = tpu.memref_slice %arg2[%dma_wait3A_818] : memref<50000xi32, #tpu.memory_space<hbm>> -> memref<128xi32, #tpu.memory_space<hbm>>
      tpu.wait_dma2 semaphore(%arg12 : memref<!tpu.dma_semaphore, #tpu.memory_space<semaphore_mem>>) src(%dma_wait3A_819 : memref<128xi32, #tpu.memory_space<hbm>>) dst(%dma_wait3A_817 : memref<128xi32, #tpu.memory_space<vmem>>)
    } else {
    }
    %add3A_312 = arith.constant 320 : i32
    %add3A_313 = arith.addi %add3A, %add3A_312 : i32
    %lt3A_314 = arith.constant 390 : i32
    %lt3A_315 = arith.cmpi slt, %add3A_313, %lt3A_314 : i32
    %convert_element_type3A_316 = arith.extui %lt3A_315 : i1 to i32
    %cond3A_317 = arith.constant 0 : i32
    %cond3A_318 = arith.cmpi ne, %convert_element_type3A_316, %cond3A_317 : i32
    scf.if %cond3A_318 {
      %dma_wait3A = arith.constant 10 : i32
      %dma_wait3A_810 = arith.constant 0 : i32
      %dma_wait3A_811 = tpu.memref_slice %arg6[%dma_wait3A, %dma_wait3A_810] : memref<13x128xi32, #tpu.memory_space<vmem>> -> memref<1x128xi32, #tpu.memory_space<vmem>>
      %dma_wait3A_812 = tpu.memref_squeeze %dma_wait3A_811 : memref<1x128xi32, #tpu.memory_space<vmem>> -> memref<128xi32, #tpu.memory_space<vmem>>
      %dma_wait3A_813 = arith.constant 0 : i32
      %dma_wait3A_814 = tpu.memref_slice %arg2[%dma_wait3A_813] : memref<50000xi32, #tpu.memory_space<hbm>> -> memref<128xi32, #tpu.memory_space<hbm>>
      %dma_wait3A_815 = arith.constant 0 : i32
      %dma_wait3A_816 = tpu.memref_slice %arg6[%dma_wait3A, %dma_wait3A_815] : memref<13x128xi32, #tpu.memory_space<vmem>> -> memref<1x128xi32, #tpu.memory_space<vmem>>
      %dma_wait3A_817 = tpu.memref_squeeze %dma_wait3A_816 : memref<1x128xi32, #tpu.memory_space<vmem>> -> memref<128xi32, #tpu.memory_space<vmem>>
      %dma_wait3A_818 = arith.constant 0 : i32
      %dma_wait3A_819 = tpu.memref_slice %arg2[%dma_wait3A_818] : memref<50000xi32, #tpu.memory_space<hbm>> -> memref<128xi32, #tpu.memory_space<hbm>>
      tpu.wait_dma2 semaphore(%arg12 : memref<!tpu.dma_semaphore, #tpu.memory_space<semaphore_mem>>) src(%dma_wait3A_819 : memref<128xi32, #tpu.memory_space<hbm>>) dst(%dma_wait3A_817 : memref<128xi32, #tpu.memory_space<vmem>>)
    } else {
    }
    %add3A_319 = arith.constant 352 : i32
    %add3A_320 = arith.addi %add3A, %add3A_319 : i32
    %lt3A_321 = arith.constant 390 : i32
    %lt3A_322 = arith.cmpi slt, %add3A_320, %lt3A_321 : i32
    %convert_element_type3A_323 = arith.extui %lt3A_322 : i1 to i32
    %cond3A_324 = arith.constant 0 : i32
    %cond3A_325 = arith.cmpi ne, %convert_element_type3A_323, %cond3A_324 : i32
    scf.if %cond3A_325 {
      %dma_wait3A = arith.constant 11 : i32
      %dma_wait3A_810 = arith.constant 0 : i32
      %dma_wait3A_811 = tpu.memref_slice %arg6[%dma_wait3A, %dma_wait3A_810] : memref<13x128xi32, #tpu.memory_space<vmem>> -> memref<1x128xi32, #tpu.memory_space<vmem>>
      %dma_wait3A_812 = tpu.memref_squeeze %dma_wait3A_811 : memref<1x128xi32, #tpu.memory_space<vmem>> -> memref<128xi32, #tpu.memory_space<vmem>>
      %dma_wait3A_813 = arith.constant 0 : i32
      %dma_wait3A_814 = tpu.memref_slice %arg2[%dma_wait3A_813] : memref<50000xi32, #tpu.memory_space<hbm>> -> memref<128xi32, #tpu.memory_space<hbm>>
      %dma_wait3A_815 = arith.constant 0 : i32
      %dma_wait3A_816 = tpu.memref_slice %arg6[%dma_wait3A, %dma_wait3A_815] : memref<13x128xi32, #tpu.memory_space<vmem>> -> memref<1x128xi32, #tpu.memory_space<vmem>>
      %dma_wait3A_817 = tpu.memref_squeeze %dma_wait3A_816 : memref<1x128xi32, #tpu.memory_space<vmem>> -> memref<128xi32, #tpu.memory_space<vmem>>
      %dma_wait3A_818 = arith.constant 0 : i32
      %dma_wait3A_819 = tpu.memref_slice %arg2[%dma_wait3A_818] : memref<50000xi32, #tpu.memory_space<hbm>> -> memref<128xi32, #tpu.memory_space<hbm>>
      tpu.wait_dma2 semaphore(%arg12 : memref<!tpu.dma_semaphore, #tpu.memory_space<semaphore_mem>>) src(%dma_wait3A_819 : memref<128xi32, #tpu.memory_space<hbm>>) dst(%dma_wait3A_817 : memref<128xi32, #tpu.memory_space<vmem>>)
    } else {
    }
    %add3A_326 = arith.constant 384 : i32
    %add3A_327 = arith.addi %add3A, %add3A_326 : i32
    %lt3A_328 = arith.constant 390 : i32
    %lt3A_329 = arith.cmpi slt, %add3A_327, %lt3A_328 : i32
    %convert_element_type3A_330 = arith.extui %lt3A_329 : i1 to i32
    %cond3A_331 = arith.constant 0 : i32
    %cond3A_332 = arith.cmpi ne, %convert_element_type3A_330, %cond3A_331 : i32
    scf.if %cond3A_332 {
      %dma_wait3A = arith.constant 12 : i32
      %dma_wait3A_810 = arith.constant 0 : i32
      %dma_wait3A_811 = tpu.memref_slice %arg6[%dma_wait3A, %dma_wait3A_810] : memref<13x128xi32, #tpu.memory_space<vmem>> -> memref<1x128xi32, #tpu.memory_space<vmem>>
      %dma_wait3A_812 = tpu.memref_squeeze %dma_wait3A_811 : memref<1x128xi32, #tpu.memory_space<vmem>> -> memref<128xi32, #tpu.memory_space<vmem>>
      %dma_wait3A_813 = arith.constant 0 : i32
      %dma_wait3A_814 = tpu.memref_slice %arg2[%dma_wait3A_813] : memref<50000xi32, #tpu.memory_space<hbm>> -> memref<128xi32, #tpu.memory_space<hbm>>
      %dma_wait3A_815 = arith.constant 0 : i32
      %dma_wait3A_816 = tpu.memref_slice %arg6[%dma_wait3A, %dma_wait3A_815] : memref<13x128xi32, #tpu.memory_space<vmem>> -> memref<1x128xi32, #tpu.memory_space<vmem>>
      %dma_wait3A_817 = tpu.memref_squeeze %dma_wait3A_816 : memref<1x128xi32, #tpu.memory_space<vmem>> -> memref<128xi32, #tpu.memory_space<vmem>>
      %dma_wait3A_818 = arith.constant 0 : i32
      %dma_wait3A_819 = tpu.memref_slice %arg2[%dma_wait3A_818] : memref<50000xi32, #tpu.memory_space<hbm>> -> memref<128xi32, #tpu.memory_space<hbm>>
      tpu.wait_dma2 semaphore(%arg12 : memref<!tpu.dma_semaphore, #tpu.memory_space<semaphore_mem>>) src(%dma_wait3A_819 : memref<128xi32, #tpu.memory_space<hbm>>) dst(%dma_wait3A_817 : memref<128xi32, #tpu.memory_space<vmem>>)
    } else {
    }
    %barrier3A = arith.constant 0 : index
    tpu.barrier barrier_id(%barrier3A)
    %add3A_333 = arith.constant 0 : i32
    %add3A_334 = arith.addi %add3A, %add3A_333 : i32
    %lt3A_335 = arith.constant 390 : i32
    %lt3A_336 = arith.cmpi slt, %add3A_334, %lt3A_335 : i32
    %convert_element_type3A_337 = arith.extui %lt3A_336 : i1 to i32
    %cond3A_338 = arith.constant 0 : i32
    %cond3A_339 = arith.cmpi ne, %convert_element_type3A_337, %cond3A_338 : i32
    scf.if %cond3A_339 {
      %dma_start3A = arith.constant 0 : i32
      %dma_start3A_810 = arith.constant 0 : i32
      %dma_start3A_811 = arith.constant 0 : i32
      %dma_start3A_812 = arith.constant 0 : i32
      %dma_start3A_813 = tpu.memref_slice %arg7[%dma_start3A_810, %dma_start3A_811, %dma_start3A_812] : memref<4x128x128xf32, #tpu.memory_space<vmem>> -> memref<1x128x128xf32, #tpu.memory_space<vmem>>
      %dma_start3A_814 = tpu.memref_squeeze %dma_start3A_813 : memref<1x128x128xf32, #tpu.memory_space<vmem>> -> memref<128x128xf32, #tpu.memory_space<vmem>>
      %dma_start3A_815 = arith.constant 0 : i32
      %dma_start3A_816 = tpu.memref_slice %arg6[%dma_start3A, %dma_start3A_815] : memref<13x128xi32, #tpu.memory_space<vmem>> -> memref<1x128xi32, #tpu.memory_space<vmem>>
      %dma_start3A_817 = tpu.memref_squeeze %dma_start3A_816 : memref<1x128xi32, #tpu.memory_space<vmem>> -> memref<128xi32, #tpu.memory_space<vmem>>
      %dma_start3A_818 = arith.constant 0 : i32
      %dma_start3A_819 = arith.constant 0 : i32
      %dma_start3A_820 = tpu.memref_slice %arg11[%dma_start3A_818, %dma_start3A_819] : memref<87x128xf32, #tpu.memory_space<vmem_shared>> -> memref<87x128xf32, #tpu.memory_space<vmem_shared>>
      tpu.enqueue_indirect_dma source(%dma_start3A_820 : memref<87x128xf32, #tpu.memory_space<vmem_shared>>) target(%dma_start3A_814 : memref<128x128xf32, #tpu.memory_space<vmem>>) offsets(%dma_start3A_817 : memref<128xi32, #tpu.memory_space<vmem>>) semaphore(%arg15 : memref<!tpu.dma_semaphore, #tpu.memory_space<semaphore_mem>>)
    } else {
    }
    %add3A_340 = arith.constant 32 : i32
    %add3A_341 = arith.addi %add3A, %add3A_340 : i32
    %lt3A_342 = arith.constant 390 : i32
    %lt3A_343 = arith.cmpi slt, %add3A_341, %lt3A_342 : i32
    %convert_element_type3A_344 = arith.extui %lt3A_343 : i1 to i32
    %cond3A_345 = arith.constant 0 : i32
    %cond3A_346 = arith.cmpi ne, %convert_element_type3A_344, %cond3A_345 : i32
    scf.if %cond3A_346 {
      %dma_start3A = arith.constant 1 : i32
      %dma_start3A_810 = arith.constant 1 : i32
      %dma_start3A_811 = arith.constant 0 : i32
      %dma_start3A_812 = arith.constant 0 : i32
      %dma_start3A_813 = tpu.memref_slice %arg7[%dma_start3A_810, %dma_start3A_811, %dma_start3A_812] : memref<4x128x128xf32, #tpu.memory_space<vmem>> -> memref<1x128x128xf32, #tpu.memory_space<vmem>>
      %dma_start3A_814 = tpu.memref_squeeze %dma_start3A_813 : memref<1x128x128xf32, #tpu.memory_space<vmem>> -> memref<128x128xf32, #tpu.memory_space<vmem>>
      %dma_start3A_815 = arith.constant 0 : i32
      %dma_start3A_816 = tpu.memref_slice %arg6[%dma_start3A, %dma_start3A_815] : memref<13x128xi32, #tpu.memory_space<vmem>> -> memref<1x128xi32, #tpu.memory_space<vmem>>
      %dma_start3A_817 = tpu.memref_squeeze %dma_start3A_816 : memref<1x128xi32, #tpu.memory_space<vmem>> -> memref<128xi32, #tpu.memory_space<vmem>>
      %dma_start3A_818 = arith.constant 0 : i32
      %dma_start3A_819 = arith.constant 0 : i32
      %dma_start3A_820 = tpu.memref_slice %arg11[%dma_start3A_818, %dma_start3A_819] : memref<87x128xf32, #tpu.memory_space<vmem_shared>> -> memref<87x128xf32, #tpu.memory_space<vmem_shared>>
      tpu.enqueue_indirect_dma source(%dma_start3A_820 : memref<87x128xf32, #tpu.memory_space<vmem_shared>>) target(%dma_start3A_814 : memref<128x128xf32, #tpu.memory_space<vmem>>) offsets(%dma_start3A_817 : memref<128xi32, #tpu.memory_space<vmem>>) semaphore(%arg16 : memref<!tpu.dma_semaphore, #tpu.memory_space<semaphore_mem>>)
    } else {
    }
    %add3A_347 = arith.constant 0 : i32
    %add3A_348 = arith.addi %add3A, %add3A_347 : i32
    %lt3A_349 = arith.constant 390 : i32
    %lt3A_350 = arith.cmpi slt, %add3A_348, %lt3A_349 : i32
    %convert_element_type3A_351 = arith.extui %lt3A_350 : i1 to i32
    %cond3A_352 = arith.constant 0 : i32
    %cond3A_353 = arith.cmpi ne, %convert_element_type3A_351, %cond3A_352 : i32
    scf.if %cond3A_353 {
      %dma_wait3A = arith.constant 0 : i32
      %dma_wait3A_810 = arith.constant 0 : i32
      %dma_wait3A_811 = arith.constant 0 : i32
      %dma_wait3A_812 = arith.constant 0 : i32
      %dma_wait3A_813 = tpu.memref_slice %arg7[%dma_wait3A_810, %dma_wait3A_811, %dma_wait3A_812] : memref<4x128x128xf32, #tpu.memory_space<vmem>> -> memref<1x128x128xf32, #tpu.memory_space<vmem>>
      %dma_wait3A_814 = tpu.memref_squeeze %dma_wait3A_813 : memref<1x128x128xf32, #tpu.memory_space<vmem>> -> memref<128x128xf32, #tpu.memory_space<vmem>>
      %dma_wait3A_815 = arith.constant 0 : i32
      %dma_wait3A_816 = tpu.memref_slice %arg6[%dma_wait3A, %dma_wait3A_815] : memref<13x128xi32, #tpu.memory_space<vmem>> -> memref<1x128xi32, #tpu.memory_space<vmem>>
      %dma_wait3A_817 = tpu.memref_squeeze %dma_wait3A_816 : memref<1x128xi32, #tpu.memory_space<vmem>> -> memref<128xi32, #tpu.memory_space<vmem>>
      %dma_wait3A_818 = arith.constant 0 : i32
      %dma_wait3A_819 = arith.constant 0 : i32
      %dma_wait3A_820 = tpu.memref_slice %arg11[%dma_wait3A_818, %dma_wait3A_819] : memref<87x128xf32, #tpu.memory_space<vmem_shared>> -> memref<87x128xf32, #tpu.memory_space<vmem_shared>>
      tpu.wait_indirect_dma semaphore(%arg15 : memref<!tpu.dma_semaphore, #tpu.memory_space<semaphore_mem>>) src(%dma_wait3A_820 : memref<87x128xf32, #tpu.memory_space<vmem_shared>>) dst(%dma_wait3A_814 : memref<128x128xf32, #tpu.memory_space<vmem>>)
      %mul3A_821 = arith.constant 128 : i32
      %mul3A_822 = arith.muli %add3A_348, %mul3A_821 : i32
      %dma_start3A = arith.constant 0 : i32
      %dma_start3A_823 = arith.constant 0 : i32
      %dma_start3A_824 = arith.constant 0 : i32
      %dma_start3A_825 = tpu.memref_slice %arg7[%dma_start3A, %dma_start3A_823, %dma_start3A_824] : memref<4x128x128xf32, #tpu.memory_space<vmem>> -> memref<1x128x128xf32, #tpu.memory_space<vmem>>
      %dma_start3A_826 = tpu.memref_squeeze %dma_start3A_825 : memref<1x128x128xf32, #tpu.memory_space<vmem>> -> memref<128x128xf32, #tpu.memory_space<vmem>>
      %dma_start3A_827 = arith.constant 0 : i32
      %dma_start3A_828 = tpu.memref_slice %arg4[%mul3A_822, %dma_start3A_827] : memref<50000x128xf32, #tpu.memory_space<hbm>> -> memref<128x128xf32, #tpu.memory_space<hbm>>
      %dma_start3A_829 = arith.constant 0 : i32
      %dma_start3A_830 = tpu.memref_slice %arg4[%mul3A_822, %dma_start3A_829] : memref<50000x128xf32, #tpu.memory_space<hbm>> -> memref<128x128xf32, #tpu.memory_space<hbm>>
      %dma_start3A_831 = arith.constant 0 : i32
      %dma_start3A_832 = arith.constant 0 : i32
      %dma_start3A_833 = tpu.memref_slice %arg7[%dma_start3A, %dma_start3A_831, %dma_start3A_832] : memref<4x128x128xf32, #tpu.memory_space<vmem>> -> memref<1x128x128xf32, #tpu.memory_space<vmem>>
      %dma_start3A_834 = tpu.memref_squeeze %dma_start3A_833 : memref<1x128x128xf32, #tpu.memory_space<vmem>> -> memref<128x128xf32, #tpu.memory_space<vmem>>
      tpu.enqueue_dma source(%dma_start3A_834 : memref<128x128xf32, #tpu.memory_space<vmem>>) target(%dma_start3A_830 : memref<128x128xf32, #tpu.memory_space<hbm>>) target_semaphore(%arg19 : memref<!tpu.dma_semaphore, #tpu.memory_space<semaphore_mem>>)
    } else {
    }
    %add3A_354 = arith.constant 64 : i32
    %add3A_355 = arith.addi %add3A, %add3A_354 : i32
    %lt3A_356 = arith.constant 390 : i32
    %lt3A_357 = arith.cmpi slt, %add3A_355, %lt3A_356 : i32
    %convert_element_type3A_358 = arith.extui %lt3A_357 : i1 to i32
    %cond3A_359 = arith.constant 0 : i32
    %cond3A_360 = arith.cmpi ne, %convert_element_type3A_358, %cond3A_359 : i32
    scf.if %cond3A_360 {
      %dma_start3A = arith.constant 2 : i32
      %dma_start3A_810 = arith.constant 2 : i32
      %dma_start3A_811 = arith.constant 0 : i32
      %dma_start3A_812 = arith.constant 0 : i32
      %dma_start3A_813 = tpu.memref_slice %arg7[%dma_start3A_810, %dma_start3A_811, %dma_start3A_812] : memref<4x128x128xf32, #tpu.memory_space<vmem>> -> memref<1x128x128xf32, #tpu.memory_space<vmem>>
      %dma_start3A_814 = tpu.memref_squeeze %dma_start3A_813 : memref<1x128x128xf32, #tpu.memory_space<vmem>> -> memref<128x128xf32, #tpu.memory_space<vmem>>
      %dma_start3A_815 = arith.constant 0 : i32
      %dma_start3A_816 = tpu.memref_slice %arg6[%dma_start3A, %dma_start3A_815] : memref<13x128xi32, #tpu.memory_space<vmem>> -> memref<1x128xi32, #tpu.memory_space<vmem>>
      %dma_start3A_817 = tpu.memref_squeeze %dma_start3A_816 : memref<1x128xi32, #tpu.memory_space<vmem>> -> memref<128xi32, #tpu.memory_space<vmem>>
      %dma_start3A_818 = arith.constant 0 : i32
      %dma_start3A_819 = arith.constant 0 : i32
      %dma_start3A_820 = tpu.memref_slice %arg11[%dma_start3A_818, %dma_start3A_819] : memref<87x128xf32, #tpu.memory_space<vmem_shared>> -> memref<87x128xf32, #tpu.memory_space<vmem_shared>>
      tpu.enqueue_indirect_dma source(%dma_start3A_820 : memref<87x128xf32, #tpu.memory_space<vmem_shared>>) target(%dma_start3A_814 : memref<128x128xf32, #tpu.memory_space<vmem>>) offsets(%dma_start3A_817 : memref<128xi32, #tpu.memory_space<vmem>>) semaphore(%arg17 : memref<!tpu.dma_semaphore, #tpu.memory_space<semaphore_mem>>)
    } else {
    }
    %add3A_361 = arith.constant 32 : i32
    %add3A_362 = arith.addi %add3A, %add3A_361 : i32
    %lt3A_363 = arith.constant 390 : i32
    %lt3A_364 = arith.cmpi slt, %add3A_362, %lt3A_363 : i32
    %convert_element_type3A_365 = arith.extui %lt3A_364 : i1 to i32
    %cond3A_366 = arith.constant 0 : i32
    %cond3A_367 = arith.cmpi ne, %convert_element_type3A_365, %cond3A_366 : i32
    scf.if %cond3A_367 {
      %dma_wait3A = arith.constant 1 : i32
      %dma_wait3A_810 = arith.constant 1 : i32
      %dma_wait3A_811 = arith.constant 0 : i32
      %dma_wait3A_812 = arith.constant 0 : i32
      %dma_wait3A_813 = tpu.memref_slice %arg7[%dma_wait3A_810, %dma_wait3A_811, %dma_wait3A_812] : memref<4x128x128xf32, #tpu.memory_space<vmem>> -> memref<1x128x128xf32, #tpu.memory_space<vmem>>
      %dma_wait3A_814 = tpu.memref_squeeze %dma_wait3A_813 : memref<1x128x128xf32, #tpu.memory_space<vmem>> -> memref<128x128xf32, #tpu.memory_space<vmem>>
      %dma_wait3A_815 = arith.constant 0 : i32
      %dma_wait3A_816 = tpu.memref_slice %arg6[%dma_wait3A, %dma_wait3A_815] : memref<13x128xi32, #tpu.memory_space<vmem>> -> memref<1x128xi32, #tpu.memory_space<vmem>>
      %dma_wait3A_817 = tpu.memref_squeeze %dma_wait3A_816 : memref<1x128xi32, #tpu.memory_space<vmem>> -> memref<128xi32, #tpu.memory_space<vmem>>
      %dma_wait3A_818 = arith.constant 0 : i32
      %dma_wait3A_819 = arith.constant 0 : i32
      %dma_wait3A_820 = tpu.memref_slice %arg11[%dma_wait3A_818, %dma_wait3A_819] : memref<87x128xf32, #tpu.memory_space<vmem_shared>> -> memref<87x128xf32, #tpu.memory_space<vmem_shared>>
      tpu.wait_indirect_dma semaphore(%arg16 : memref<!tpu.dma_semaphore, #tpu.memory_space<semaphore_mem>>) src(%dma_wait3A_820 : memref<87x128xf32, #tpu.memory_space<vmem_shared>>) dst(%dma_wait3A_814 : memref<128x128xf32, #tpu.memory_space<vmem>>)
      %mul3A_821 = arith.constant 128 : i32
      %mul3A_822 = arith.muli %add3A_362, %mul3A_821 : i32
      %dma_start3A = arith.constant 1 : i32
      %dma_start3A_823 = arith.constant 0 : i32
      %dma_start3A_824 = arith.constant 0 : i32
      %dma_start3A_825 = tpu.memref_slice %arg7[%dma_start3A, %dma_start3A_823, %dma_start3A_824] : memref<4x128x128xf32, #tpu.memory_space<vmem>> -> memref<1x128x128xf32, #tpu.memory_space<vmem>>
      %dma_start3A_826 = tpu.memref_squeeze %dma_start3A_825 : memref<1x128x128xf32, #tpu.memory_space<vmem>> -> memref<128x128xf32, #tpu.memory_space<vmem>>
      %dma_start3A_827 = arith.constant 0 : i32
      %dma_start3A_828 = tpu.memref_slice %arg4[%mul3A_822, %dma_start3A_827] : memref<50000x128xf32, #tpu.memory_space<hbm>> -> memref<128x128xf32, #tpu.memory_space<hbm>>
      %dma_start3A_829 = arith.constant 0 : i32
      %dma_start3A_830 = tpu.memref_slice %arg4[%mul3A_822, %dma_start3A_829] : memref<50000x128xf32, #tpu.memory_space<hbm>> -> memref<128x128xf32, #tpu.memory_space<hbm>>
      %dma_start3A_831 = arith.constant 0 : i32
      %dma_start3A_832 = arith.constant 0 : i32
      %dma_start3A_833 = tpu.memref_slice %arg7[%dma_start3A, %dma_start3A_831, %dma_start3A_832] : memref<4x128x128xf32, #tpu.memory_space<vmem>> -> memref<1x128x128xf32, #tpu.memory_space<vmem>>
      %dma_start3A_834 = tpu.memref_squeeze %dma_start3A_833 : memref<1x128x128xf32, #tpu.memory_space<vmem>> -> memref<128x128xf32, #tpu.memory_space<vmem>>
      tpu.enqueue_dma source(%dma_start3A_834 : memref<128x128xf32, #tpu.memory_space<vmem>>) target(%dma_start3A_830 : memref<128x128xf32, #tpu.memory_space<hbm>>) target_semaphore(%arg20 : memref<!tpu.dma_semaphore, #tpu.memory_space<semaphore_mem>>)
    } else {
    }
    %add3A_368 = arith.constant 96 : i32
    %add3A_369 = arith.addi %add3A, %add3A_368 : i32
    %lt3A_370 = arith.constant 390 : i32
    %lt3A_371 = arith.cmpi slt, %add3A_369, %lt3A_370 : i32
    %convert_element_type3A_372 = arith.extui %lt3A_371 : i1 to i32
    %cond3A_373 = arith.constant 0 : i32
    %cond3A_374 = arith.cmpi ne, %convert_element_type3A_372, %cond3A_373 : i32
    scf.if %cond3A_374 {
      %dma_start3A = arith.constant 3 : i32
      %dma_start3A_810 = arith.constant 3 : i32
      %dma_start3A_811 = arith.constant 0 : i32
      %dma_start3A_812 = arith.constant 0 : i32
      %dma_start3A_813 = tpu.memref_slice %arg7[%dma_start3A_810, %dma_start3A_811, %dma_start3A_812] : memref<4x128x128xf32, #tpu.memory_space<vmem>> -> memref<1x128x128xf32, #tpu.memory_space<vmem>>
      %dma_start3A_814 = tpu.memref_squeeze %dma_start3A_813 : memref<1x128x128xf32, #tpu.memory_space<vmem>> -> memref<128x128xf32, #tpu.memory_space<vmem>>
      %dma_start3A_815 = arith.constant 0 : i32
      %dma_start3A_816 = tpu.memref_slice %arg6[%dma_start3A, %dma_start3A_815] : memref<13x128xi32, #tpu.memory_space<vmem>> -> memref<1x128xi32, #tpu.memory_space<vmem>>
      %dma_start3A_817 = tpu.memref_squeeze %dma_start3A_816 : memref<1x128xi32, #tpu.memory_space<vmem>> -> memref<128xi32, #tpu.memory_space<vmem>>
      %dma_start3A_818 = arith.constant 0 : i32
      %dma_start3A_819 = arith.constant 0 : i32
      %dma_start3A_820 = tpu.memref_slice %arg11[%dma_start3A_818, %dma_start3A_819] : memref<87x128xf32, #tpu.memory_space<vmem_shared>> -> memref<87x128xf32, #tpu.memory_space<vmem_shared>>
      tpu.enqueue_indirect_dma source(%dma_start3A_820 : memref<87x128xf32, #tpu.memory_space<vmem_shared>>) target(%dma_start3A_814 : memref<128x128xf32, #tpu.memory_space<vmem>>) offsets(%dma_start3A_817 : memref<128xi32, #tpu.memory_space<vmem>>) semaphore(%arg18 : memref<!tpu.dma_semaphore, #tpu.memory_space<semaphore_mem>>)
    } else {
    }
    %add3A_375 = arith.constant 64 : i32
    %add3A_376 = arith.addi %add3A, %add3A_375 : i32
    %lt3A_377 = arith.constant 390 : i32
    %lt3A_378 = arith.cmpi slt, %add3A_376, %lt3A_377 : i32
    %convert_element_type3A_379 = arith.extui %lt3A_378 : i1 to i32
    %cond3A_380 = arith.constant 0 : i32
    %cond3A_381 = arith.cmpi ne, %convert_element_type3A_379, %cond3A_380 : i32
    scf.if %cond3A_381 {
      %dma_wait3A = arith.constant 2 : i32
      %dma_wait3A_810 = arith.constant 2 : i32
      %dma_wait3A_811 = arith.constant 0 : i32
      %dma_wait3A_812 = arith.constant 0 : i32
      %dma_wait3A_813 = tpu.memref_slice %arg7[%dma_wait3A_810, %dma_wait3A_811, %dma_wait3A_812] : memref<4x128x128xf32, #tpu.memory_space<vmem>> -> memref<1x128x128xf32, #tpu.memory_space<vmem>>
      %dma_wait3A_814 = tpu.memref_squeeze %dma_wait3A_813 : memref<1x128x128xf32, #tpu.memory_space<vmem>> -> memref<128x128xf32, #tpu.memory_space<vmem>>
      %dma_wait3A_815 = arith.constant 0 : i32
      %dma_wait3A_816 = tpu.memref_slice %arg6[%dma_wait3A, %dma_wait3A_815] : memref<13x128xi32, #tpu.memory_space<vmem>> -> memref<1x128xi32, #tpu.memory_space<vmem>>
      %dma_wait3A_817 = tpu.memref_squeeze %dma_wait3A_816 : memref<1x128xi32, #tpu.memory_space<vmem>> -> memref<128xi32, #tpu.memory_space<vmem>>
      %dma_wait3A_818 = arith.constant 0 : i32
      %dma_wait3A_819 = arith.constant 0 : i32
      %dma_wait3A_820 = tpu.memref_slice %arg11[%dma_wait3A_818, %dma_wait3A_819] : memref<87x128xf32, #tpu.memory_space<vmem_shared>> -> memref<87x128xf32, #tpu.memory_space<vmem_shared>>
      tpu.wait_indirect_dma semaphore(%arg17 : memref<!tpu.dma_semaphore, #tpu.memory_space<semaphore_mem>>) src(%dma_wait3A_820 : memref<87x128xf32, #tpu.memory_space<vmem_shared>>) dst(%dma_wait3A_814 : memref<128x128xf32, #tpu.memory_space<vmem>>)
      %mul3A_821 = arith.constant 128 : i32
      %mul3A_822 = arith.muli %add3A_376, %mul3A_821 : i32
      %dma_start3A = arith.constant 2 : i32
      %dma_start3A_823 = arith.constant 0 : i32
      %dma_start3A_824 = arith.constant 0 : i32
      %dma_start3A_825 = tpu.memref_slice %arg7[%dma_start3A, %dma_start3A_823, %dma_start3A_824] : memref<4x128x128xf32, #tpu.memory_space<vmem>> -> memref<1x128x128xf32, #tpu.memory_space<vmem>>
      %dma_start3A_826 = tpu.memref_squeeze %dma_start3A_825 : memref<1x128x128xf32, #tpu.memory_space<vmem>> -> memref<128x128xf32, #tpu.memory_space<vmem>>
      %dma_start3A_827 = arith.constant 0 : i32
      %dma_start3A_828 = tpu.memref_slice %arg4[%mul3A_822, %dma_start3A_827] : memref<50000x128xf32, #tpu.memory_space<hbm>> -> memref<128x128xf32, #tpu.memory_space<hbm>>
      %dma_start3A_829 = arith.constant 0 : i32
      %dma_start3A_830 = tpu.memref_slice %arg4[%mul3A_822, %dma_start3A_829] : memref<50000x128xf32, #tpu.memory_space<hbm>> -> memref<128x128xf32, #tpu.memory_space<hbm>>
      %dma_start3A_831 = arith.constant 0 : i32
      %dma_start3A_832 = arith.constant 0 : i32
      %dma_start3A_833 = tpu.memref_slice %arg7[%dma_start3A, %dma_start3A_831, %dma_start3A_832] : memref<4x128x128xf32, #tpu.memory_space<vmem>> -> memref<1x128x128xf32, #tpu.memory_space<vmem>>
      %dma_start3A_834 = tpu.memref_squeeze %dma_start3A_833 : memref<1x128x128xf32, #tpu.memory_space<vmem>> -> memref<128x128xf32, #tpu.memory_space<vmem>>
      tpu.enqueue_dma source(%dma_start3A_834 : memref<128x128xf32, #tpu.memory_space<vmem>>) target(%dma_start3A_830 : memref<128x128xf32, #tpu.memory_space<hbm>>) target_semaphore(%arg21 : memref<!tpu.dma_semaphore, #tpu.memory_space<semaphore_mem>>)
    } else {
    }
    %add3A_382 = arith.constant 128 : i32
    %add3A_383 = arith.addi %add3A, %add3A_382 : i32
    %lt3A_384 = arith.constant 390 : i32
    %lt3A_385 = arith.cmpi slt, %add3A_383, %lt3A_384 : i32
    %convert_element_type3A_386 = arith.extui %lt3A_385 : i1 to i32
    %cond3A_387 = arith.constant 0 : i32
    %cond3A_388 = arith.cmpi ne, %convert_element_type3A_386, %cond3A_387 : i32
    scf.if %cond3A_388 {
      %dma_wait3A = arith.constant 0 : i32
      %dma_wait3A_810 = arith.constant 0 : i32
      %dma_wait3A_811 = arith.constant 0 : i32
      %dma_wait3A_812 = tpu.memref_slice %arg7[%dma_wait3A, %dma_wait3A_810, %dma_wait3A_811] : memref<4x128x128xf32, #tpu.memory_space<vmem>> -> memref<1x128x128xf32, #tpu.memory_space<vmem>>
      %dma_wait3A_813 = tpu.memref_squeeze %dma_wait3A_812 : memref<1x128x128xf32, #tpu.memory_space<vmem>> -> memref<128x128xf32, #tpu.memory_space<vmem>>
      %dma_wait3A_814 = arith.constant 0 : i32
      %dma_wait3A_815 = arith.constant 0 : i32
      %dma_wait3A_816 = tpu.memref_slice %arg4[%dma_wait3A_814, %dma_wait3A_815] : memref<50000x128xf32, #tpu.memory_space<hbm>> -> memref<128x128xf32, #tpu.memory_space<hbm>>
      %dma_wait3A_817 = arith.constant 0 : i32
      %dma_wait3A_818 = arith.constant 0 : i32
      %dma_wait3A_819 = tpu.memref_slice %arg4[%dma_wait3A_817, %dma_wait3A_818] : memref<50000x128xf32, #tpu.memory_space<hbm>> -> memref<128x128xf32, #tpu.memory_space<hbm>>
      %dma_wait3A_820 = arith.constant 0 : i32
      %dma_wait3A_821 = arith.constant 0 : i32
      %dma_wait3A_822 = tpu.memref_slice %arg7[%dma_wait3A, %dma_wait3A_820, %dma_wait3A_821] : memref<4x128x128xf32, #tpu.memory_space<vmem>> -> memref<1x128x128xf32, #tpu.memory_space<vmem>>
      %dma_wait3A_823 = tpu.memref_squeeze %dma_wait3A_822 : memref<1x128x128xf32, #tpu.memory_space<vmem>> -> memref<128x128xf32, #tpu.memory_space<vmem>>
      tpu.wait_dma2 semaphore(%arg19 : memref<!tpu.dma_semaphore, #tpu.memory_space<semaphore_mem>>) src(%dma_wait3A_823 : memref<128x128xf32, #tpu.memory_space<vmem>>) dst(%dma_wait3A_819 : memref<128x128xf32, #tpu.memory_space<hbm>>)
      %dma_start3A = arith.constant 4 : i32
      %dma_start3A_824 = arith.constant 0 : i32
      %dma_start3A_825 = arith.constant 0 : i32
      %dma_start3A_826 = arith.constant 0 : i32
      %dma_start3A_827 = tpu.memref_slice %arg7[%dma_start3A_824, %dma_start3A_825, %dma_start3A_826] : memref<4x128x128xf32, #tpu.memory_space<vmem>> -> memref<1x128x128xf32, #tpu.memory_space<vmem>>
      %dma_start3A_828 = tpu.memref_squeeze %dma_start3A_827 : memref<1x128x128xf32, #tpu.memory_space<vmem>> -> memref<128x128xf32, #tpu.memory_space<vmem>>
      %dma_start3A_829 = arith.constant 0 : i32
      %dma_start3A_830 = tpu.memref_slice %arg6[%dma_start3A, %dma_start3A_829] : memref<13x128xi32, #tpu.memory_space<vmem>> -> memref<1x128xi32, #tpu.memory_space<vmem>>
      %dma_start3A_831 = tpu.memref_squeeze %dma_start3A_830 : memref<1x128xi32, #tpu.memory_space<vmem>> -> memref<128xi32, #tpu.memory_space<vmem>>
      %dma_start3A_832 = arith.constant 0 : i32
      %dma_start3A_833 = arith.constant 0 : i32
      %dma_start3A_834 = tpu.memref_slice %arg11[%dma_start3A_832, %dma_start3A_833] : memref<87x128xf32, #tpu.memory_space<vmem_shared>> -> memref<87x128xf32, #tpu.memory_space<vmem_shared>>
      tpu.enqueue_indirect_dma source(%dma_start3A_834 : memref<87x128xf32, #tpu.memory_space<vmem_shared>>) target(%dma_start3A_828 : memref<128x128xf32, #tpu.memory_space<vmem>>) offsets(%dma_start3A_831 : memref<128xi32, #tpu.memory_space<vmem>>) semaphore(%arg15 : memref<!tpu.dma_semaphore, #tpu.memory_space<semaphore_mem>>)
    } else {
    }
    %add3A_389 = arith.constant 96 : i32
    %add3A_390 = arith.addi %add3A, %add3A_389 : i32
    %lt3A_391 = arith.constant 390 : i32
    %lt3A_392 = arith.cmpi slt, %add3A_390, %lt3A_391 : i32
    %convert_element_type3A_393 = arith.extui %lt3A_392 : i1 to i32
    %cond3A_394 = arith.constant 0 : i32
    %cond3A_395 = arith.cmpi ne, %convert_element_type3A_393, %cond3A_394 : i32
    scf.if %cond3A_395 {
      %dma_wait3A = arith.constant 3 : i32
      %dma_wait3A_810 = arith.constant 3 : i32
      %dma_wait3A_811 = arith.constant 0 : i32
      %dma_wait3A_812 = arith.constant 0 : i32
      %dma_wait3A_813 = tpu.memref_slice %arg7[%dma_wait3A_810, %dma_wait3A_811, %dma_wait3A_812] : memref<4x128x128xf32, #tpu.memory_space<vmem>> -> memref<1x128x128xf32, #tpu.memory_space<vmem>>
      %dma_wait3A_814 = tpu.memref_squeeze %dma_wait3A_813 : memref<1x128x128xf32, #tpu.memory_space<vmem>> -> memref<128x128xf32, #tpu.memory_space<vmem>>
      %dma_wait3A_815 = arith.constant 0 : i32
      %dma_wait3A_816 = tpu.memref_slice %arg6[%dma_wait3A, %dma_wait3A_815] : memref<13x128xi32, #tpu.memory_space<vmem>> -> memref<1x128xi32, #tpu.memory_space<vmem>>
      %dma_wait3A_817 = tpu.memref_squeeze %dma_wait3A_816 : memref<1x128xi32, #tpu.memory_space<vmem>> -> memref<128xi32, #tpu.memory_space<vmem>>
      %dma_wait3A_818 = arith.constant 0 : i32
      %dma_wait3A_819 = arith.constant 0 : i32
      %dma_wait3A_820 = tpu.memref_slice %arg11[%dma_wait3A_818, %dma_wait3A_819] : memref<87x128xf32, #tpu.memory_space<vmem_shared>> -> memref<87x128xf32, #tpu.memory_space<vmem_shared>>
      tpu.wait_indirect_dma semaphore(%arg18 : memref<!tpu.dma_semaphore, #tpu.memory_space<semaphore_mem>>) src(%dma_wait3A_820 : memref<87x128xf32, #tpu.memory_space<vmem_shared>>) dst(%dma_wait3A_814 : memref<128x128xf32, #tpu.memory_space<vmem>>)
      %mul3A_821 = arith.constant 128 : i32
      %mul3A_822 = arith.muli %add3A_390, %mul3A_821 : i32
      %dma_start3A = arith.constant 3 : i32
      %dma_start3A_823 = arith.constant 0 : i32
      %dma_start3A_824 = arith.constant 0 : i32
      %dma_start3A_825 = tpu.memref_slice %arg7[%dma_start3A, %dma_start3A_823, %dma_start3A_824] : memref<4x128x128xf32, #tpu.memory_space<vmem>> -> memref<1x128x128xf32, #tpu.memory_space<vmem>>
      %dma_start3A_826 = tpu.memref_squeeze %dma_start3A_825 : memref<1x128x128xf32, #tpu.memory_space<vmem>> -> memref<128x128xf32, #tpu.memory_space<vmem>>
      %dma_start3A_827 = arith.constant 0 : i32
      %dma_start3A_828 = tpu.memref_slice %arg4[%mul3A_822, %dma_start3A_827] : memref<50000x128xf32, #tpu.memory_space<hbm>> -> memref<128x128xf32, #tpu.memory_space<hbm>>
      %dma_start3A_829 = arith.constant 0 : i32
      %dma_start3A_830 = tpu.memref_slice %arg4[%mul3A_822, %dma_start3A_829] : memref<50000x128xf32, #tpu.memory_space<hbm>> -> memref<128x128xf32, #tpu.memory_space<hbm>>
      %dma_start3A_831 = arith.constant 0 : i32
      %dma_start3A_832 = arith.constant 0 : i32
      %dma_start3A_833 = tpu.memref_slice %arg7[%dma_start3A, %dma_start3A_831, %dma_start3A_832] : memref<4x128x128xf32, #tpu.memory_space<vmem>> -> memref<1x128x128xf32, #tpu.memory_space<vmem>>
      %dma_start3A_834 = tpu.memref_squeeze %dma_start3A_833 : memref<1x128x128xf32, #tpu.memory_space<vmem>> -> memref<128x128xf32, #tpu.memory_space<vmem>>
      tpu.enqueue_dma source(%dma_start3A_834 : memref<128x128xf32, #tpu.memory_space<vmem>>) target(%dma_start3A_830 : memref<128x128xf32, #tpu.memory_space<hbm>>) target_semaphore(%arg22 : memref<!tpu.dma_semaphore, #tpu.memory_space<semaphore_mem>>)
    } else {
    }
    %add3A_396 = arith.constant 160 : i32
    %add3A_397 = arith.addi %add3A, %add3A_396 : i32
    %lt3A_398 = arith.constant 390 : i32
    %lt3A_399 = arith.cmpi slt, %add3A_397, %lt3A_398 : i32
    %convert_element_type3A_400 = arith.extui %lt3A_399 : i1 to i32
    %cond3A_401 = arith.constant 0 : i32
    %cond3A_402 = arith.cmpi ne, %convert_element_type3A_400, %cond3A_401 : i32
    scf.if %cond3A_402 {
      %dma_wait3A = arith.constant 1 : i32
      %dma_wait3A_810 = arith.constant 0 : i32
      %dma_wait3A_811 = arith.constant 0 : i32
      %dma_wait3A_812 = tpu.memref_slice %arg7[%dma_wait3A, %dma_wait3A_810, %dma_wait3A_811] : memref<4x128x128xf32, #tpu.memory_space<vmem>> -> memref<1x128x128xf32, #tpu.memory_space<vmem>>
      %dma_wait3A_813 = tpu.memref_squeeze %dma_wait3A_812 : memref<1x128x128xf32, #tpu.memory_space<vmem>> -> memref<128x128xf32, #tpu.memory_space<vmem>>
      %dma_wait3A_814 = arith.constant 0 : i32
      %dma_wait3A_815 = arith.constant 0 : i32
      %dma_wait3A_816 = tpu.memref_slice %arg4[%dma_wait3A_814, %dma_wait3A_815] : memref<50000x128xf32, #tpu.memory_space<hbm>> -> memref<128x128xf32, #tpu.memory_space<hbm>>
      %dma_wait3A_817 = arith.constant 0 : i32
      %dma_wait3A_818 = arith.constant 0 : i32
      %dma_wait3A_819 = tpu.memref_slice %arg4[%dma_wait3A_817, %dma_wait3A_818] : memref<50000x128xf32, #tpu.memory_space<hbm>> -> memref<128x128xf32, #tpu.memory_space<hbm>>
      %dma_wait3A_820 = arith.constant 0 : i32
      %dma_wait3A_821 = arith.constant 0 : i32
      %dma_wait3A_822 = tpu.memref_slice %arg7[%dma_wait3A, %dma_wait3A_820, %dma_wait3A_821] : memref<4x128x128xf32, #tpu.memory_space<vmem>> -> memref<1x128x128xf32, #tpu.memory_space<vmem>>
      %dma_wait3A_823 = tpu.memref_squeeze %dma_wait3A_822 : memref<1x128x128xf32, #tpu.memory_space<vmem>> -> memref<128x128xf32, #tpu.memory_space<vmem>>
      tpu.wait_dma2 semaphore(%arg20 : memref<!tpu.dma_semaphore, #tpu.memory_space<semaphore_mem>>) src(%dma_wait3A_823 : memref<128x128xf32, #tpu.memory_space<vmem>>) dst(%dma_wait3A_819 : memref<128x128xf32, #tpu.memory_space<hbm>>)
      %dma_start3A = arith.constant 5 : i32
      %dma_start3A_824 = arith.constant 1 : i32
      %dma_start3A_825 = arith.constant 0 : i32
      %dma_start3A_826 = arith.constant 0 : i32
      %dma_start3A_827 = tpu.memref_slice %arg7[%dma_start3A_824, %dma_start3A_825, %dma_start3A_826] : memref<4x128x128xf32, #tpu.memory_space<vmem>> -> memref<1x128x128xf32, #tpu.memory_space<vmem>>
      %dma_start3A_828 = tpu.memref_squeeze %dma_start3A_827 : memref<1x128x128xf32, #tpu.memory_space<vmem>> -> memref<128x128xf32, #tpu.memory_space<vmem>>
      %dma_start3A_829 = arith.constant 0 : i32
      %dma_start3A_830 = tpu.memref_slice %arg6[%dma_start3A, %dma_start3A_829] : memref<13x128xi32, #tpu.memory_space<vmem>> -> memref<1x128xi32, #tpu.memory_space<vmem>>
      %dma_start3A_831 = tpu.memref_squeeze %dma_start3A_830 : memref<1x128xi32, #tpu.memory_space<vmem>> -> memref<128xi32, #tpu.memory_space<vmem>>
      %dma_start3A_832 = arith.constant 0 : i32
      %dma_start3A_833 = arith.constant 0 : i32
      %dma_start3A_834 = tpu.memref_slice %arg11[%dma_start3A_832, %dma_start3A_833] : memref<87x128xf32, #tpu.memory_space<vmem_shared>> -> memref<87x128xf32, #tpu.memory_space<vmem_shared>>
      tpu.enqueue_indirect_dma source(%dma_start3A_834 : memref<87x128xf32, #tpu.memory_space<vmem_shared>>) target(%dma_start3A_828 : memref<128x128xf32, #tpu.memory_space<vmem>>) offsets(%dma_start3A_831 : memref<128xi32, #tpu.memory_space<vmem>>) semaphore(%arg16 : memref<!tpu.dma_semaphore, #tpu.memory_space<semaphore_mem>>)
    } else {
    }
    %add3A_403 = arith.constant 128 : i32
    %add3A_404 = arith.addi %add3A, %add3A_403 : i32
    %lt3A_405 = arith.constant 390 : i32
    %lt3A_406 = arith.cmpi slt, %add3A_404, %lt3A_405 : i32
    %convert_element_type3A_407 = arith.extui %lt3A_406 : i1 to i32
    %cond3A_408 = arith.constant 0 : i32
    %cond3A_409 = arith.cmpi ne, %convert_element_type3A_407, %cond3A_408 : i32
    scf.if %cond3A_409 {
      %dma_wait3A = arith.constant 4 : i32
      %dma_wait3A_810 = arith.constant 0 : i32
      %dma_wait3A_811 = arith.constant 0 : i32
      %dma_wait3A_812 = arith.constant 0 : i32
      %dma_wait3A_813 = tpu.memref_slice %arg7[%dma_wait3A_810, %dma_wait3A_811, %dma_wait3A_812] : memref<4x128x128xf32, #tpu.memory_space<vmem>> -> memref<1x128x128xf32, #tpu.memory_space<vmem>>
      %dma_wait3A_814 = tpu.memref_squeeze %dma_wait3A_813 : memref<1x128x128xf32, #tpu.memory_space<vmem>> -> memref<128x128xf32, #tpu.memory_space<vmem>>
      %dma_wait3A_815 = arith.constant 0 : i32
      %dma_wait3A_816 = tpu.memref_slice %arg6[%dma_wait3A, %dma_wait3A_815] : memref<13x128xi32, #tpu.memory_space<vmem>> -> memref<1x128xi32, #tpu.memory_space<vmem>>
      %dma_wait3A_817 = tpu.memref_squeeze %dma_wait3A_816 : memref<1x128xi32, #tpu.memory_space<vmem>> -> memref<128xi32, #tpu.memory_space<vmem>>
      %dma_wait3A_818 = arith.constant 0 : i32
      %dma_wait3A_819 = arith.constant 0 : i32
      %dma_wait3A_820 = tpu.memref_slice %arg11[%dma_wait3A_818, %dma_wait3A_819] : memref<87x128xf32, #tpu.memory_space<vmem_shared>> -> memref<87x128xf32, #tpu.memory_space<vmem_shared>>
      tpu.wait_indirect_dma semaphore(%arg15 : memref<!tpu.dma_semaphore, #tpu.memory_space<semaphore_mem>>) src(%dma_wait3A_820 : memref<87x128xf32, #tpu.memory_space<vmem_shared>>) dst(%dma_wait3A_814 : memref<128x128xf32, #tpu.memory_space<vmem>>)
      %mul3A_821 = arith.constant 128 : i32
      %mul3A_822 = arith.muli %add3A_404, %mul3A_821 : i32
      %dma_start3A = arith.constant 0 : i32
      %dma_start3A_823 = arith.constant 0 : i32
      %dma_start3A_824 = arith.constant 0 : i32
      %dma_start3A_825 = tpu.memref_slice %arg7[%dma_start3A, %dma_start3A_823, %dma_start3A_824] : memref<4x128x128xf32, #tpu.memory_space<vmem>> -> memref<1x128x128xf32, #tpu.memory_space<vmem>>
      %dma_start3A_826 = tpu.memref_squeeze %dma_start3A_825 : memref<1x128x128xf32, #tpu.memory_space<vmem>> -> memref<128x128xf32, #tpu.memory_space<vmem>>
      %dma_start3A_827 = arith.constant 0 : i32
      %dma_start3A_828 = tpu.memref_slice %arg4[%mul3A_822, %dma_start3A_827] : memref<50000x128xf32, #tpu.memory_space<hbm>> -> memref<128x128xf32, #tpu.memory_space<hbm>>
      %dma_start3A_829 = arith.constant 0 : i32
      %dma_start3A_830 = tpu.memref_slice %arg4[%mul3A_822, %dma_start3A_829] : memref<50000x128xf32, #tpu.memory_space<hbm>> -> memref<128x128xf32, #tpu.memory_space<hbm>>
      %dma_start3A_831 = arith.constant 0 : i32
      %dma_start3A_832 = arith.constant 0 : i32
      %dma_start3A_833 = tpu.memref_slice %arg7[%dma_start3A, %dma_start3A_831, %dma_start3A_832] : memref<4x128x128xf32, #tpu.memory_space<vmem>> -> memref<1x128x128xf32, #tpu.memory_space<vmem>>
      %dma_start3A_834 = tpu.memref_squeeze %dma_start3A_833 : memref<1x128x128xf32, #tpu.memory_space<vmem>> -> memref<128x128xf32, #tpu.memory_space<vmem>>
      tpu.enqueue_dma source(%dma_start3A_834 : memref<128x128xf32, #tpu.memory_space<vmem>>) target(%dma_start3A_830 : memref<128x128xf32, #tpu.memory_space<hbm>>) target_semaphore(%arg19 : memref<!tpu.dma_semaphore, #tpu.memory_space<semaphore_mem>>)
    } else {
    }
    %add3A_410 = arith.constant 192 : i32
    %add3A_411 = arith.addi %add3A, %add3A_410 : i32
    %lt3A_412 = arith.constant 390 : i32
    %lt3A_413 = arith.cmpi slt, %add3A_411, %lt3A_412 : i32
    %convert_element_type3A_414 = arith.extui %lt3A_413 : i1 to i32
    %cond3A_415 = arith.constant 0 : i32
    %cond3A_416 = arith.cmpi ne, %convert_element_type3A_414, %cond3A_415 : i32
    scf.if %cond3A_416 {
      %dma_wait3A = arith.constant 2 : i32
      %dma_wait3A_810 = arith.constant 0 : i32
      %dma_wait3A_811 = arith.constant 0 : i32
      %dma_wait3A_812 = tpu.memref_slice %arg7[%dma_wait3A, %dma_wait3A_810, %dma_wait3A_811] : memref<4x128x128xf32, #tpu.memory_space<vmem>> -> memref<1x128x128xf32, #tpu.memory_space<vmem>>
      %dma_wait3A_813 = tpu.memref_squeeze %dma_wait3A_812 : memref<1x128x128xf32, #tpu.memory_space<vmem>> -> memref<128x128xf32, #tpu.memory_space<vmem>>
      %dma_wait3A_814 = arith.constant 0 : i32
      %dma_wait3A_815 = arith.constant 0 : i32
      %dma_wait3A_816 = tpu.memref_slice %arg4[%dma_wait3A_814, %dma_wait3A_815] : memref<50000x128xf32, #tpu.memory_space<hbm>> -> memref<128x128xf32, #tpu.memory_space<hbm>>
      %dma_wait3A_817 = arith.constant 0 : i32
      %dma_wait3A_818 = arith.constant 0 : i32
      %dma_wait3A_819 = tpu.memref_slice %arg4[%dma_wait3A_817, %dma_wait3A_818] : memref<50000x128xf32, #tpu.memory_space<hbm>> -> memref<128x128xf32, #tpu.memory_space<hbm>>
      %dma_wait3A_820 = arith.constant 0 : i32
      %dma_wait3A_821 = arith.constant 0 : i32
      %dma_wait3A_822 = tpu.memref_slice %arg7[%dma_wait3A, %dma_wait3A_820, %dma_wait3A_821] : memref<4x128x128xf32, #tpu.memory_space<vmem>> -> memref<1x128x128xf32, #tpu.memory_space<vmem>>
      %dma_wait3A_823 = tpu.memref_squeeze %dma_wait3A_822 : memref<1x128x128xf32, #tpu.memory_space<vmem>> -> memref<128x128xf32, #tpu.memory_space<vmem>>
      tpu.wait_dma2 semaphore(%arg21 : memref<!tpu.dma_semaphore, #tpu.memory_space<semaphore_mem>>) src(%dma_wait3A_823 : memref<128x128xf32, #tpu.memory_space<vmem>>) dst(%dma_wait3A_819 : memref<128x128xf32, #tpu.memory_space<hbm>>)
      %dma_start3A = arith.constant 6 : i32
      %dma_start3A_824 = arith.constant 2 : i32
      %dma_start3A_825 = arith.constant 0 : i32
      %dma_start3A_826 = arith.constant 0 : i32
      %dma_start3A_827 = tpu.memref_slice %arg7[%dma_start3A_824, %dma_start3A_825, %dma_start3A_826] : memref<4x128x128xf32, #tpu.memory_space<vmem>> -> memref<1x128x128xf32, #tpu.memory_space<vmem>>
      %dma_start3A_828 = tpu.memref_squeeze %dma_start3A_827 : memref<1x128x128xf32, #tpu.memory_space<vmem>> -> memref<128x128xf32, #tpu.memory_space<vmem>>
      %dma_start3A_829 = arith.constant 0 : i32
      %dma_start3A_830 = tpu.memref_slice %arg6[%dma_start3A, %dma_start3A_829] : memref<13x128xi32, #tpu.memory_space<vmem>> -> memref<1x128xi32, #tpu.memory_space<vmem>>
      %dma_start3A_831 = tpu.memref_squeeze %dma_start3A_830 : memref<1x128xi32, #tpu.memory_space<vmem>> -> memref<128xi32, #tpu.memory_space<vmem>>
      %dma_start3A_832 = arith.constant 0 : i32
      %dma_start3A_833 = arith.constant 0 : i32
      %dma_start3A_834 = tpu.memref_slice %arg11[%dma_start3A_832, %dma_start3A_833] : memref<87x128xf32, #tpu.memory_space<vmem_shared>> -> memref<87x128xf32, #tpu.memory_space<vmem_shared>>
      tpu.enqueue_indirect_dma source(%dma_start3A_834 : memref<87x128xf32, #tpu.memory_space<vmem_shared>>) target(%dma_start3A_828 : memref<128x128xf32, #tpu.memory_space<vmem>>) offsets(%dma_start3A_831 : memref<128xi32, #tpu.memory_space<vmem>>) semaphore(%arg17 : memref<!tpu.dma_semaphore, #tpu.memory_space<semaphore_mem>>)
    } else {
    }
    %add3A_417 = arith.constant 160 : i32
    %add3A_418 = arith.addi %add3A, %add3A_417 : i32
    %lt3A_419 = arith.constant 390 : i32
    %lt3A_420 = arith.cmpi slt, %add3A_418, %lt3A_419 : i32
    %convert_element_type3A_421 = arith.extui %lt3A_420 : i1 to i32
    %cond3A_422 = arith.constant 0 : i32
    %cond3A_423 = arith.cmpi ne, %convert_element_type3A_421, %cond3A_422 : i32
    scf.if %cond3A_423 {
      %dma_wait3A = arith.constant 5 : i32
      %dma_wait3A_810 = arith.constant 1 : i32
      %dma_wait3A_811 = arith.constant 0 : i32
      %dma_wait3A_812 = arith.constant 0 : i32
      %dma_wait3A_813 = tpu.memref_slice %arg7[%dma_wait3A_810, %dma_wait3A_811, %dma_wait3A_812] : memref<4x128x128xf32, #tpu.memory_space<vmem>> -> memref<1x128x128xf32, #tpu.memory_space<vmem>>
      %dma_wait3A_814 = tpu.memref_squeeze %dma_wait3A_813 : memref<1x128x128xf32, #tpu.memory_space<vmem>> -> memref<128x128xf32, #tpu.memory_space<vmem>>
      %dma_wait3A_815 = arith.constant 0 : i32
      %dma_wait3A_816 = tpu.memref_slice %arg6[%dma_wait3A, %dma_wait3A_815] : memref<13x128xi32, #tpu.memory_space<vmem>> -> memref<1x128xi32, #tpu.memory_space<vmem>>
      %dma_wait3A_817 = tpu.memref_squeeze %dma_wait3A_816 : memref<1x128xi32, #tpu.memory_space<vmem>> -> memref<128xi32, #tpu.memory_space<vmem>>
      %dma_wait3A_818 = arith.constant 0 : i32
      %dma_wait3A_819 = arith.constant 0 : i32
      %dma_wait3A_820 = tpu.memref_slice %arg11[%dma_wait3A_818, %dma_wait3A_819] : memref<87x128xf32, #tpu.memory_space<vmem_shared>> -> memref<87x128xf32, #tpu.memory_space<vmem_shared>>
      tpu.wait_indirect_dma semaphore(%arg16 : memref<!tpu.dma_semaphore, #tpu.memory_space<semaphore_mem>>) src(%dma_wait3A_820 : memref<87x128xf32, #tpu.memory_space<vmem_shared>>) dst(%dma_wait3A_814 : memref<128x128xf32, #tpu.memory_space<vmem>>)
      %mul3A_821 = arith.constant 128 : i32
      %mul3A_822 = arith.muli %add3A_418, %mul3A_821 : i32
      %dma_start3A = arith.constant 1 : i32
      %dma_start3A_823 = arith.constant 0 : i32
      %dma_start3A_824 = arith.constant 0 : i32
      %dma_start3A_825 = tpu.memref_slice %arg7[%dma_start3A, %dma_start3A_823, %dma_start3A_824] : memref<4x128x128xf32, #tpu.memory_space<vmem>> -> memref<1x128x128xf32, #tpu.memory_space<vmem>>
      %dma_start3A_826 = tpu.memref_squeeze %dma_start3A_825 : memref<1x128x128xf32, #tpu.memory_space<vmem>> -> memref<128x128xf32, #tpu.memory_space<vmem>>
      %dma_start3A_827 = arith.constant 0 : i32
      %dma_start3A_828 = tpu.memref_slice %arg4[%mul3A_822, %dma_start3A_827] : memref<50000x128xf32, #tpu.memory_space<hbm>> -> memref<128x128xf32, #tpu.memory_space<hbm>>
      %dma_start3A_829 = arith.constant 0 : i32
      %dma_start3A_830 = tpu.memref_slice %arg4[%mul3A_822, %dma_start3A_829] : memref<50000x128xf32, #tpu.memory_space<hbm>> -> memref<128x128xf32, #tpu.memory_space<hbm>>
      %dma_start3A_831 = arith.constant 0 : i32
      %dma_start3A_832 = arith.constant 0 : i32
      %dma_start3A_833 = tpu.memref_slice %arg7[%dma_start3A, %dma_start3A_831, %dma_start3A_832] : memref<4x128x128xf32, #tpu.memory_space<vmem>> -> memref<1x128x128xf32, #tpu.memory_space<vmem>>
      %dma_start3A_834 = tpu.memref_squeeze %dma_start3A_833 : memref<1x128x128xf32, #tpu.memory_space<vmem>> -> memref<128x128xf32, #tpu.memory_space<vmem>>
      tpu.enqueue_dma source(%dma_start3A_834 : memref<128x128xf32, #tpu.memory_space<vmem>>) target(%dma_start3A_830 : memref<128x128xf32, #tpu.memory_space<hbm>>) target_semaphore(%arg20 : memref<!tpu.dma_semaphore, #tpu.memory_space<semaphore_mem>>)
    } else {
    }
    %add3A_424 = arith.constant 224 : i32
    %add3A_425 = arith.addi %add3A, %add3A_424 : i32
    %lt3A_426 = arith.constant 390 : i32
    %lt3A_427 = arith.cmpi slt, %add3A_425, %lt3A_426 : i32
    %convert_element_type3A_428 = arith.extui %lt3A_427 : i1 to i32
    %cond3A_429 = arith.constant 0 : i32
    %cond3A_430 = arith.cmpi ne, %convert_element_type3A_428, %cond3A_429 : i32
    scf.if %cond3A_430 {
      %dma_wait3A = arith.constant 3 : i32
      %dma_wait3A_810 = arith.constant 0 : i32
      %dma_wait3A_811 = arith.constant 0 : i32
      %dma_wait3A_812 = tpu.memref_slice %arg7[%dma_wait3A, %dma_wait3A_810, %dma_wait3A_811] : memref<4x128x128xf32, #tpu.memory_space<vmem>> -> memref<1x128x128xf32, #tpu.memory_space<vmem>>
      %dma_wait3A_813 = tpu.memref_squeeze %dma_wait3A_812 : memref<1x128x128xf32, #tpu.memory_space<vmem>> -> memref<128x128xf32, #tpu.memory_space<vmem>>
      %dma_wait3A_814 = arith.constant 0 : i32
      %dma_wait3A_815 = arith.constant 0 : i32
      %dma_wait3A_816 = tpu.memref_slice %arg4[%dma_wait3A_814, %dma_wait3A_815] : memref<50000x128xf32, #tpu.memory_space<hbm>> -> memref<128x128xf32, #tpu.memory_space<hbm>>
      %dma_wait3A_817 = arith.constant 0 : i32
      %dma_wait3A_818 = arith.constant 0 : i32
      %dma_wait3A_819 = tpu.memref_slice %arg4[%dma_wait3A_817, %dma_wait3A_818] : memref<50000x128xf32, #tpu.memory_space<hbm>> -> memref<128x128xf32, #tpu.memory_space<hbm>>
      %dma_wait3A_820 = arith.constant 0 : i32
      %dma_wait3A_821 = arith.constant 0 : i32
      %dma_wait3A_822 = tpu.memref_slice %arg7[%dma_wait3A, %dma_wait3A_820, %dma_wait3A_821] : memref<4x128x128xf32, #tpu.memory_space<vmem>> -> memref<1x128x128xf32, #tpu.memory_space<vmem>>
      %dma_wait3A_823 = tpu.memref_squeeze %dma_wait3A_822 : memref<1x128x128xf32, #tpu.memory_space<vmem>> -> memref<128x128xf32, #tpu.memory_space<vmem>>
      tpu.wait_dma2 semaphore(%arg22 : memref<!tpu.dma_semaphore, #tpu.memory_space<semaphore_mem>>) src(%dma_wait3A_823 : memref<128x128xf32, #tpu.memory_space<vmem>>) dst(%dma_wait3A_819 : memref<128x128xf32, #tpu.memory_space<hbm>>)
      %dma_start3A = arith.constant 7 : i32
      %dma_start3A_824 = arith.constant 3 : i32
      %dma_start3A_825 = arith.constant 0 : i32
      %dma_start3A_826 = arith.constant 0 : i32
      %dma_start3A_827 = tpu.memref_slice %arg7[%dma_start3A_824, %dma_start3A_825, %dma_start3A_826] : memref<4x128x128xf32, #tpu.memory_space<vmem>> -> memref<1x128x128xf32, #tpu.memory_space<vmem>>
      %dma_start3A_828 = tpu.memref_squeeze %dma_start3A_827 : memref<1x128x128xf32, #tpu.memory_space<vmem>> -> memref<128x128xf32, #tpu.memory_space<vmem>>
      %dma_start3A_829 = arith.constant 0 : i32
      %dma_start3A_830 = tpu.memref_slice %arg6[%dma_start3A, %dma_start3A_829] : memref<13x128xi32, #tpu.memory_space<vmem>> -> memref<1x128xi32, #tpu.memory_space<vmem>>
      %dma_start3A_831 = tpu.memref_squeeze %dma_start3A_830 : memref<1x128xi32, #tpu.memory_space<vmem>> -> memref<128xi32, #tpu.memory_space<vmem>>
      %dma_start3A_832 = arith.constant 0 : i32
      %dma_start3A_833 = arith.constant 0 : i32
      %dma_start3A_834 = tpu.memref_slice %arg11[%dma_start3A_832, %dma_start3A_833] : memref<87x128xf32, #tpu.memory_space<vmem_shared>> -> memref<87x128xf32, #tpu.memory_space<vmem_shared>>
      tpu.enqueue_indirect_dma source(%dma_start3A_834 : memref<87x128xf32, #tpu.memory_space<vmem_shared>>) target(%dma_start3A_828 : memref<128x128xf32, #tpu.memory_space<vmem>>) offsets(%dma_start3A_831 : memref<128xi32, #tpu.memory_space<vmem>>) semaphore(%arg18 : memref<!tpu.dma_semaphore, #tpu.memory_space<semaphore_mem>>)
    } else {
    }
    %add3A_431 = arith.constant 192 : i32
    %add3A_432 = arith.addi %add3A, %add3A_431 : i32
    %lt3A_433 = arith.constant 390 : i32
    %lt3A_434 = arith.cmpi slt, %add3A_432, %lt3A_433 : i32
    %convert_element_type3A_435 = arith.extui %lt3A_434 : i1 to i32
    %cond3A_436 = arith.constant 0 : i32
    %cond3A_437 = arith.cmpi ne, %convert_element_type3A_435, %cond3A_436 : i32
    scf.if %cond3A_437 {
      %dma_wait3A = arith.constant 6 : i32
      %dma_wait3A_810 = arith.constant 2 : i32
      %dma_wait3A_811 = arith.constant 0 : i32
      %dma_wait3A_812 = arith.constant 0 : i32
      %dma_wait3A_813 = tpu.memref_slice %arg7[%dma_wait3A_810, %dma_wait3A_811, %dma_wait3A_812] : memref<4x128x128xf32, #tpu.memory_space<vmem>> -> memref<1x128x128xf32, #tpu.memory_space<vmem>>
      %dma_wait3A_814 = tpu.memref_squeeze %dma_wait3A_813 : memref<1x128x128xf32, #tpu.memory_space<vmem>> -> memref<128x128xf32, #tpu.memory_space<vmem>>
      %dma_wait3A_815 = arith.constant 0 : i32
      %dma_wait3A_816 = tpu.memref_slice %arg6[%dma_wait3A, %dma_wait3A_815] : memref<13x128xi32, #tpu.memory_space<vmem>> -> memref<1x128xi32, #tpu.memory_space<vmem>>
      %dma_wait3A_817 = tpu.memref_squeeze %dma_wait3A_816 : memref<1x128xi32, #tpu.memory_space<vmem>> -> memref<128xi32, #tpu.memory_space<vmem>>
      %dma_wait3A_818 = arith.constant 0 : i32
      %dma_wait3A_819 = arith.constant 0 : i32
      %dma_wait3A_820 = tpu.memref_slice %arg11[%dma_wait3A_818, %dma_wait3A_819] : memref<87x128xf32, #tpu.memory_space<vmem_shared>> -> memref<87x128xf32, #tpu.memory_space<vmem_shared>>
      tpu.wait_indirect_dma semaphore(%arg17 : memref<!tpu.dma_semaphore, #tpu.memory_space<semaphore_mem>>) src(%dma_wait3A_820 : memref<87x128xf32, #tpu.memory_space<vmem_shared>>) dst(%dma_wait3A_814 : memref<128x128xf32, #tpu.memory_space<vmem>>)
      %mul3A_821 = arith.constant 128 : i32
      %mul3A_822 = arith.muli %add3A_432, %mul3A_821 : i32
      %dma_start3A = arith.constant 2 : i32
      %dma_start3A_823 = arith.constant 0 : i32
      %dma_start3A_824 = arith.constant 0 : i32
      %dma_start3A_825 = tpu.memref_slice %arg7[%dma_start3A, %dma_start3A_823, %dma_start3A_824] : memref<4x128x128xf32, #tpu.memory_space<vmem>> -> memref<1x128x128xf32, #tpu.memory_space<vmem>>
      %dma_start3A_826 = tpu.memref_squeeze %dma_start3A_825 : memref<1x128x128xf32, #tpu.memory_space<vmem>> -> memref<128x128xf32, #tpu.memory_space<vmem>>
      %dma_start3A_827 = arith.constant 0 : i32
      %dma_start3A_828 = tpu.memref_slice %arg4[%mul3A_822, %dma_start3A_827] : memref<50000x128xf32, #tpu.memory_space<hbm>> -> memref<128x128xf32, #tpu.memory_space<hbm>>
      %dma_start3A_829 = arith.constant 0 : i32
      %dma_start3A_830 = tpu.memref_slice %arg4[%mul3A_822, %dma_start3A_829] : memref<50000x128xf32, #tpu.memory_space<hbm>> -> memref<128x128xf32, #tpu.memory_space<hbm>>
      %dma_start3A_831 = arith.constant 0 : i32
      %dma_start3A_832 = arith.constant 0 : i32
      %dma_start3A_833 = tpu.memref_slice %arg7[%dma_start3A, %dma_start3A_831, %dma_start3A_832] : memref<4x128x128xf32, #tpu.memory_space<vmem>> -> memref<1x128x128xf32, #tpu.memory_space<vmem>>
      %dma_start3A_834 = tpu.memref_squeeze %dma_start3A_833 : memref<1x128x128xf32, #tpu.memory_space<vmem>> -> memref<128x128xf32, #tpu.memory_space<vmem>>
      tpu.enqueue_dma source(%dma_start3A_834 : memref<128x128xf32, #tpu.memory_space<vmem>>) target(%dma_start3A_830 : memref<128x128xf32, #tpu.memory_space<hbm>>) target_semaphore(%arg21 : memref<!tpu.dma_semaphore, #tpu.memory_space<semaphore_mem>>)
    } else {
    }
    %add3A_438 = arith.constant 256 : i32
    %add3A_439 = arith.addi %add3A, %add3A_438 : i32
    %lt3A_440 = arith.constant 390 : i32
    %lt3A_441 = arith.cmpi slt, %add3A_439, %lt3A_440 : i32
    %convert_element_type3A_442 = arith.extui %lt3A_441 : i1 to i32
    %cond3A_443 = arith.constant 0 : i32
    %cond3A_444 = arith.cmpi ne, %convert_element_type3A_442, %cond3A_443 : i32
    scf.if %cond3A_444 {
      %dma_wait3A = arith.constant 0 : i32
      %dma_wait3A_810 = arith.constant 0 : i32
      %dma_wait3A_811 = arith.constant 0 : i32
      %dma_wait3A_812 = tpu.memref_slice %arg7[%dma_wait3A, %dma_wait3A_810, %dma_wait3A_811] : memref<4x128x128xf32, #tpu.memory_space<vmem>> -> memref<1x128x128xf32, #tpu.memory_space<vmem>>
      %dma_wait3A_813 = tpu.memref_squeeze %dma_wait3A_812 : memref<1x128x128xf32, #tpu.memory_space<vmem>> -> memref<128x128xf32, #tpu.memory_space<vmem>>
      %dma_wait3A_814 = arith.constant 0 : i32
      %dma_wait3A_815 = arith.constant 0 : i32
      %dma_wait3A_816 = tpu.memref_slice %arg4[%dma_wait3A_814, %dma_wait3A_815] : memref<50000x128xf32, #tpu.memory_space<hbm>> -> memref<128x128xf32, #tpu.memory_space<hbm>>
      %dma_wait3A_817 = arith.constant 0 : i32
      %dma_wait3A_818 = arith.constant 0 : i32
      %dma_wait3A_819 = tpu.memref_slice %arg4[%dma_wait3A_817, %dma_wait3A_818] : memref<50000x128xf32, #tpu.memory_space<hbm>> -> memref<128x128xf32, #tpu.memory_space<hbm>>
      %dma_wait3A_820 = arith.constant 0 : i32
      %dma_wait3A_821 = arith.constant 0 : i32
      %dma_wait3A_822 = tpu.memref_slice %arg7[%dma_wait3A, %dma_wait3A_820, %dma_wait3A_821] : memref<4x128x128xf32, #tpu.memory_space<vmem>> -> memref<1x128x128xf32, #tpu.memory_space<vmem>>
      %dma_wait3A_823 = tpu.memref_squeeze %dma_wait3A_822 : memref<1x128x128xf32, #tpu.memory_space<vmem>> -> memref<128x128xf32, #tpu.memory_space<vmem>>
      tpu.wait_dma2 semaphore(%arg19 : memref<!tpu.dma_semaphore, #tpu.memory_space<semaphore_mem>>) src(%dma_wait3A_823 : memref<128x128xf32, #tpu.memory_space<vmem>>) dst(%dma_wait3A_819 : memref<128x128xf32, #tpu.memory_space<hbm>>)
      %dma_start3A = arith.constant 8 : i32
      %dma_start3A_824 = arith.constant 0 : i32
      %dma_start3A_825 = arith.constant 0 : i32
      %dma_start3A_826 = arith.constant 0 : i32
      %dma_start3A_827 = tpu.memref_slice %arg7[%dma_start3A_824, %dma_start3A_825, %dma_start3A_826] : memref<4x128x128xf32, #tpu.memory_space<vmem>> -> memref<1x128x128xf32, #tpu.memory_space<vmem>>
      %dma_start3A_828 = tpu.memref_squeeze %dma_start3A_827 : memref<1x128x128xf32, #tpu.memory_space<vmem>> -> memref<128x128xf32, #tpu.memory_space<vmem>>
      %dma_start3A_829 = arith.constant 0 : i32
      %dma_start3A_830 = tpu.memref_slice %arg6[%dma_start3A, %dma_start3A_829] : memref<13x128xi32, #tpu.memory_space<vmem>> -> memref<1x128xi32, #tpu.memory_space<vmem>>
      %dma_start3A_831 = tpu.memref_squeeze %dma_start3A_830 : memref<1x128xi32, #tpu.memory_space<vmem>> -> memref<128xi32, #tpu.memory_space<vmem>>
      %dma_start3A_832 = arith.constant 0 : i32
      %dma_start3A_833 = arith.constant 0 : i32
      %dma_start3A_834 = tpu.memref_slice %arg11[%dma_start3A_832, %dma_start3A_833] : memref<87x128xf32, #tpu.memory_space<vmem_shared>> -> memref<87x128xf32, #tpu.memory_space<vmem_shared>>
      tpu.enqueue_indirect_dma source(%dma_start3A_834 : memref<87x128xf32, #tpu.memory_space<vmem_shared>>) target(%dma_start3A_828 : memref<128x128xf32, #tpu.memory_space<vmem>>) offsets(%dma_start3A_831 : memref<128xi32, #tpu.memory_space<vmem>>) semaphore(%arg15 : memref<!tpu.dma_semaphore, #tpu.memory_space<semaphore_mem>>)
    } else {
    }
    %add3A_445 = arith.constant 224 : i32
    %add3A_446 = arith.addi %add3A, %add3A_445 : i32
    %lt3A_447 = arith.constant 390 : i32
    %lt3A_448 = arith.cmpi slt, %add3A_446, %lt3A_447 : i32
    %convert_element_type3A_449 = arith.extui %lt3A_448 : i1 to i32
    %cond3A_450 = arith.constant 0 : i32
    %cond3A_451 = arith.cmpi ne, %convert_element_type3A_449, %cond3A_450 : i32
    scf.if %cond3A_451 {
      %dma_wait3A = arith.constant 7 : i32
      %dma_wait3A_810 = arith.constant 3 : i32
      %dma_wait3A_811 = arith.constant 0 : i32
      %dma_wait3A_812 = arith.constant 0 : i32
      %dma_wait3A_813 = tpu.memref_slice %arg7[%dma_wait3A_810, %dma_wait3A_811, %dma_wait3A_812] : memref<4x128x128xf32, #tpu.memory_space<vmem>> -> memref<1x128x128xf32, #tpu.memory_space<vmem>>
      %dma_wait3A_814 = tpu.memref_squeeze %dma_wait3A_813 : memref<1x128x128xf32, #tpu.memory_space<vmem>> -> memref<128x128xf32, #tpu.memory_space<vmem>>
      %dma_wait3A_815 = arith.constant 0 : i32
      %dma_wait3A_816 = tpu.memref_slice %arg6[%dma_wait3A, %dma_wait3A_815] : memref<13x128xi32, #tpu.memory_space<vmem>> -> memref<1x128xi32, #tpu.memory_space<vmem>>
      %dma_wait3A_817 = tpu.memref_squeeze %dma_wait3A_816 : memref<1x128xi32, #tpu.memory_space<vmem>> -> memref<128xi32, #tpu.memory_space<vmem>>
      %dma_wait3A_818 = arith.constant 0 : i32
      %dma_wait3A_819 = arith.constant 0 : i32
      %dma_wait3A_820 = tpu.memref_slice %arg11[%dma_wait3A_818, %dma_wait3A_819] : memref<87x128xf32, #tpu.memory_space<vmem_shared>> -> memref<87x128xf32, #tpu.memory_space<vmem_shared>>
      tpu.wait_indirect_dma semaphore(%arg18 : memref<!tpu.dma_semaphore, #tpu.memory_space<semaphore_mem>>) src(%dma_wait3A_820 : memref<87x128xf32, #tpu.memory_space<vmem_shared>>) dst(%dma_wait3A_814 : memref<128x128xf32, #tpu.memory_space<vmem>>)
      %mul3A_821 = arith.constant 128 : i32
      %mul3A_822 = arith.muli %add3A_446, %mul3A_821 : i32
      %dma_start3A = arith.constant 3 : i32
      %dma_start3A_823 = arith.constant 0 : i32
      %dma_start3A_824 = arith.constant 0 : i32
      %dma_start3A_825 = tpu.memref_slice %arg7[%dma_start3A, %dma_start3A_823, %dma_start3A_824] : memref<4x128x128xf32, #tpu.memory_space<vmem>> -> memref<1x128x128xf32, #tpu.memory_space<vmem>>
      %dma_start3A_826 = tpu.memref_squeeze %dma_start3A_825 : memref<1x128x128xf32, #tpu.memory_space<vmem>> -> memref<128x128xf32, #tpu.memory_space<vmem>>
      %dma_start3A_827 = arith.constant 0 : i32
      %dma_start3A_828 = tpu.memref_slice %arg4[%mul3A_822, %dma_start3A_827] : memref<50000x128xf32, #tpu.memory_space<hbm>> -> memref<128x128xf32, #tpu.memory_space<hbm>>
      %dma_start3A_829 = arith.constant 0 : i32
      %dma_start3A_830 = tpu.memref_slice %arg4[%mul3A_822, %dma_start3A_829] : memref<50000x128xf32, #tpu.memory_space<hbm>> -> memref<128x128xf32, #tpu.memory_space<hbm>>
      %dma_start3A_831 = arith.constant 0 : i32
      %dma_start3A_832 = arith.constant 0 : i32
      %dma_start3A_833 = tpu.memref_slice %arg7[%dma_start3A, %dma_start3A_831, %dma_start3A_832] : memref<4x128x128xf32, #tpu.memory_space<vmem>> -> memref<1x128x128xf32, #tpu.memory_space<vmem>>
      %dma_start3A_834 = tpu.memref_squeeze %dma_start3A_833 : memref<1x128x128xf32, #tpu.memory_space<vmem>> -> memref<128x128xf32, #tpu.memory_space<vmem>>
      tpu.enqueue_dma source(%dma_start3A_834 : memref<128x128xf32, #tpu.memory_space<vmem>>) target(%dma_start3A_830 : memref<128x128xf32, #tpu.memory_space<hbm>>) target_semaphore(%arg22 : memref<!tpu.dma_semaphore, #tpu.memory_space<semaphore_mem>>)
    } else {
    }
    %add3A_452 = arith.constant 288 : i32
    %add3A_453 = arith.addi %add3A, %add3A_452 : i32
    %lt3A_454 = arith.constant 390 : i32
    %lt3A_455 = arith.cmpi slt, %add3A_453, %lt3A_454 : i32
    %convert_element_type3A_456 = arith.extui %lt3A_455 : i1 to i32
    %cond3A_457 = arith.constant 0 : i32
    %cond3A_458 = arith.cmpi ne, %convert_element_type3A_456, %cond3A_457 : i32
    scf.if %cond3A_458 {
      %dma_wait3A = arith.constant 1 : i32
      %dma_wait3A_810 = arith.constant 0 : i32
      %dma_wait3A_811 = arith.constant 0 : i32
      %dma_wait3A_812 = tpu.memref_slice %arg7[%dma_wait3A, %dma_wait3A_810, %dma_wait3A_811] : memref<4x128x128xf32, #tpu.memory_space<vmem>> -> memref<1x128x128xf32, #tpu.memory_space<vmem>>
      %dma_wait3A_813 = tpu.memref_squeeze %dma_wait3A_812 : memref<1x128x128xf32, #tpu.memory_space<vmem>> -> memref<128x128xf32, #tpu.memory_space<vmem>>
      %dma_wait3A_814 = arith.constant 0 : i32
      %dma_wait3A_815 = arith.constant 0 : i32
      %dma_wait3A_816 = tpu.memref_slice %arg4[%dma_wait3A_814, %dma_wait3A_815] : memref<50000x128xf32, #tpu.memory_space<hbm>> -> memref<128x128xf32, #tpu.memory_space<hbm>>
      %dma_wait3A_817 = arith.constant 0 : i32
      %dma_wait3A_818 = arith.constant 0 : i32
      %dma_wait3A_819 = tpu.memref_slice %arg4[%dma_wait3A_817, %dma_wait3A_818] : memref<50000x128xf32, #tpu.memory_space<hbm>> -> memref<128x128xf32, #tpu.memory_space<hbm>>
      %dma_wait3A_820 = arith.constant 0 : i32
      %dma_wait3A_821 = arith.constant 0 : i32
      %dma_wait3A_822 = tpu.memref_slice %arg7[%dma_wait3A, %dma_wait3A_820, %dma_wait3A_821] : memref<4x128x128xf32, #tpu.memory_space<vmem>> -> memref<1x128x128xf32, #tpu.memory_space<vmem>>
      %dma_wait3A_823 = tpu.memref_squeeze %dma_wait3A_822 : memref<1x128x128xf32, #tpu.memory_space<vmem>> -> memref<128x128xf32, #tpu.memory_space<vmem>>
      tpu.wait_dma2 semaphore(%arg20 : memref<!tpu.dma_semaphore, #tpu.memory_space<semaphore_mem>>) src(%dma_wait3A_823 : memref<128x128xf32, #tpu.memory_space<vmem>>) dst(%dma_wait3A_819 : memref<128x128xf32, #tpu.memory_space<hbm>>)
      %dma_start3A = arith.constant 9 : i32
      %dma_start3A_824 = arith.constant 1 : i32
      %dma_start3A_825 = arith.constant 0 : i32
      %dma_start3A_826 = arith.constant 0 : i32
      %dma_start3A_827 = tpu.memref_slice %arg7[%dma_start3A_824, %dma_start3A_825, %dma_start3A_826] : memref<4x128x128xf32, #tpu.memory_space<vmem>> -> memref<1x128x128xf32, #tpu.memory_space<vmem>>
      %dma_start3A_828 = tpu.memref_squeeze %dma_start3A_827 : memref<1x128x128xf32, #tpu.memory_space<vmem>> -> memref<128x128xf32, #tpu.memory_space<vmem>>
      %dma_start3A_829 = arith.constant 0 : i32
      %dma_start3A_830 = tpu.memref_slice %arg6[%dma_start3A, %dma_start3A_829] : memref<13x128xi32, #tpu.memory_space<vmem>> -> memref<1x128xi32, #tpu.memory_space<vmem>>
      %dma_start3A_831 = tpu.memref_squeeze %dma_start3A_830 : memref<1x128xi32, #tpu.memory_space<vmem>> -> memref<128xi32, #tpu.memory_space<vmem>>
      %dma_start3A_832 = arith.constant 0 : i32
      %dma_start3A_833 = arith.constant 0 : i32
      %dma_start3A_834 = tpu.memref_slice %arg11[%dma_start3A_832, %dma_start3A_833] : memref<87x128xf32, #tpu.memory_space<vmem_shared>> -> memref<87x128xf32, #tpu.memory_space<vmem_shared>>
      tpu.enqueue_indirect_dma source(%dma_start3A_834 : memref<87x128xf32, #tpu.memory_space<vmem_shared>>) target(%dma_start3A_828 : memref<128x128xf32, #tpu.memory_space<vmem>>) offsets(%dma_start3A_831 : memref<128xi32, #tpu.memory_space<vmem>>) semaphore(%arg16 : memref<!tpu.dma_semaphore, #tpu.memory_space<semaphore_mem>>)
    } else {
    }
    %add3A_459 = arith.constant 256 : i32
    %add3A_460 = arith.addi %add3A, %add3A_459 : i32
    %lt3A_461 = arith.constant 390 : i32
    %lt3A_462 = arith.cmpi slt, %add3A_460, %lt3A_461 : i32
    %convert_element_type3A_463 = arith.extui %lt3A_462 : i1 to i32
    %cond3A_464 = arith.constant 0 : i32
    %cond3A_465 = arith.cmpi ne, %convert_element_type3A_463, %cond3A_464 : i32
    scf.if %cond3A_465 {
      %dma_wait3A = arith.constant 8 : i32
      %dma_wait3A_810 = arith.constant 0 : i32
      %dma_wait3A_811 = arith.constant 0 : i32
      %dma_wait3A_812 = arith.constant 0 : i32
      %dma_wait3A_813 = tpu.memref_slice %arg7[%dma_wait3A_810, %dma_wait3A_811, %dma_wait3A_812] : memref<4x128x128xf32, #tpu.memory_space<vmem>> -> memref<1x128x128xf32, #tpu.memory_space<vmem>>
      %dma_wait3A_814 = tpu.memref_squeeze %dma_wait3A_813 : memref<1x128x128xf32, #tpu.memory_space<vmem>> -> memref<128x128xf32, #tpu.memory_space<vmem>>
      %dma_wait3A_815 = arith.constant 0 : i32
      %dma_wait3A_816 = tpu.memref_slice %arg6[%dma_wait3A, %dma_wait3A_815] : memref<13x128xi32, #tpu.memory_space<vmem>> -> memref<1x128xi32, #tpu.memory_space<vmem>>
      %dma_wait3A_817 = tpu.memref_squeeze %dma_wait3A_816 : memref<1x128xi32, #tpu.memory_space<vmem>> -> memref<128xi32, #tpu.memory_space<vmem>>
      %dma_wait3A_818 = arith.constant 0 : i32
      %dma_wait3A_819 = arith.constant 0 : i32
      %dma_wait3A_820 = tpu.memref_slice %arg11[%dma_wait3A_818, %dma_wait3A_819] : memref<87x128xf32, #tpu.memory_space<vmem_shared>> -> memref<87x128xf32, #tpu.memory_space<vmem_shared>>
      tpu.wait_indirect_dma semaphore(%arg15 : memref<!tpu.dma_semaphore, #tpu.memory_space<semaphore_mem>>) src(%dma_wait3A_820 : memref<87x128xf32, #tpu.memory_space<vmem_shared>>) dst(%dma_wait3A_814 : memref<128x128xf32, #tpu.memory_space<vmem>>)
      %mul3A_821 = arith.constant 128 : i32
      %mul3A_822 = arith.muli %add3A_460, %mul3A_821 : i32
      %dma_start3A = arith.constant 0 : i32
      %dma_start3A_823 = arith.constant 0 : i32
      %dma_start3A_824 = arith.constant 0 : i32
      %dma_start3A_825 = tpu.memref_slice %arg7[%dma_start3A, %dma_start3A_823, %dma_start3A_824] : memref<4x128x128xf32, #tpu.memory_space<vmem>> -> memref<1x128x128xf32, #tpu.memory_space<vmem>>
      %dma_start3A_826 = tpu.memref_squeeze %dma_start3A_825 : memref<1x128x128xf32, #tpu.memory_space<vmem>> -> memref<128x128xf32, #tpu.memory_space<vmem>>
      %dma_start3A_827 = arith.constant 0 : i32
      %dma_start3A_828 = tpu.memref_slice %arg4[%mul3A_822, %dma_start3A_827] : memref<50000x128xf32, #tpu.memory_space<hbm>> -> memref<128x128xf32, #tpu.memory_space<hbm>>
      %dma_start3A_829 = arith.constant 0 : i32
      %dma_start3A_830 = tpu.memref_slice %arg4[%mul3A_822, %dma_start3A_829] : memref<50000x128xf32, #tpu.memory_space<hbm>> -> memref<128x128xf32, #tpu.memory_space<hbm>>
      %dma_start3A_831 = arith.constant 0 : i32
      %dma_start3A_832 = arith.constant 0 : i32
      %dma_start3A_833 = tpu.memref_slice %arg7[%dma_start3A, %dma_start3A_831, %dma_start3A_832] : memref<4x128x128xf32, #tpu.memory_space<vmem>> -> memref<1x128x128xf32, #tpu.memory_space<vmem>>
      %dma_start3A_834 = tpu.memref_squeeze %dma_start3A_833 : memref<1x128x128xf32, #tpu.memory_space<vmem>> -> memref<128x128xf32, #tpu.memory_space<vmem>>
      tpu.enqueue_dma source(%dma_start3A_834 : memref<128x128xf32, #tpu.memory_space<vmem>>) target(%dma_start3A_830 : memref<128x128xf32, #tpu.memory_space<hbm>>) target_semaphore(%arg19 : memref<!tpu.dma_semaphore, #tpu.memory_space<semaphore_mem>>)
    } else {
    }
    %add3A_466 = arith.constant 320 : i32
    %add3A_467 = arith.addi %add3A, %add3A_466 : i32
    %lt3A_468 = arith.constant 390 : i32
    %lt3A_469 = arith.cmpi slt, %add3A_467, %lt3A_468 : i32
    %convert_element_type3A_470 = arith.extui %lt3A_469 : i1 to i32
    %cond3A_471 = arith.constant 0 : i32
    %cond3A_472 = arith.cmpi ne, %convert_element_type3A_470, %cond3A_471 : i32
    scf.if %cond3A_472 {
      %dma_wait3A = arith.constant 2 : i32
      %dma_wait3A_810 = arith.constant 0 : i32
      %dma_wait3A_811 = arith.constant 0 : i32
      %dma_wait3A_812 = tpu.memref_slice %arg7[%dma_wait3A, %dma_wait3A_810, %dma_wait3A_811] : memref<4x128x128xf32, #tpu.memory_space<vmem>> -> memref<1x128x128xf32, #tpu.memory_space<vmem>>
      %dma_wait3A_813 = tpu.memref_squeeze %dma_wait3A_812 : memref<1x128x128xf32, #tpu.memory_space<vmem>> -> memref<128x128xf32, #tpu.memory_space<vmem>>
      %dma_wait3A_814 = arith.constant 0 : i32
      %dma_wait3A_815 = arith.constant 0 : i32
      %dma_wait3A_816 = tpu.memref_slice %arg4[%dma_wait3A_814, %dma_wait3A_815] : memref<50000x128xf32, #tpu.memory_space<hbm>> -> memref<128x128xf32, #tpu.memory_space<hbm>>
      %dma_wait3A_817 = arith.constant 0 : i32
      %dma_wait3A_818 = arith.constant 0 : i32
      %dma_wait3A_819 = tpu.memref_slice %arg4[%dma_wait3A_817, %dma_wait3A_818] : memref<50000x128xf32, #tpu.memory_space<hbm>> -> memref<128x128xf32, #tpu.memory_space<hbm>>
      %dma_wait3A_820 = arith.constant 0 : i32
      %dma_wait3A_821 = arith.constant 0 : i32
      %dma_wait3A_822 = tpu.memref_slice %arg7[%dma_wait3A, %dma_wait3A_820, %dma_wait3A_821] : memref<4x128x128xf32, #tpu.memory_space<vmem>> -> memref<1x128x128xf32, #tpu.memory_space<vmem>>
      %dma_wait3A_823 = tpu.memref_squeeze %dma_wait3A_822 : memref<1x128x128xf32, #tpu.memory_space<vmem>> -> memref<128x128xf32, #tpu.memory_space<vmem>>
      tpu.wait_dma2 semaphore(%arg21 : memref<!tpu.dma_semaphore, #tpu.memory_space<semaphore_mem>>) src(%dma_wait3A_823 : memref<128x128xf32, #tpu.memory_space<vmem>>) dst(%dma_wait3A_819 : memref<128x128xf32, #tpu.memory_space<hbm>>)
      %dma_start3A = arith.constant 10 : i32
      %dma_start3A_824 = arith.constant 2 : i32
      %dma_start3A_825 = arith.constant 0 : i32
      %dma_start3A_826 = arith.constant 0 : i32
      %dma_start3A_827 = tpu.memref_slice %arg7[%dma_start3A_824, %dma_start3A_825, %dma_start3A_826] : memref<4x128x128xf32, #tpu.memory_space<vmem>> -> memref<1x128x128xf32, #tpu.memory_space<vmem>>
      %dma_start3A_828 = tpu.memref_squeeze %dma_start3A_827 : memref<1x128x128xf32, #tpu.memory_space<vmem>> -> memref<128x128xf32, #tpu.memory_space<vmem>>
      %dma_start3A_829 = arith.constant 0 : i32
      %dma_start3A_830 = tpu.memref_slice %arg6[%dma_start3A, %dma_start3A_829] : memref<13x128xi32, #tpu.memory_space<vmem>> -> memref<1x128xi32, #tpu.memory_space<vmem>>
      %dma_start3A_831 = tpu.memref_squeeze %dma_start3A_830 : memref<1x128xi32, #tpu.memory_space<vmem>> -> memref<128xi32, #tpu.memory_space<vmem>>
      %dma_start3A_832 = arith.constant 0 : i32
      %dma_start3A_833 = arith.constant 0 : i32
      %dma_start3A_834 = tpu.memref_slice %arg11[%dma_start3A_832, %dma_start3A_833] : memref<87x128xf32, #tpu.memory_space<vmem_shared>> -> memref<87x128xf32, #tpu.memory_space<vmem_shared>>
      tpu.enqueue_indirect_dma source(%dma_start3A_834 : memref<87x128xf32, #tpu.memory_space<vmem_shared>>) target(%dma_start3A_828 : memref<128x128xf32, #tpu.memory_space<vmem>>) offsets(%dma_start3A_831 : memref<128xi32, #tpu.memory_space<vmem>>) semaphore(%arg17 : memref<!tpu.dma_semaphore, #tpu.memory_space<semaphore_mem>>)
    } else {
    }
    %add3A_473 = arith.constant 288 : i32
    %add3A_474 = arith.addi %add3A, %add3A_473 : i32
    %lt3A_475 = arith.constant 390 : i32
    %lt3A_476 = arith.cmpi slt, %add3A_474, %lt3A_475 : i32
    %convert_element_type3A_477 = arith.extui %lt3A_476 : i1 to i32
    %cond3A_478 = arith.constant 0 : i32
    %cond3A_479 = arith.cmpi ne, %convert_element_type3A_477, %cond3A_478 : i32
    scf.if %cond3A_479 {
      %dma_wait3A = arith.constant 9 : i32
      %dma_wait3A_810 = arith.constant 1 : i32
      %dma_wait3A_811 = arith.constant 0 : i32
      %dma_wait3A_812 = arith.constant 0 : i32
      %dma_wait3A_813 = tpu.memref_slice %arg7[%dma_wait3A_810, %dma_wait3A_811, %dma_wait3A_812] : memref<4x128x128xf32, #tpu.memory_space<vmem>> -> memref<1x128x128xf32, #tpu.memory_space<vmem>>
      %dma_wait3A_814 = tpu.memref_squeeze %dma_wait3A_813 : memref<1x128x128xf32, #tpu.memory_space<vmem>> -> memref<128x128xf32, #tpu.memory_space<vmem>>
      %dma_wait3A_815 = arith.constant 0 : i32
      %dma_wait3A_816 = tpu.memref_slice %arg6[%dma_wait3A, %dma_wait3A_815] : memref<13x128xi32, #tpu.memory_space<vmem>> -> memref<1x128xi32, #tpu.memory_space<vmem>>
      %dma_wait3A_817 = tpu.memref_squeeze %dma_wait3A_816 : memref<1x128xi32, #tpu.memory_space<vmem>> -> memref<128xi32, #tpu.memory_space<vmem>>
      %dma_wait3A_818 = arith.constant 0 : i32
      %dma_wait3A_819 = arith.constant 0 : i32
      %dma_wait3A_820 = tpu.memref_slice %arg11[%dma_wait3A_818, %dma_wait3A_819] : memref<87x128xf32, #tpu.memory_space<vmem_shared>> -> memref<87x128xf32, #tpu.memory_space<vmem_shared>>
      tpu.wait_indirect_dma semaphore(%arg16 : memref<!tpu.dma_semaphore, #tpu.memory_space<semaphore_mem>>) src(%dma_wait3A_820 : memref<87x128xf32, #tpu.memory_space<vmem_shared>>) dst(%dma_wait3A_814 : memref<128x128xf32, #tpu.memory_space<vmem>>)
      %mul3A_821 = arith.constant 128 : i32
      %mul3A_822 = arith.muli %add3A_474, %mul3A_821 : i32
      %dma_start3A = arith.constant 1 : i32
      %dma_start3A_823 = arith.constant 0 : i32
      %dma_start3A_824 = arith.constant 0 : i32
      %dma_start3A_825 = tpu.memref_slice %arg7[%dma_start3A, %dma_start3A_823, %dma_start3A_824] : memref<4x128x128xf32, #tpu.memory_space<vmem>> -> memref<1x128x128xf32, #tpu.memory_space<vmem>>
      %dma_start3A_826 = tpu.memref_squeeze %dma_start3A_825 : memref<1x128x128xf32, #tpu.memory_space<vmem>> -> memref<128x128xf32, #tpu.memory_space<vmem>>
      %dma_start3A_827 = arith.constant 0 : i32
      %dma_start3A_828 = tpu.memref_slice %arg4[%mul3A_822, %dma_start3A_827] : memref<50000x128xf32, #tpu.memory_space<hbm>> -> memref<128x128xf32, #tpu.memory_space<hbm>>
      %dma_start3A_829 = arith.constant 0 : i32
      %dma_start3A_830 = tpu.memref_slice %arg4[%mul3A_822, %dma_start3A_829] : memref<50000x128xf32, #tpu.memory_space<hbm>> -> memref<128x128xf32, #tpu.memory_space<hbm>>
      %dma_start3A_831 = arith.constant 0 : i32
      %dma_start3A_832 = arith.constant 0 : i32
      %dma_start3A_833 = tpu.memref_slice %arg7[%dma_start3A, %dma_start3A_831, %dma_start3A_832] : memref<4x128x128xf32, #tpu.memory_space<vmem>> -> memref<1x128x128xf32, #tpu.memory_space<vmem>>
      %dma_start3A_834 = tpu.memref_squeeze %dma_start3A_833 : memref<1x128x128xf32, #tpu.memory_space<vmem>> -> memref<128x128xf32, #tpu.memory_space<vmem>>
      tpu.enqueue_dma source(%dma_start3A_834 : memref<128x128xf32, #tpu.memory_space<vmem>>) target(%dma_start3A_830 : memref<128x128xf32, #tpu.memory_space<hbm>>) target_semaphore(%arg20 : memref<!tpu.dma_semaphore, #tpu.memory_space<semaphore_mem>>)
    } else {
    }
    %add3A_480 = arith.constant 352 : i32
    %add3A_481 = arith.addi %add3A, %add3A_480 : i32
    %lt3A_482 = arith.constant 390 : i32
    %lt3A_483 = arith.cmpi slt, %add3A_481, %lt3A_482 : i32
    %convert_element_type3A_484 = arith.extui %lt3A_483 : i1 to i32
    %cond3A_485 = arith.constant 0 : i32
    %cond3A_486 = arith.cmpi ne, %convert_element_type3A_484, %cond3A_485 : i32
    scf.if %cond3A_486 {
      %dma_wait3A = arith.constant 3 : i32
      %dma_wait3A_810 = arith.constant 0 : i32
      %dma_wait3A_811 = arith.constant 0 : i32
      %dma_wait3A_812 = tpu.memref_slice %arg7[%dma_wait3A, %dma_wait3A_810, %dma_wait3A_811] : memref<4x128x128xf32, #tpu.memory_space<vmem>> -> memref<1x128x128xf32, #tpu.memory_space<vmem>>
      %dma_wait3A_813 = tpu.memref_squeeze %dma_wait3A_812 : memref<1x128x128xf32, #tpu.memory_space<vmem>> -> memref<128x128xf32, #tpu.memory_space<vmem>>
      %dma_wait3A_814 = arith.constant 0 : i32
      %dma_wait3A_815 = arith.constant 0 : i32
      %dma_wait3A_816 = tpu.memref_slice %arg4[%dma_wait3A_814, %dma_wait3A_815] : memref<50000x128xf32, #tpu.memory_space<hbm>> -> memref<128x128xf32, #tpu.memory_space<hbm>>
      %dma_wait3A_817 = arith.constant 0 : i32
      %dma_wait3A_818 = arith.constant 0 : i32
      %dma_wait3A_819 = tpu.memref_slice %arg4[%dma_wait3A_817, %dma_wait3A_818] : memref<50000x128xf32, #tpu.memory_space<hbm>> -> memref<128x128xf32, #tpu.memory_space<hbm>>
      %dma_wait3A_820 = arith.constant 0 : i32
      %dma_wait3A_821 = arith.constant 0 : i32
      %dma_wait3A_822 = tpu.memref_slice %arg7[%dma_wait3A, %dma_wait3A_820, %dma_wait3A_821] : memref<4x128x128xf32, #tpu.memory_space<vmem>> -> memref<1x128x128xf32, #tpu.memory_space<vmem>>
      %dma_wait3A_823 = tpu.memref_squeeze %dma_wait3A_822 : memref<1x128x128xf32, #tpu.memory_space<vmem>> -> memref<128x128xf32, #tpu.memory_space<vmem>>
      tpu.wait_dma2 semaphore(%arg22 : memref<!tpu.dma_semaphore, #tpu.memory_space<semaphore_mem>>) src(%dma_wait3A_823 : memref<128x128xf32, #tpu.memory_space<vmem>>) dst(%dma_wait3A_819 : memref<128x128xf32, #tpu.memory_space<hbm>>)
      %dma_start3A = arith.constant 11 : i32
      %dma_start3A_824 = arith.constant 3 : i32
      %dma_start3A_825 = arith.constant 0 : i32
      %dma_start3A_826 = arith.constant 0 : i32
      %dma_start3A_827 = tpu.memref_slice %arg7[%dma_start3A_824, %dma_start3A_825, %dma_start3A_826] : memref<4x128x128xf32, #tpu.memory_space<vmem>> -> memref<1x128x128xf32, #tpu.memory_space<vmem>>
      %dma_start3A_828 = tpu.memref_squeeze %dma_start3A_827 : memref<1x128x128xf32, #tpu.memory_space<vmem>> -> memref<128x128xf32, #tpu.memory_space<vmem>>
      %dma_start3A_829 = arith.constant 0 : i32
      %dma_start3A_830 = tpu.memref_slice %arg6[%dma_start3A, %dma_start3A_829] : memref<13x128xi32, #tpu.memory_space<vmem>> -> memref<1x128xi32, #tpu.memory_space<vmem>>
      %dma_start3A_831 = tpu.memref_squeeze %dma_start3A_830 : memref<1x128xi32, #tpu.memory_space<vmem>> -> memref<128xi32, #tpu.memory_space<vmem>>
      %dma_start3A_832 = arith.constant 0 : i32
      %dma_start3A_833 = arith.constant 0 : i32
      %dma_start3A_834 = tpu.memref_slice %arg11[%dma_start3A_832, %dma_start3A_833] : memref<87x128xf32, #tpu.memory_space<vmem_shared>> -> memref<87x128xf32, #tpu.memory_space<vmem_shared>>
      tpu.enqueue_indirect_dma source(%dma_start3A_834 : memref<87x128xf32, #tpu.memory_space<vmem_shared>>) target(%dma_start3A_828 : memref<128x128xf32, #tpu.memory_space<vmem>>) offsets(%dma_start3A_831 : memref<128xi32, #tpu.memory_space<vmem>>) semaphore(%arg18 : memref<!tpu.dma_semaphore, #tpu.memory_space<semaphore_mem>>)
    } else {
    }
    %add3A_487 = arith.constant 320 : i32
    %add3A_488 = arith.addi %add3A, %add3A_487 : i32
    %lt3A_489 = arith.constant 390 : i32
    %lt3A_490 = arith.cmpi slt, %add3A_488, %lt3A_489 : i32
    %convert_element_type3A_491 = arith.extui %lt3A_490 : i1 to i32
    %cond3A_492 = arith.constant 0 : i32
    %cond3A_493 = arith.cmpi ne, %convert_element_type3A_491, %cond3A_492 : i32
    scf.if %cond3A_493 {
      %dma_wait3A = arith.constant 10 : i32
      %dma_wait3A_810 = arith.constant 2 : i32
      %dma_wait3A_811 = arith.constant 0 : i32
      %dma_wait3A_812 = arith.constant 0 : i32
      %dma_wait3A_813 = tpu.memref_slice %arg7[%dma_wait3A_810, %dma_wait3A_811, %dma_wait3A_812] : memref<4x128x128xf32, #tpu.memory_space<vmem>> -> memref<1x128x128xf32, #tpu.memory_space<vmem>>
      %dma_wait3A_814 = tpu.memref_squeeze %dma_wait3A_813 : memref<1x128x128xf32, #tpu.memory_space<vmem>> -> memref<128x128xf32, #tpu.memory_space<vmem>>
      %dma_wait3A_815 = arith.constant 0 : i32
      %dma_wait3A_816 = tpu.memref_slice %arg6[%dma_wait3A, %dma_wait3A_815] : memref<13x128xi32, #tpu.memory_space<vmem>> -> memref<1x128xi32, #tpu.memory_space<vmem>>
      %dma_wait3A_817 = tpu.memref_squeeze %dma_wait3A_816 : memref<1x128xi32, #tpu.memory_space<vmem>> -> memref<128xi32, #tpu.memory_space<vmem>>
      %dma_wait3A_818 = arith.constant 0 : i32
      %dma_wait3A_819 = arith.constant 0 : i32
      %dma_wait3A_820 = tpu.memref_slice %arg11[%dma_wait3A_818, %dma_wait3A_819] : memref<87x128xf32, #tpu.memory_space<vmem_shared>> -> memref<87x128xf32, #tpu.memory_space<vmem_shared>>
      tpu.wait_indirect_dma semaphore(%arg17 : memref<!tpu.dma_semaphore, #tpu.memory_space<semaphore_mem>>) src(%dma_wait3A_820 : memref<87x128xf32, #tpu.memory_space<vmem_shared>>) dst(%dma_wait3A_814 : memref<128x128xf32, #tpu.memory_space<vmem>>)
      %mul3A_821 = arith.constant 128 : i32
      %mul3A_822 = arith.muli %add3A_488, %mul3A_821 : i32
      %dma_start3A = arith.constant 2 : i32
      %dma_start3A_823 = arith.constant 0 : i32
      %dma_start3A_824 = arith.constant 0 : i32
      %dma_start3A_825 = tpu.memref_slice %arg7[%dma_start3A, %dma_start3A_823, %dma_start3A_824] : memref<4x128x128xf32, #tpu.memory_space<vmem>> -> memref<1x128x128xf32, #tpu.memory_space<vmem>>
      %dma_start3A_826 = tpu.memref_squeeze %dma_start3A_825 : memref<1x128x128xf32, #tpu.memory_space<vmem>> -> memref<128x128xf32, #tpu.memory_space<vmem>>
      %dma_start3A_827 = arith.constant 0 : i32
      %dma_start3A_828 = tpu.memref_slice %arg4[%mul3A_822, %dma_start3A_827] : memref<50000x128xf32, #tpu.memory_space<hbm>> -> memref<128x128xf32, #tpu.memory_space<hbm>>
      %dma_start3A_829 = arith.constant 0 : i32
      %dma_start3A_830 = tpu.memref_slice %arg4[%mul3A_822, %dma_start3A_829] : memref<50000x128xf32, #tpu.memory_space<hbm>> -> memref<128x128xf32, #tpu.memory_space<hbm>>
      %dma_start3A_831 = arith.constant 0 : i32
      %dma_start3A_832 = arith.constant 0 : i32
      %dma_start3A_833 = tpu.memref_slice %arg7[%dma_start3A, %dma_start3A_831, %dma_start3A_832] : memref<4x128x128xf32, #tpu.memory_space<vmem>> -> memref<1x128x128xf32, #tpu.memory_space<vmem>>
      %dma_start3A_834 = tpu.memref_squeeze %dma_start3A_833 : memref<1x128x128xf32, #tpu.memory_space<vmem>> -> memref<128x128xf32, #tpu.memory_space<vmem>>
      tpu.enqueue_dma source(%dma_start3A_834 : memref<128x128xf32, #tpu.memory_space<vmem>>) target(%dma_start3A_830 : memref<128x128xf32, #tpu.memory_space<hbm>>) target_semaphore(%arg21 : memref<!tpu.dma_semaphore, #tpu.memory_space<semaphore_mem>>)
    } else {
    }
    %add3A_494 = arith.constant 384 : i32
    %add3A_495 = arith.addi %add3A, %add3A_494 : i32
    %lt3A_496 = arith.constant 390 : i32
    %lt3A_497 = arith.cmpi slt, %add3A_495, %lt3A_496 : i32
    %convert_element_type3A_498 = arith.extui %lt3A_497 : i1 to i32
    %cond3A_499 = arith.constant 0 : i32
    %cond3A_500 = arith.cmpi ne, %convert_element_type3A_498, %cond3A_499 : i32
    scf.if %cond3A_500 {
      %dma_wait3A = arith.constant 0 : i32
      %dma_wait3A_810 = arith.constant 0 : i32
      %dma_wait3A_811 = arith.constant 0 : i32
      %dma_wait3A_812 = tpu.memref_slice %arg7[%dma_wait3A, %dma_wait3A_810, %dma_wait3A_811] : memref<4x128x128xf32, #tpu.memory_space<vmem>> -> memref<1x128x128xf32, #tpu.memory_space<vmem>>
      %dma_wait3A_813 = tpu.memref_squeeze %dma_wait3A_812 : memref<1x128x128xf32, #tpu.memory_space<vmem>> -> memref<128x128xf32, #tpu.memory_space<vmem>>
      %dma_wait3A_814 = arith.constant 0 : i32
      %dma_wait3A_815 = arith.constant 0 : i32
      %dma_wait3A_816 = tpu.memref_slice %arg4[%dma_wait3A_814, %dma_wait3A_815] : memref<50000x128xf32, #tpu.memory_space<hbm>> -> memref<128x128xf32, #tpu.memory_space<hbm>>
      %dma_wait3A_817 = arith.constant 0 : i32
      %dma_wait3A_818 = arith.constant 0 : i32
      %dma_wait3A_819 = tpu.memref_slice %arg4[%dma_wait3A_817, %dma_wait3A_818] : memref<50000x128xf32, #tpu.memory_space<hbm>> -> memref<128x128xf32, #tpu.memory_space<hbm>>
      %dma_wait3A_820 = arith.constant 0 : i32
      %dma_wait3A_821 = arith.constant 0 : i32
      %dma_wait3A_822 = tpu.memref_slice %arg7[%dma_wait3A, %dma_wait3A_820, %dma_wait3A_821] : memref<4x128x128xf32, #tpu.memory_space<vmem>> -> memref<1x128x128xf32, #tpu.memory_space<vmem>>
      %dma_wait3A_823 = tpu.memref_squeeze %dma_wait3A_822 : memref<1x128x128xf32, #tpu.memory_space<vmem>> -> memref<128x128xf32, #tpu.memory_space<vmem>>
      tpu.wait_dma2 semaphore(%arg19 : memref<!tpu.dma_semaphore, #tpu.memory_space<semaphore_mem>>) src(%dma_wait3A_823 : memref<128x128xf32, #tpu.memory_space<vmem>>) dst(%dma_wait3A_819 : memref<128x128xf32, #tpu.memory_space<hbm>>)
      %dma_start3A = arith.constant 12 : i32
      %dma_start3A_824 = arith.constant 0 : i32
      %dma_start3A_825 = arith.constant 0 : i32
      %dma_start3A_826 = arith.constant 0 : i32
      %dma_start3A_827 = tpu.memref_slice %arg7[%dma_start3A_824, %dma_start3A_825, %dma_start3A_826] : memref<4x128x128xf32, #tpu.memory_space<vmem>> -> memref<1x128x128xf32, #tpu.memory_space<vmem>>
      %dma_start3A_828 = tpu.memref_squeeze %dma_start3A_827 : memref<1x128x128xf32, #tpu.memory_space<vmem>> -> memref<128x128xf32, #tpu.memory_space<vmem>>
      %dma_start3A_829 = arith.constant 0 : i32
      %dma_start3A_830 = tpu.memref_slice %arg6[%dma_start3A, %dma_start3A_829] : memref<13x128xi32, #tpu.memory_space<vmem>> -> memref<1x128xi32, #tpu.memory_space<vmem>>
      %dma_start3A_831 = tpu.memref_squeeze %dma_start3A_830 : memref<1x128xi32, #tpu.memory_space<vmem>> -> memref<128xi32, #tpu.memory_space<vmem>>
      %dma_start3A_832 = arith.constant 0 : i32
      %dma_start3A_833 = arith.constant 0 : i32
      %dma_start3A_834 = tpu.memref_slice %arg11[%dma_start3A_832, %dma_start3A_833] : memref<87x128xf32, #tpu.memory_space<vmem_shared>> -> memref<87x128xf32, #tpu.memory_space<vmem_shared>>
      tpu.enqueue_indirect_dma source(%dma_start3A_834 : memref<87x128xf32, #tpu.memory_space<vmem_shared>>) target(%dma_start3A_828 : memref<128x128xf32, #tpu.memory_space<vmem>>) offsets(%dma_start3A_831 : memref<128xi32, #tpu.memory_space<vmem>>) semaphore(%arg15 : memref<!tpu.dma_semaphore, #tpu.memory_space<semaphore_mem>>)
    } else {
    }
    %add3A_501 = arith.constant 352 : i32
    %add3A_502 = arith.addi %add3A, %add3A_501 : i32
    %lt3A_503 = arith.constant 390 : i32
    %lt3A_504 = arith.cmpi slt, %add3A_502, %lt3A_503 : i32
    %convert_element_type3A_505 = arith.extui %lt3A_504 : i1 to i32
    %cond3A_506 = arith.constant 0 : i32
    %cond3A_507 = arith.cmpi ne, %convert_element_type3A_505, %cond3A_506 : i32
    scf.if %cond3A_507 {
      %dma_wait3A = arith.constant 11 : i32
      %dma_wait3A_810 = arith.constant 3 : i32
      %dma_wait3A_811 = arith.constant 0 : i32
      %dma_wait3A_812 = arith.constant 0 : i32
      %dma_wait3A_813 = tpu.memref_slice %arg7[%dma_wait3A_810, %dma_wait3A_811, %dma_wait3A_812] : memref<4x128x128xf32, #tpu.memory_space<vmem>> -> memref<1x128x128xf32, #tpu.memory_space<vmem>>
      %dma_wait3A_814 = tpu.memref_squeeze %dma_wait3A_813 : memref<1x128x128xf32, #tpu.memory_space<vmem>> -> memref<128x128xf32, #tpu.memory_space<vmem>>
      %dma_wait3A_815 = arith.constant 0 : i32
      %dma_wait3A_816 = tpu.memref_slice %arg6[%dma_wait3A, %dma_wait3A_815] : memref<13x128xi32, #tpu.memory_space<vmem>> -> memref<1x128xi32, #tpu.memory_space<vmem>>
      %dma_wait3A_817 = tpu.memref_squeeze %dma_wait3A_816 : memref<1x128xi32, #tpu.memory_space<vmem>> -> memref<128xi32, #tpu.memory_space<vmem>>
      %dma_wait3A_818 = arith.constant 0 : i32
      %dma_wait3A_819 = arith.constant 0 : i32
      %dma_wait3A_820 = tpu.memref_slice %arg11[%dma_wait3A_818, %dma_wait3A_819] : memref<87x128xf32, #tpu.memory_space<vmem_shared>> -> memref<87x128xf32, #tpu.memory_space<vmem_shared>>
      tpu.wait_indirect_dma semaphore(%arg18 : memref<!tpu.dma_semaphore, #tpu.memory_space<semaphore_mem>>) src(%dma_wait3A_820 : memref<87x128xf32, #tpu.memory_space<vmem_shared>>) dst(%dma_wait3A_814 : memref<128x128xf32, #tpu.memory_space<vmem>>)
      %mul3A_821 = arith.constant 128 : i32
      %mul3A_822 = arith.muli %add3A_502, %mul3A_821 : i32
      %dma_start3A = arith.constant 3 : i32
      %dma_start3A_823 = arith.constant 0 : i32
      %dma_start3A_824 = arith.constant 0 : i32
      %dma_start3A_825 = tpu.memref_slice %arg7[%dma_start3A, %dma_start3A_823, %dma_start3A_824] : memref<4x128x128xf32, #tpu.memory_space<vmem>> -> memref<1x128x128xf32, #tpu.memory_space<vmem>>
      %dma_start3A_826 = tpu.memref_squeeze %dma_start3A_825 : memref<1x128x128xf32, #tpu.memory_space<vmem>> -> memref<128x128xf32, #tpu.memory_space<vmem>>
      %dma_start3A_827 = arith.constant 0 : i32
      %dma_start3A_828 = tpu.memref_slice %arg4[%mul3A_822, %dma_start3A_827] : memref<50000x128xf32, #tpu.memory_space<hbm>> -> memref<128x128xf32, #tpu.memory_space<hbm>>
      %dma_start3A_829 = arith.constant 0 : i32
      %dma_start3A_830 = tpu.memref_slice %arg4[%mul3A_822, %dma_start3A_829] : memref<50000x128xf32, #tpu.memory_space<hbm>> -> memref<128x128xf32, #tpu.memory_space<hbm>>
      %dma_start3A_831 = arith.constant 0 : i32
      %dma_start3A_832 = arith.constant 0 : i32
      %dma_start3A_833 = tpu.memref_slice %arg7[%dma_start3A, %dma_start3A_831, %dma_start3A_832] : memref<4x128x128xf32, #tpu.memory_space<vmem>> -> memref<1x128x128xf32, #tpu.memory_space<vmem>>
      %dma_start3A_834 = tpu.memref_squeeze %dma_start3A_833 : memref<1x128x128xf32, #tpu.memory_space<vmem>> -> memref<128x128xf32, #tpu.memory_space<vmem>>
      tpu.enqueue_dma source(%dma_start3A_834 : memref<128x128xf32, #tpu.memory_space<vmem>>) target(%dma_start3A_830 : memref<128x128xf32, #tpu.memory_space<hbm>>) target_semaphore(%arg22 : memref<!tpu.dma_semaphore, #tpu.memory_space<semaphore_mem>>)
    } else {
    }
    %add3A_508 = arith.constant 384 : i32
    %add3A_509 = arith.addi %add3A, %add3A_508 : i32
    %lt3A_510 = arith.constant 390 : i32
    %lt3A_511 = arith.cmpi slt, %add3A_509, %lt3A_510 : i32
    %convert_element_type3A_512 = arith.extui %lt3A_511 : i1 to i32
    %cond3A_513 = arith.constant 0 : i32
    %cond3A_514 = arith.cmpi ne, %convert_element_type3A_512, %cond3A_513 : i32
    scf.if %cond3A_514 {
      %dma_wait3A = arith.constant 12 : i32
      %dma_wait3A_810 = arith.constant 0 : i32
      %dma_wait3A_811 = arith.constant 0 : i32
      %dma_wait3A_812 = arith.constant 0 : i32
      %dma_wait3A_813 = tpu.memref_slice %arg7[%dma_wait3A_810, %dma_wait3A_811, %dma_wait3A_812] : memref<4x128x128xf32, #tpu.memory_space<vmem>> -> memref<1x128x128xf32, #tpu.memory_space<vmem>>
      %dma_wait3A_814 = tpu.memref_squeeze %dma_wait3A_813 : memref<1x128x128xf32, #tpu.memory_space<vmem>> -> memref<128x128xf32, #tpu.memory_space<vmem>>
      %dma_wait3A_815 = arith.constant 0 : i32
      %dma_wait3A_816 = tpu.memref_slice %arg6[%dma_wait3A, %dma_wait3A_815] : memref<13x128xi32, #tpu.memory_space<vmem>> -> memref<1x128xi32, #tpu.memory_space<vmem>>
      %dma_wait3A_817 = tpu.memref_squeeze %dma_wait3A_816 : memref<1x128xi32, #tpu.memory_space<vmem>> -> memref<128xi32, #tpu.memory_space<vmem>>
      %dma_wait3A_818 = arith.constant 0 : i32
      %dma_wait3A_819 = arith.constant 0 : i32
      %dma_wait3A_820 = tpu.memref_slice %arg11[%dma_wait3A_818, %dma_wait3A_819] : memref<87x128xf32, #tpu.memory_space<vmem_shared>> -> memref<87x128xf32, #tpu.memory_space<vmem_shared>>
      tpu.wait_indirect_dma semaphore(%arg15 : memref<!tpu.dma_semaphore, #tpu.memory_space<semaphore_mem>>) src(%dma_wait3A_820 : memref<87x128xf32, #tpu.memory_space<vmem_shared>>) dst(%dma_wait3A_814 : memref<128x128xf32, #tpu.memory_space<vmem>>)
      %mul3A_821 = arith.constant 128 : i32
      %mul3A_822 = arith.muli %add3A_509, %mul3A_821 : i32
      %dma_start3A = arith.constant 0 : i32
      %dma_start3A_823 = arith.constant 0 : i32
      %dma_start3A_824 = arith.constant 0 : i32
      %dma_start3A_825 = tpu.memref_slice %arg7[%dma_start3A, %dma_start3A_823, %dma_start3A_824] : memref<4x128x128xf32, #tpu.memory_space<vmem>> -> memref<1x128x128xf32, #tpu.memory_space<vmem>>
      %dma_start3A_826 = tpu.memref_squeeze %dma_start3A_825 : memref<1x128x128xf32, #tpu.memory_space<vmem>> -> memref<128x128xf32, #tpu.memory_space<vmem>>
      %dma_start3A_827 = arith.constant 0 : i32
      %dma_start3A_828 = tpu.memref_slice %arg4[%mul3A_822, %dma_start3A_827] : memref<50000x128xf32, #tpu.memory_space<hbm>> -> memref<128x128xf32, #tpu.memory_space<hbm>>
      %dma_start3A_829 = arith.constant 0 : i32
      %dma_start3A_830 = tpu.memref_slice %arg4[%mul3A_822, %dma_start3A_829] : memref<50000x128xf32, #tpu.memory_space<hbm>> -> memref<128x128xf32, #tpu.memory_space<hbm>>
      %dma_start3A_831 = arith.constant 0 : i32
      %dma_start3A_832 = arith.constant 0 : i32
      %dma_start3A_833 = tpu.memref_slice %arg7[%dma_start3A, %dma_start3A_831, %dma_start3A_832] : memref<4x128x128xf32, #tpu.memory_space<vmem>> -> memref<1x128x128xf32, #tpu.memory_space<vmem>>
      %dma_start3A_834 = tpu.memref_squeeze %dma_start3A_833 : memref<1x128x128xf32, #tpu.memory_space<vmem>> -> memref<128x128xf32, #tpu.memory_space<vmem>>
      tpu.enqueue_dma source(%dma_start3A_834 : memref<128x128xf32, #tpu.memory_space<vmem>>) target(%dma_start3A_830 : memref<128x128xf32, #tpu.memory_space<hbm>>) target_semaphore(%arg19 : memref<!tpu.dma_semaphore, #tpu.memory_space<semaphore_mem>>)
    } else {
    }
    %add3A_515 = arith.constant 0 : i32
    %add3A_516 = arith.addi %add3A, %add3A_515 : i32
    %lt3A_517 = arith.constant 390 : i32
    %lt3A_518 = arith.cmpi slt, %add3A_516, %lt3A_517 : i32
    %add3A_519 = arith.constant 128 : i32
    %add3A_520 = arith.addi %add3A, %add3A_519 : i32
    %lt3A_521 = arith.constant 390 : i32
    %lt3A_522 = arith.cmpi slt, %add3A_520, %lt3A_521 : i32
    %not3A = arith.constant true
    %not3A_523 = arith.xori %lt3A_522, %not3A : i1
    %and3A = arith.andi %lt3A_518, %not3A_523 : i1
    %convert_element_type3A_524 = arith.extui %and3A : i1 to i32
    %cond3A_525 = arith.constant 0 : i32
    %cond3A_526 = arith.cmpi ne, %convert_element_type3A_524, %cond3A_525 : i32
    scf.if %cond3A_526 {
      %dma_wait3A = arith.constant 0 : i32
      %dma_wait3A_810 = arith.constant 0 : i32
      %dma_wait3A_811 = arith.constant 0 : i32
      %dma_wait3A_812 = tpu.memref_slice %arg7[%dma_wait3A, %dma_wait3A_810, %dma_wait3A_811] : memref<4x128x128xf32, #tpu.memory_space<vmem>> -> memref<1x128x128xf32, #tpu.memory_space<vmem>>
      %dma_wait3A_813 = tpu.memref_squeeze %dma_wait3A_812 : memref<1x128x128xf32, #tpu.memory_space<vmem>> -> memref<128x128xf32, #tpu.memory_space<vmem>>
      %dma_wait3A_814 = arith.constant 0 : i32
      %dma_wait3A_815 = arith.constant 0 : i32
      %dma_wait3A_816 = tpu.memref_slice %arg4[%dma_wait3A_814, %dma_wait3A_815] : memref<50000x128xf32, #tpu.memory_space<hbm>> -> memref<128x128xf32, #tpu.memory_space<hbm>>
      %dma_wait3A_817 = arith.constant 0 : i32
      %dma_wait3A_818 = arith.constant 0 : i32
      %dma_wait3A_819 = tpu.memref_slice %arg4[%dma_wait3A_817, %dma_wait3A_818] : memref<50000x128xf32, #tpu.memory_space<hbm>> -> memref<128x128xf32, #tpu.memory_space<hbm>>
      %dma_wait3A_820 = arith.constant 0 : i32
      %dma_wait3A_821 = arith.constant 0 : i32
      %dma_wait3A_822 = tpu.memref_slice %arg7[%dma_wait3A, %dma_wait3A_820, %dma_wait3A_821] : memref<4x128x128xf32, #tpu.memory_space<vmem>> -> memref<1x128x128xf32, #tpu.memory_space<vmem>>
      %dma_wait3A_823 = tpu.memref_squeeze %dma_wait3A_822 : memref<1x128x128xf32, #tpu.memory_space<vmem>> -> memref<128x128xf32, #tpu.memory_space<vmem>>
      tpu.wait_dma2 semaphore(%arg19 : memref<!tpu.dma_semaphore, #tpu.memory_space<semaphore_mem>>) src(%dma_wait3A_823 : memref<128x128xf32, #tpu.memory_space<vmem>>) dst(%dma_wait3A_819 : memref<128x128xf32, #tpu.memory_space<hbm>>)
    } else {
    }
    %add3A_527 = arith.constant 32 : i32
    %add3A_528 = arith.addi %add3A, %add3A_527 : i32
    %lt3A_529 = arith.constant 390 : i32
    %lt3A_530 = arith.cmpi slt, %add3A_528, %lt3A_529 : i32
    %add3A_531 = arith.constant 160 : i32
    %add3A_532 = arith.addi %add3A, %add3A_531 : i32
    %lt3A_533 = arith.constant 390 : i32
    %lt3A_534 = arith.cmpi slt, %add3A_532, %lt3A_533 : i32
    %not3A_535 = arith.constant true
    %not3A_536 = arith.xori %lt3A_534, %not3A_535 : i1
    %and3A_537 = arith.andi %lt3A_530, %not3A_536 : i1
    %convert_element_type3A_538 = arith.extui %and3A_537 : i1 to i32
    %cond3A_539 = arith.constant 0 : i32
    %cond3A_540 = arith.cmpi ne, %convert_element_type3A_538, %cond3A_539 : i32
    scf.if %cond3A_540 {
      %dma_wait3A = arith.constant 1 : i32
      %dma_wait3A_810 = arith.constant 0 : i32
      %dma_wait3A_811 = arith.constant 0 : i32
      %dma_wait3A_812 = tpu.memref_slice %arg7[%dma_wait3A, %dma_wait3A_810, %dma_wait3A_811] : memref<4x128x128xf32, #tpu.memory_space<vmem>> -> memref<1x128x128xf32, #tpu.memory_space<vmem>>
      %dma_wait3A_813 = tpu.memref_squeeze %dma_wait3A_812 : memref<1x128x128xf32, #tpu.memory_space<vmem>> -> memref<128x128xf32, #tpu.memory_space<vmem>>
      %dma_wait3A_814 = arith.constant 0 : i32
      %dma_wait3A_815 = arith.constant 0 : i32
      %dma_wait3A_816 = tpu.memref_slice %arg4[%dma_wait3A_814, %dma_wait3A_815] : memref<50000x128xf32, #tpu.memory_space<hbm>> -> memref<128x128xf32, #tpu.memory_space<hbm>>
      %dma_wait3A_817 = arith.constant 0 : i32
      %dma_wait3A_818 = arith.constant 0 : i32
      %dma_wait3A_819 = tpu.memref_slice %arg4[%dma_wait3A_817, %dma_wait3A_818] : memref<50000x128xf32, #tpu.memory_space<hbm>> -> memref<128x128xf32, #tpu.memory_space<hbm>>
      %dma_wait3A_820 = arith.constant 0 : i32
      %dma_wait3A_821 = arith.constant 0 : i32
      %dma_wait3A_822 = tpu.memref_slice %arg7[%dma_wait3A, %dma_wait3A_820, %dma_wait3A_821] : memref<4x128x128xf32, #tpu.memory_space<vmem>> -> memref<1x128x128xf32, #tpu.memory_space<vmem>>
      %dma_wait3A_823 = tpu.memref_squeeze %dma_wait3A_822 : memref<1x128x128xf32, #tpu.memory_space<vmem>> -> memref<128x128xf32, #tpu.memory_space<vmem>>
      tpu.wait_dma2 semaphore(%arg20 : memref<!tpu.dma_semaphore, #tpu.memory_space<semaphore_mem>>) src(%dma_wait3A_823 : memref<128x128xf32, #tpu.memory_space<vmem>>) dst(%dma_wait3A_819 : memref<128x128xf32, #tpu.memory_space<hbm>>)
    } else {
    }
    %add3A_541 = arith.constant 64 : i32
    %add3A_542 = arith.addi %add3A, %add3A_541 : i32
    %lt3A_543 = arith.constant 390 : i32
    %lt3A_544 = arith.cmpi slt, %add3A_542, %lt3A_543 : i32
    %add3A_545 = arith.constant 192 : i32
    %add3A_546 = arith.addi %add3A, %add3A_545 : i32
    %lt3A_547 = arith.constant 390 : i32
    %lt3A_548 = arith.cmpi slt, %add3A_546, %lt3A_547 : i32
    %not3A_549 = arith.constant true
    %not3A_550 = arith.xori %lt3A_548, %not3A_549 : i1
    %and3A_551 = arith.andi %lt3A_544, %not3A_550 : i1
    %convert_element_type3A_552 = arith.extui %and3A_551 : i1 to i32
    %cond3A_553 = arith.constant 0 : i32
    %cond3A_554 = arith.cmpi ne, %convert_element_type3A_552, %cond3A_553 : i32
    scf.if %cond3A_554 {
      %dma_wait3A = arith.constant 2 : i32
      %dma_wait3A_810 = arith.constant 0 : i32
      %dma_wait3A_811 = arith.constant 0 : i32
      %dma_wait3A_812 = tpu.memref_slice %arg7[%dma_wait3A, %dma_wait3A_810, %dma_wait3A_811] : memref<4x128x128xf32, #tpu.memory_space<vmem>> -> memref<1x128x128xf32, #tpu.memory_space<vmem>>
      %dma_wait3A_813 = tpu.memref_squeeze %dma_wait3A_812 : memref<1x128x128xf32, #tpu.memory_space<vmem>> -> memref<128x128xf32, #tpu.memory_space<vmem>>
      %dma_wait3A_814 = arith.constant 0 : i32
      %dma_wait3A_815 = arith.constant 0 : i32
      %dma_wait3A_816 = tpu.memref_slice %arg4[%dma_wait3A_814, %dma_wait3A_815] : memref<50000x128xf32, #tpu.memory_space<hbm>> -> memref<128x128xf32, #tpu.memory_space<hbm>>
      %dma_wait3A_817 = arith.constant 0 : i32
      %dma_wait3A_818 = arith.constant 0 : i32
      %dma_wait3A_819 = tpu.memref_slice %arg4[%dma_wait3A_817, %dma_wait3A_818] : memref<50000x128xf32, #tpu.memory_space<hbm>> -> memref<128x128xf32, #tpu.memory_space<hbm>>
      %dma_wait3A_820 = arith.constant 0 : i32
      %dma_wait3A_821 = arith.constant 0 : i32
      %dma_wait3A_822 = tpu.memref_slice %arg7[%dma_wait3A, %dma_wait3A_820, %dma_wait3A_821] : memref<4x128x128xf32, #tpu.memory_space<vmem>> -> memref<1x128x128xf32, #tpu.memory_space<vmem>>
      %dma_wait3A_823 = tpu.memref_squeeze %dma_wait3A_822 : memref<1x128x128xf32, #tpu.memory_space<vmem>> -> memref<128x128xf32, #tpu.memory_space<vmem>>
      tpu.wait_dma2 semaphore(%arg21 : memref<!tpu.dma_semaphore, #tpu.memory_space<semaphore_mem>>) src(%dma_wait3A_823 : memref<128x128xf32, #tpu.memory_space<vmem>>) dst(%dma_wait3A_819 : memref<128x128xf32, #tpu.memory_space<hbm>>)
    } else {
    }
    %add3A_555 = arith.constant 96 : i32
    %add3A_556 = arith.addi %add3A, %add3A_555 : i32
    %lt3A_557 = arith.constant 390 : i32
    %lt3A_558 = arith.cmpi slt, %add3A_556, %lt3A_557 : i32
    %add3A_559 = arith.constant 224 : i32
    %add3A_560 = arith.addi %add3A, %add3A_559 : i32
    %lt3A_561 = arith.constant 390 : i32
    %lt3A_562 = arith.cmpi slt, %add3A_560, %lt3A_561 : i32
    %not3A_563 = arith.constant true
    %not3A_564 = arith.xori %lt3A_562, %not3A_563 : i1
    %and3A_565 = arith.andi %lt3A_558, %not3A_564 : i1
    %convert_element_type3A_566 = arith.extui %and3A_565 : i1 to i32
    %cond3A_567 = arith.constant 0 : i32
    %cond3A_568 = arith.cmpi ne, %convert_element_type3A_566, %cond3A_567 : i32
    scf.if %cond3A_568 {
      %dma_wait3A = arith.constant 3 : i32
      %dma_wait3A_810 = arith.constant 0 : i32
      %dma_wait3A_811 = arith.constant 0 : i32
      %dma_wait3A_812 = tpu.memref_slice %arg7[%dma_wait3A, %dma_wait3A_810, %dma_wait3A_811] : memref<4x128x128xf32, #tpu.memory_space<vmem>> -> memref<1x128x128xf32, #tpu.memory_space<vmem>>
      %dma_wait3A_813 = tpu.memref_squeeze %dma_wait3A_812 : memref<1x128x128xf32, #tpu.memory_space<vmem>> -> memref<128x128xf32, #tpu.memory_space<vmem>>
      %dma_wait3A_814 = arith.constant 0 : i32
      %dma_wait3A_815 = arith.constant 0 : i32
      %dma_wait3A_816 = tpu.memref_slice %arg4[%dma_wait3A_814, %dma_wait3A_815] : memref<50000x128xf32, #tpu.memory_space<hbm>> -> memref<128x128xf32, #tpu.memory_space<hbm>>
      %dma_wait3A_817 = arith.constant 0 : i32
      %dma_wait3A_818 = arith.constant 0 : i32
      %dma_wait3A_819 = tpu.memref_slice %arg4[%dma_wait3A_817, %dma_wait3A_818] : memref<50000x128xf32, #tpu.memory_space<hbm>> -> memref<128x128xf32, #tpu.memory_space<hbm>>
      %dma_wait3A_820 = arith.constant 0 : i32
      %dma_wait3A_821 = arith.constant 0 : i32
      %dma_wait3A_822 = tpu.memref_slice %arg7[%dma_wait3A, %dma_wait3A_820, %dma_wait3A_821] : memref<4x128x128xf32, #tpu.memory_space<vmem>> -> memref<1x128x128xf32, #tpu.memory_space<vmem>>
      %dma_wait3A_823 = tpu.memref_squeeze %dma_wait3A_822 : memref<1x128x128xf32, #tpu.memory_space<vmem>> -> memref<128x128xf32, #tpu.memory_space<vmem>>
      tpu.wait_dma2 semaphore(%arg22 : memref<!tpu.dma_semaphore, #tpu.memory_space<semaphore_mem>>) src(%dma_wait3A_823 : memref<128x128xf32, #tpu.memory_space<vmem>>) dst(%dma_wait3A_819 : memref<128x128xf32, #tpu.memory_space<hbm>>)
    } else {
    }
    %add3A_569 = arith.constant 128 : i32
    %add3A_570 = arith.addi %add3A, %add3A_569 : i32
    %lt3A_571 = arith.constant 390 : i32
    %lt3A_572 = arith.cmpi slt, %add3A_570, %lt3A_571 : i32
    %add3A_573 = arith.constant 256 : i32
    %add3A_574 = arith.addi %add3A, %add3A_573 : i32
    %lt3A_575 = arith.constant 390 : i32
    %lt3A_576 = arith.cmpi slt, %add3A_574, %lt3A_575 : i32
    %not3A_577 = arith.constant true
    %not3A_578 = arith.xori %lt3A_576, %not3A_577 : i1
    %and3A_579 = arith.andi %lt3A_572, %not3A_578 : i1
    %convert_element_type3A_580 = arith.extui %and3A_579 : i1 to i32
    %cond3A_581 = arith.constant 0 : i32
    %cond3A_582 = arith.cmpi ne, %convert_element_type3A_580, %cond3A_581 : i32
    scf.if %cond3A_582 {
      %dma_wait3A = arith.constant 0 : i32
      %dma_wait3A_810 = arith.constant 0 : i32
      %dma_wait3A_811 = arith.constant 0 : i32
      %dma_wait3A_812 = tpu.memref_slice %arg7[%dma_wait3A, %dma_wait3A_810, %dma_wait3A_811] : memref<4x128x128xf32, #tpu.memory_space<vmem>> -> memref<1x128x128xf32, #tpu.memory_space<vmem>>
      %dma_wait3A_813 = tpu.memref_squeeze %dma_wait3A_812 : memref<1x128x128xf32, #tpu.memory_space<vmem>> -> memref<128x128xf32, #tpu.memory_space<vmem>>
      %dma_wait3A_814 = arith.constant 0 : i32
      %dma_wait3A_815 = arith.constant 0 : i32
      %dma_wait3A_816 = tpu.memref_slice %arg4[%dma_wait3A_814, %dma_wait3A_815] : memref<50000x128xf32, #tpu.memory_space<hbm>> -> memref<128x128xf32, #tpu.memory_space<hbm>>
      %dma_wait3A_817 = arith.constant 0 : i32
      %dma_wait3A_818 = arith.constant 0 : i32
      %dma_wait3A_819 = tpu.memref_slice %arg4[%dma_wait3A_817, %dma_wait3A_818] : memref<50000x128xf32, #tpu.memory_space<hbm>> -> memref<128x128xf32, #tpu.memory_space<hbm>>
      %dma_wait3A_820 = arith.constant 0 : i32
      %dma_wait3A_821 = arith.constant 0 : i32
      %dma_wait3A_822 = tpu.memref_slice %arg7[%dma_wait3A, %dma_wait3A_820, %dma_wait3A_821] : memref<4x128x128xf32, #tpu.memory_space<vmem>> -> memref<1x128x128xf32, #tpu.memory_space<vmem>>
      %dma_wait3A_823 = tpu.memref_squeeze %dma_wait3A_822 : memref<1x128x128xf32, #tpu.memory_space<vmem>> -> memref<128x128xf32, #tpu.memory_space<vmem>>
      tpu.wait_dma2 semaphore(%arg19 : memref<!tpu.dma_semaphore, #tpu.memory_space<semaphore_mem>>) src(%dma_wait3A_823 : memref<128x128xf32, #tpu.memory_space<vmem>>) dst(%dma_wait3A_819 : memref<128x128xf32, #tpu.memory_space<hbm>>)
    } else {
    }
    %add3A_583 = arith.constant 160 : i32
    %add3A_584 = arith.addi %add3A, %add3A_583 : i32
    %lt3A_585 = arith.constant 390 : i32
    %lt3A_586 = arith.cmpi slt, %add3A_584, %lt3A_585 : i32
    %add3A_587 = arith.constant 288 : i32
    %add3A_588 = arith.addi %add3A, %add3A_587 : i32
    %lt3A_589 = arith.constant 390 : i32
    %lt3A_590 = arith.cmpi slt, %add3A_588, %lt3A_589 : i32
    %not3A_591 = arith.constant true
    %not3A_592 = arith.xori %lt3A_590, %not3A_591 : i1
    %and3A_593 = arith.andi %lt3A_586, %not3A_592 : i1
    %convert_element_type3A_594 = arith.extui %and3A_593 : i1 to i32
    %cond3A_595 = arith.constant 0 : i32
    %cond3A_596 = arith.cmpi ne, %convert_element_type3A_594, %cond3A_595 : i32
    scf.if %cond3A_596 {
      %dma_wait3A = arith.constant 1 : i32
      %dma_wait3A_810 = arith.constant 0 : i32
      %dma_wait3A_811 = arith.constant 0 : i32
      %dma_wait3A_812 = tpu.memref_slice %arg7[%dma_wait3A, %dma_wait3A_810, %dma_wait3A_811] : memref<4x128x128xf32, #tpu.memory_space<vmem>> -> memref<1x128x128xf32, #tpu.memory_space<vmem>>
      %dma_wait3A_813 = tpu.memref_squeeze %dma_wait3A_812 : memref<1x128x128xf32, #tpu.memory_space<vmem>> -> memref<128x128xf32, #tpu.memory_space<vmem>>
      %dma_wait3A_814 = arith.constant 0 : i32
      %dma_wait3A_815 = arith.constant 0 : i32
      %dma_wait3A_816 = tpu.memref_slice %arg4[%dma_wait3A_814, %dma_wait3A_815] : memref<50000x128xf32, #tpu.memory_space<hbm>> -> memref<128x128xf32, #tpu.memory_space<hbm>>
      %dma_wait3A_817 = arith.constant 0 : i32
      %dma_wait3A_818 = arith.constant 0 : i32
      %dma_wait3A_819 = tpu.memref_slice %arg4[%dma_wait3A_817, %dma_wait3A_818] : memref<50000x128xf32, #tpu.memory_space<hbm>> -> memref<128x128xf32, #tpu.memory_space<hbm>>
      %dma_wait3A_820 = arith.constant 0 : i32
      %dma_wait3A_821 = arith.constant 0 : i32
      %dma_wait3A_822 = tpu.memref_slice %arg7[%dma_wait3A, %dma_wait3A_820, %dma_wait3A_821] : memref<4x128x128xf32, #tpu.memory_space<vmem>> -> memref<1x128x128xf32, #tpu.memory_space<vmem>>
      %dma_wait3A_823 = tpu.memref_squeeze %dma_wait3A_822 : memref<1x128x128xf32, #tpu.memory_space<vmem>> -> memref<128x128xf32, #tpu.memory_space<vmem>>
      tpu.wait_dma2 semaphore(%arg20 : memref<!tpu.dma_semaphore, #tpu.memory_space<semaphore_mem>>) src(%dma_wait3A_823 : memref<128x128xf32, #tpu.memory_space<vmem>>) dst(%dma_wait3A_819 : memref<128x128xf32, #tpu.memory_space<hbm>>)
    } else {
    }
    %add3A_597 = arith.constant 192 : i32
    %add3A_598 = arith.addi %add3A, %add3A_597 : i32
    %lt3A_599 = arith.constant 390 : i32
    %lt3A_600 = arith.cmpi slt, %add3A_598, %lt3A_599 : i32
    %add3A_601 = arith.constant 320 : i32
    %add3A_602 = arith.addi %add3A, %add3A_601 : i32
    %lt3A_603 = arith.constant 390 : i32
    %lt3A_604 = arith.cmpi slt, %add3A_602, %lt3A_603 : i32
    %not3A_605 = arith.constant true
    %not3A_606 = arith.xori %lt3A_604, %not3A_605 : i1
    %and3A_607 = arith.andi %lt3A_600, %not3A_606 : i1
    %convert_element_type3A_608 = arith.extui %and3A_607 : i1 to i32
    %cond3A_609 = arith.constant 0 : i32
    %cond3A_610 = arith.cmpi ne, %convert_element_type3A_608, %cond3A_609 : i32
    scf.if %cond3A_610 {
      %dma_wait3A = arith.constant 2 : i32
      %dma_wait3A_810 = arith.constant 0 : i32
      %dma_wait3A_811 = arith.constant 0 : i32
      %dma_wait3A_812 = tpu.memref_slice %arg7[%dma_wait3A, %dma_wait3A_810, %dma_wait3A_811] : memref<4x128x128xf32, #tpu.memory_space<vmem>> -> memref<1x128x128xf32, #tpu.memory_space<vmem>>
      %dma_wait3A_813 = tpu.memref_squeeze %dma_wait3A_812 : memref<1x128x128xf32, #tpu.memory_space<vmem>> -> memref<128x128xf32, #tpu.memory_space<vmem>>
      %dma_wait3A_814 = arith.constant 0 : i32
      %dma_wait3A_815 = arith.constant 0 : i32
      %dma_wait3A_816 = tpu.memref_slice %arg4[%dma_wait3A_814, %dma_wait3A_815] : memref<50000x128xf32, #tpu.memory_space<hbm>> -> memref<128x128xf32, #tpu.memory_space<hbm>>
      %dma_wait3A_817 = arith.constant 0 : i32
      %dma_wait3A_818 = arith.constant 0 : i32
      %dma_wait3A_819 = tpu.memref_slice %arg4[%dma_wait3A_817, %dma_wait3A_818] : memref<50000x128xf32, #tpu.memory_space<hbm>> -> memref<128x128xf32, #tpu.memory_space<hbm>>
      %dma_wait3A_820 = arith.constant 0 : i32
      %dma_wait3A_821 = arith.constant 0 : i32
      %dma_wait3A_822 = tpu.memref_slice %arg7[%dma_wait3A, %dma_wait3A_820, %dma_wait3A_821] : memref<4x128x128xf32, #tpu.memory_space<vmem>> -> memref<1x128x128xf32, #tpu.memory_space<vmem>>
      %dma_wait3A_823 = tpu.memref_squeeze %dma_wait3A_822 : memref<1x128x128xf32, #tpu.memory_space<vmem>> -> memref<128x128xf32, #tpu.memory_space<vmem>>
      tpu.wait_dma2 semaphore(%arg21 : memref<!tpu.dma_semaphore, #tpu.memory_space<semaphore_mem>>) src(%dma_wait3A_823 : memref<128x128xf32, #tpu.memory_space<vmem>>) dst(%dma_wait3A_819 : memref<128x128xf32, #tpu.memory_space<hbm>>)
    } else {
    }
    %add3A_611 = arith.constant 224 : i32
    %add3A_612 = arith.addi %add3A, %add3A_611 : i32
    %lt3A_613 = arith.constant 390 : i32
    %lt3A_614 = arith.cmpi slt, %add3A_612, %lt3A_613 : i32
    %add3A_615 = arith.constant 352 : i32
    %add3A_616 = arith.addi %add3A, %add3A_615 : i32
    %lt3A_617 = arith.constant 390 : i32
    %lt3A_618 = arith.cmpi slt, %add3A_616, %lt3A_617 : i32
    %not3A_619 = arith.constant true
    %not3A_620 = arith.xori %lt3A_618, %not3A_619 : i1
    %and3A_621 = arith.andi %lt3A_614, %not3A_620 : i1
    %convert_element_type3A_622 = arith.extui %and3A_621 : i1 to i32
    %cond3A_623 = arith.constant 0 : i32
    %cond3A_624 = arith.cmpi ne, %convert_element_type3A_622, %cond3A_623 : i32
    scf.if %cond3A_624 {
      %dma_wait3A = arith.constant 3 : i32
      %dma_wait3A_810 = arith.constant 0 : i32
      %dma_wait3A_811 = arith.constant 0 : i32
      %dma_wait3A_812 = tpu.memref_slice %arg7[%dma_wait3A, %dma_wait3A_810, %dma_wait3A_811] : memref<4x128x128xf32, #tpu.memory_space<vmem>> -> memref<1x128x128xf32, #tpu.memory_space<vmem>>
      %dma_wait3A_813 = tpu.memref_squeeze %dma_wait3A_812 : memref<1x128x128xf32, #tpu.memory_space<vmem>> -> memref<128x128xf32, #tpu.memory_space<vmem>>
      %dma_wait3A_814 = arith.constant 0 : i32
      %dma_wait3A_815 = arith.constant 0 : i32
      %dma_wait3A_816 = tpu.memref_slice %arg4[%dma_wait3A_814, %dma_wait3A_815] : memref<50000x128xf32, #tpu.memory_space<hbm>> -> memref<128x128xf32, #tpu.memory_space<hbm>>
      %dma_wait3A_817 = arith.constant 0 : i32
      %dma_wait3A_818 = arith.constant 0 : i32
      %dma_wait3A_819 = tpu.memref_slice %arg4[%dma_wait3A_817, %dma_wait3A_818] : memref<50000x128xf32, #tpu.memory_space<hbm>> -> memref<128x128xf32, #tpu.memory_space<hbm>>
      %dma_wait3A_820 = arith.constant 0 : i32
      %dma_wait3A_821 = arith.constant 0 : i32
      %dma_wait3A_822 = tpu.memref_slice %arg7[%dma_wait3A, %dma_wait3A_820, %dma_wait3A_821] : memref<4x128x128xf32, #tpu.memory_space<vmem>> -> memref<1x128x128xf32, #tpu.memory_space<vmem>>
      %dma_wait3A_823 = tpu.memref_squeeze %dma_wait3A_822 : memref<1x128x128xf32, #tpu.memory_space<vmem>> -> memref<128x128xf32, #tpu.memory_space<vmem>>
      tpu.wait_dma2 semaphore(%arg22 : memref<!tpu.dma_semaphore, #tpu.memory_space<semaphore_mem>>) src(%dma_wait3A_823 : memref<128x128xf32, #tpu.memory_space<vmem>>) dst(%dma_wait3A_819 : memref<128x128xf32, #tpu.memory_space<hbm>>)
    } else {
    }
    %add3A_625 = arith.constant 256 : i32
    %add3A_626 = arith.addi %add3A, %add3A_625 : i32
    %lt3A_627 = arith.constant 390 : i32
    %lt3A_628 = arith.cmpi slt, %add3A_626, %lt3A_627 : i32
    %add3A_629 = arith.constant 384 : i32
    %add3A_630 = arith.addi %add3A, %add3A_629 : i32
    %lt3A_631 = arith.constant 390 : i32
    %lt3A_632 = arith.cmpi slt, %add3A_630, %lt3A_631 : i32
    %not3A_633 = arith.constant true
    %not3A_634 = arith.xori %lt3A_632, %not3A_633 : i1
    %and3A_635 = arith.andi %lt3A_628, %not3A_634 : i1
    %convert_element_type3A_636 = arith.extui %and3A_635 : i1 to i32
    %cond3A_637 = arith.constant 0 : i32
    %cond3A_638 = arith.cmpi ne, %convert_element_type3A_636, %cond3A_637 : i32
    scf.if %cond3A_638 {
      %dma_wait3A = arith.constant 0 : i32
      %dma_wait3A_810 = arith.constant 0 : i32
      %dma_wait3A_811 = arith.constant 0 : i32
      %dma_wait3A_812 = tpu.memref_slice %arg7[%dma_wait3A, %dma_wait3A_810, %dma_wait3A_811] : memref<4x128x128xf32, #tpu.memory_space<vmem>> -> memref<1x128x128xf32, #tpu.memory_space<vmem>>
      %dma_wait3A_813 = tpu.memref_squeeze %dma_wait3A_812 : memref<1x128x128xf32, #tpu.memory_space<vmem>> -> memref<128x128xf32, #tpu.memory_space<vmem>>
      %dma_wait3A_814 = arith.constant 0 : i32
      %dma_wait3A_815 = arith.constant 0 : i32
      %dma_wait3A_816 = tpu.memref_slice %arg4[%dma_wait3A_814, %dma_wait3A_815] : memref<50000x128xf32, #tpu.memory_space<hbm>> -> memref<128x128xf32, #tpu.memory_space<hbm>>
      %dma_wait3A_817 = arith.constant 0 : i32
      %dma_wait3A_818 = arith.constant 0 : i32
      %dma_wait3A_819 = tpu.memref_slice %arg4[%dma_wait3A_817, %dma_wait3A_818] : memref<50000x128xf32, #tpu.memory_space<hbm>> -> memref<128x128xf32, #tpu.memory_space<hbm>>
      %dma_wait3A_820 = arith.constant 0 : i32
      %dma_wait3A_821 = arith.constant 0 : i32
      %dma_wait3A_822 = tpu.memref_slice %arg7[%dma_wait3A, %dma_wait3A_820, %dma_wait3A_821] : memref<4x128x128xf32, #tpu.memory_space<vmem>> -> memref<1x128x128xf32, #tpu.memory_space<vmem>>
      %dma_wait3A_823 = tpu.memref_squeeze %dma_wait3A_822 : memref<1x128x128xf32, #tpu.memory_space<vmem>> -> memref<128x128xf32, #tpu.memory_space<vmem>>
      tpu.wait_dma2 semaphore(%arg19 : memref<!tpu.dma_semaphore, #tpu.memory_space<semaphore_mem>>) src(%dma_wait3A_823 : memref<128x128xf32, #tpu.memory_space<vmem>>) dst(%dma_wait3A_819 : memref<128x128xf32, #tpu.memory_space<hbm>>)
    } else {
    }
    %add3A_639 = arith.constant 288 : i32
    %add3A_640 = arith.addi %add3A, %add3A_639 : i32
    %lt3A_641 = arith.constant 390 : i32
    %lt3A_642 = arith.cmpi slt, %add3A_640, %lt3A_641 : i32
    %convert_element_type3A_643 = arith.extui %lt3A_642 : i1 to i32
    %cond3A_644 = arith.constant 0 : i32
    %cond3A_645 = arith.cmpi ne, %convert_element_type3A_643, %cond3A_644 : i32
    scf.if %cond3A_645 {
      %dma_wait3A = arith.constant 1 : i32
      %dma_wait3A_810 = arith.constant 0 : i32
      %dma_wait3A_811 = arith.constant 0 : i32
      %dma_wait3A_812 = tpu.memref_slice %arg7[%dma_wait3A, %dma_wait3A_810, %dma_wait3A_811] : memref<4x128x128xf32, #tpu.memory_space<vmem>> -> memref<1x128x128xf32, #tpu.memory_space<vmem>>
      %dma_wait3A_813 = tpu.memref_squeeze %dma_wait3A_812 : memref<1x128x128xf32, #tpu.memory_space<vmem>> -> memref<128x128xf32, #tpu.memory_space<vmem>>
      %dma_wait3A_814 = arith.constant 0 : i32
      %dma_wait3A_815 = arith.constant 0 : i32
      %dma_wait3A_816 = tpu.memref_slice %arg4[%dma_wait3A_814, %dma_wait3A_815] : memref<50000x128xf32, #tpu.memory_space<hbm>> -> memref<128x128xf32, #tpu.memory_space<hbm>>
      %dma_wait3A_817 = arith.constant 0 : i32
      %dma_wait3A_818 = arith.constant 0 : i32
      %dma_wait3A_819 = tpu.memref_slice %arg4[%dma_wait3A_817, %dma_wait3A_818] : memref<50000x128xf32, #tpu.memory_space<hbm>> -> memref<128x128xf32, #tpu.memory_space<hbm>>
      %dma_wait3A_820 = arith.constant 0 : i32
      %dma_wait3A_821 = arith.constant 0 : i32
      %dma_wait3A_822 = tpu.memref_slice %arg7[%dma_wait3A, %dma_wait3A_820, %dma_wait3A_821] : memref<4x128x128xf32, #tpu.memory_space<vmem>> -> memref<1x128x128xf32, #tpu.memory_space<vmem>>
      %dma_wait3A_823 = tpu.memref_squeeze %dma_wait3A_822 : memref<1x128x128xf32, #tpu.memory_space<vmem>> -> memref<128x128xf32, #tpu.memory_space<vmem>>
      tpu.wait_dma2 semaphore(%arg20 : memref<!tpu.dma_semaphore, #tpu.memory_space<semaphore_mem>>) src(%dma_wait3A_823 : memref<128x128xf32, #tpu.memory_space<vmem>>) dst(%dma_wait3A_819 : memref<128x128xf32, #tpu.memory_space<hbm>>)
    } else {
    }
    %add3A_646 = arith.constant 320 : i32
    %add3A_647 = arith.addi %add3A, %add3A_646 : i32
    %lt3A_648 = arith.constant 390 : i32
    %lt3A_649 = arith.cmpi slt, %add3A_647, %lt3A_648 : i32
    %convert_element_type3A_650 = arith.extui %lt3A_649 : i1 to i32
    %cond3A_651 = arith.constant 0 : i32
    %cond3A_652 = arith.cmpi ne, %convert_element_type3A_650, %cond3A_651 : i32
    scf.if %cond3A_652 {
      %dma_wait3A = arith.constant 2 : i32
      %dma_wait3A_810 = arith.constant 0 : i32
      %dma_wait3A_811 = arith.constant 0 : i32
      %dma_wait3A_812 = tpu.memref_slice %arg7[%dma_wait3A, %dma_wait3A_810, %dma_wait3A_811] : memref<4x128x128xf32, #tpu.memory_space<vmem>> -> memref<1x128x128xf32, #tpu.memory_space<vmem>>
      %dma_wait3A_813 = tpu.memref_squeeze %dma_wait3A_812 : memref<1x128x128xf32, #tpu.memory_space<vmem>> -> memref<128x128xf32, #tpu.memory_space<vmem>>
      %dma_wait3A_814 = arith.constant 0 : i32
      %dma_wait3A_815 = arith.constant 0 : i32
      %dma_wait3A_816 = tpu.memref_slice %arg4[%dma_wait3A_814, %dma_wait3A_815] : memref<50000x128xf32, #tpu.memory_space<hbm>> -> memref<128x128xf32, #tpu.memory_space<hbm>>
      %dma_wait3A_817 = arith.constant 0 : i32
      %dma_wait3A_818 = arith.constant 0 : i32
      %dma_wait3A_819 = tpu.memref_slice %arg4[%dma_wait3A_817, %dma_wait3A_818] : memref<50000x128xf32, #tpu.memory_space<hbm>> -> memref<128x128xf32, #tpu.memory_space<hbm>>
      %dma_wait3A_820 = arith.constant 0 : i32
      %dma_wait3A_821 = arith.constant 0 : i32
      %dma_wait3A_822 = tpu.memref_slice %arg7[%dma_wait3A, %dma_wait3A_820, %dma_wait3A_821] : memref<4x128x128xf32, #tpu.memory_space<vmem>> -> memref<1x128x128xf32, #tpu.memory_space<vmem>>
      %dma_wait3A_823 = tpu.memref_squeeze %dma_wait3A_822 : memref<1x128x128xf32, #tpu.memory_space<vmem>> -> memref<128x128xf32, #tpu.memory_space<vmem>>
      tpu.wait_dma2 semaphore(%arg21 : memref<!tpu.dma_semaphore, #tpu.memory_space<semaphore_mem>>) src(%dma_wait3A_823 : memref<128x128xf32, #tpu.memory_space<vmem>>) dst(%dma_wait3A_819 : memref<128x128xf32, #tpu.memory_space<hbm>>)
    } else {
    }
    %add3A_653 = arith.constant 352 : i32
    %add3A_654 = arith.addi %add3A, %add3A_653 : i32
    %lt3A_655 = arith.constant 390 : i32
    %lt3A_656 = arith.cmpi slt, %add3A_654, %lt3A_655 : i32
    %convert_element_type3A_657 = arith.extui %lt3A_656 : i1 to i32
    %cond3A_658 = arith.constant 0 : i32
    %cond3A_659 = arith.cmpi ne, %convert_element_type3A_657, %cond3A_658 : i32
    scf.if %cond3A_659 {
      %dma_wait3A = arith.constant 3 : i32
      %dma_wait3A_810 = arith.constant 0 : i32
      %dma_wait3A_811 = arith.constant 0 : i32
      %dma_wait3A_812 = tpu.memref_slice %arg7[%dma_wait3A, %dma_wait3A_810, %dma_wait3A_811] : memref<4x128x128xf32, #tpu.memory_space<vmem>> -> memref<1x128x128xf32, #tpu.memory_space<vmem>>
      %dma_wait3A_813 = tpu.memref_squeeze %dma_wait3A_812 : memref<1x128x128xf32, #tpu.memory_space<vmem>> -> memref<128x128xf32, #tpu.memory_space<vmem>>
      %dma_wait3A_814 = arith.constant 0 : i32
      %dma_wait3A_815 = arith.constant 0 : i32
      %dma_wait3A_816 = tpu.memref_slice %arg4[%dma_wait3A_814, %dma_wait3A_815] : memref<50000x128xf32, #tpu.memory_space<hbm>> -> memref<128x128xf32, #tpu.memory_space<hbm>>
      %dma_wait3A_817 = arith.constant 0 : i32
      %dma_wait3A_818 = arith.constant 0 : i32
      %dma_wait3A_819 = tpu.memref_slice %arg4[%dma_wait3A_817, %dma_wait3A_818] : memref<50000x128xf32, #tpu.memory_space<hbm>> -> memref<128x128xf32, #tpu.memory_space<hbm>>
      %dma_wait3A_820 = arith.constant 0 : i32
      %dma_wait3A_821 = arith.constant 0 : i32
      %dma_wait3A_822 = tpu.memref_slice %arg7[%dma_wait3A, %dma_wait3A_820, %dma_wait3A_821] : memref<4x128x128xf32, #tpu.memory_space<vmem>> -> memref<1x128x128xf32, #tpu.memory_space<vmem>>
      %dma_wait3A_823 = tpu.memref_squeeze %dma_wait3A_822 : memref<1x128x128xf32, #tpu.memory_space<vmem>> -> memref<128x128xf32, #tpu.memory_space<vmem>>
      tpu.wait_dma2 semaphore(%arg22 : memref<!tpu.dma_semaphore, #tpu.memory_space<semaphore_mem>>) src(%dma_wait3A_823 : memref<128x128xf32, #tpu.memory_space<vmem>>) dst(%dma_wait3A_819 : memref<128x128xf32, #tpu.memory_space<hbm>>)
    } else {
    }
    %add3A_660 = arith.constant 384 : i32
    %add3A_661 = arith.addi %add3A, %add3A_660 : i32
    %lt3A_662 = arith.constant 390 : i32
    %lt3A_663 = arith.cmpi slt, %add3A_661, %lt3A_662 : i32
    %convert_element_type3A_664 = arith.extui %lt3A_663 : i1 to i32
    %cond3A_665 = arith.constant 0 : i32
    %cond3A_666 = arith.cmpi ne, %convert_element_type3A_664, %cond3A_665 : i32
    scf.if %cond3A_666 {
      %dma_wait3A = arith.constant 0 : i32
      %dma_wait3A_810 = arith.constant 0 : i32
      %dma_wait3A_811 = arith.constant 0 : i32
      %dma_wait3A_812 = tpu.memref_slice %arg7[%dma_wait3A, %dma_wait3A_810, %dma_wait3A_811] : memref<4x128x128xf32, #tpu.memory_space<vmem>> -> memref<1x128x128xf32, #tpu.memory_space<vmem>>
      %dma_wait3A_813 = tpu.memref_squeeze %dma_wait3A_812 : memref<1x128x128xf32, #tpu.memory_space<vmem>> -> memref<128x128xf32, #tpu.memory_space<vmem>>
      %dma_wait3A_814 = arith.constant 0 : i32
      %dma_wait3A_815 = arith.constant 0 : i32
      %dma_wait3A_816 = tpu.memref_slice %arg4[%dma_wait3A_814, %dma_wait3A_815] : memref<50000x128xf32, #tpu.memory_space<hbm>> -> memref<128x128xf32, #tpu.memory_space<hbm>>
      %dma_wait3A_817 = arith.constant 0 : i32
      %dma_wait3A_818 = arith.constant 0 : i32
      %dma_wait3A_819 = tpu.memref_slice %arg4[%dma_wait3A_817, %dma_wait3A_818] : memref<50000x128xf32, #tpu.memory_space<hbm>> -> memref<128x128xf32, #tpu.memory_space<hbm>>
      %dma_wait3A_820 = arith.constant 0 : i32
      %dma_wait3A_821 = arith.constant 0 : i32
      %dma_wait3A_822 = tpu.memref_slice %arg7[%dma_wait3A, %dma_wait3A_820, %dma_wait3A_821] : memref<4x128x128xf32, #tpu.memory_space<vmem>> -> memref<1x128x128xf32, #tpu.memory_space<vmem>>
      %dma_wait3A_823 = tpu.memref_squeeze %dma_wait3A_822 : memref<1x128x128xf32, #tpu.memory_space<vmem>> -> memref<128x128xf32, #tpu.memory_space<vmem>>
      tpu.wait_dma2 semaphore(%arg19 : memref<!tpu.dma_semaphore, #tpu.memory_space<semaphore_mem>>) src(%dma_wait3A_823 : memref<128x128xf32, #tpu.memory_space<vmem>>) dst(%dma_wait3A_819 : memref<128x128xf32, #tpu.memory_space<hbm>>)
    } else {
    }
    %eq3A_667 = arith.constant 6 : i32
    %eq3A_668 = arith.cmpi eq, %add3A, %eq3A_667 : i32
    %convert_element_type3A_669 = arith.extui %eq3A_668 : i1 to i32
    %cond3A_670 = arith.constant 0 : i32
    %cond3A_671 = arith.cmpi ne, %convert_element_type3A_669, %cond3A_670 : i32
    scf.if %cond3A_671 {
      %dma_wait3A = arith.constant 0 : i32
      %dma_wait3A_810 = tpu.memref_slice %arg2[%dma_wait3A] : memref<50000xi32, #tpu.memory_space<hbm>> -> memref<80xi32, #tpu.memory_space<hbm>>
      %dma_wait3A_811 = arith.constant 0 : i32
      %dma_wait3A_812 = tpu.memref_slice %arg2[%dma_wait3A_811] : memref<50000xi32, #tpu.memory_space<hbm>> -> memref<80xi32, #tpu.memory_space<hbm>>
      tpu.wait_dma2 semaphore(%arg13 : memref<!tpu.dma_semaphore, #tpu.memory_space<semaphore_mem>>) src(%dma_wait3A_812 : memref<80xi32, #tpu.memory_space<hbm>>) dst(%arg8 : memref<80xi32, #tpu.memory_space<vmem>>)
      %dma_start3A = arith.constant 0 : i32
      %dma_start3A_813 = arith.constant 0 : i32
      %dma_start3A_814 = tpu.memref_slice %arg11[%dma_start3A, %dma_start3A_813] : memref<87x128xf32, #tpu.memory_space<vmem_shared>> -> memref<87x128xf32, #tpu.memory_space<vmem_shared>>
      tpu.enqueue_indirect_dma source(%dma_start3A_814 : memref<87x128xf32, #tpu.memory_space<vmem_shared>>) target(%arg9 : memref<80x128xf32, #tpu.memory_space<vmem>>) offsets(%arg8 : memref<80xi32, #tpu.memory_space<vmem>>) semaphore(%arg13 : memref<!tpu.dma_semaphore, #tpu.memory_space<semaphore_mem>>)
      %dma_wait3A_815 = arith.constant 0 : i32
      %dma_wait3A_816 = arith.constant 0 : i32
      %dma_wait3A_817 = tpu.memref_slice %arg11[%dma_wait3A_815, %dma_wait3A_816] : memref<87x128xf32, #tpu.memory_space<vmem_shared>> -> memref<87x128xf32, #tpu.memory_space<vmem_shared>>
      tpu.wait_indirect_dma semaphore(%arg13 : memref<!tpu.dma_semaphore, #tpu.memory_space<semaphore_mem>>) src(%dma_wait3A_817 : memref<87x128xf32, #tpu.memory_space<vmem_shared>>) dst(%arg9 : memref<80x128xf32, #tpu.memory_space<vmem>>)
      "tpu.region"() ({
        %run_scoped3A = tpu.sem_alloc : memref<!tpu.dma_semaphore, #tpu.memory_space<semaphore_mem>>
        %dma_start3A_818 = arith.constant 49920 : i32
        %dma_start3A_819 = arith.constant 0 : i32
        %dma_start3A_820 = tpu.memref_slice %arg4[%dma_start3A_818, %dma_start3A_819] : memref<50000x128xf32, #tpu.memory_space<hbm>> -> memref<80x128xf32, #tpu.memory_space<hbm>>
        %dma_start3A_821 = arith.constant 49920 : i32
        %dma_start3A_822 = arith.constant 0 : i32
        %dma_start3A_823 = tpu.memref_slice %arg4[%dma_start3A_821, %dma_start3A_822] : memref<50000x128xf32, #tpu.memory_space<hbm>> -> memref<80x128xf32, #tpu.memory_space<hbm>>
        tpu.enqueue_dma source(%arg9 : memref<80x128xf32, #tpu.memory_space<vmem>>) target(%dma_start3A_823 : memref<80x128xf32, #tpu.memory_space<hbm>>) target_semaphore(%run_scoped3A : memref<!tpu.dma_semaphore, #tpu.memory_space<semaphore_mem>>)
        %dma_wait3A_824 = arith.constant 49920 : i32
        %dma_wait3A_825 = arith.constant 0 : i32
        %dma_wait3A_826 = tpu.memref_slice %arg4[%dma_wait3A_824, %dma_wait3A_825] : memref<50000x128xf32, #tpu.memory_space<hbm>> -> memref<80x128xf32, #tpu.memory_space<hbm>>
        %dma_wait3A_827 = arith.constant 49920 : i32
        %dma_wait3A_828 = arith.constant 0 : i32
        %dma_wait3A_829 = tpu.memref_slice %arg4[%dma_wait3A_827, %dma_wait3A_828] : memref<50000x128xf32, #tpu.memory_space<hbm>> -> memref<80x128xf32, #tpu.memory_space<hbm>>
        tpu.wait_dma2 semaphore(%run_scoped3A : memref<!tpu.dma_semaphore, #tpu.memory_space<semaphore_mem>>) src(%arg9 : memref<80x128xf32, #tpu.memory_space<vmem>>) dst(%dma_wait3A_829 : memref<80x128xf32, #tpu.memory_space<hbm>>)
        tpu.yield
      }) : () -> ()
    } else {
    }
    %add3A_672 = arith.constant 0 : i32
    %add3A_673 = arith.addi %add3A, %add3A_672 : i32
    %lt3A_674 = arith.constant 585 : i32
    %lt3A_675 = arith.cmpi slt, %add3A_673, %lt3A_674 : i32
    %convert_element_type3A_676 = arith.extui %lt3A_675 : i1 to i32
    %cond3A_677 = arith.constant 0 : i32
    %cond3A_678 = arith.cmpi ne, %convert_element_type3A_676, %cond3A_677 : i32
    scf.if %cond3A_678 {
      %dma_wait3A = arith.constant 0 : i32
      %dma_wait3A_810 = arith.constant 0 : i32
      %dma_wait3A_811 = tpu.memref_slice %arg5[%dma_wait3A, %dma_wait3A_810] : memref<150000x128xf32, #tpu.memory_space<hbm>> -> memref<256x128xf32, #tpu.memory_space<hbm>>
      %dma_wait3A_812 = arith.constant 0 : i32
      %dma_wait3A_813 = arith.constant 0 : i32
      %dma_wait3A_814 = tpu.memref_slice %arg5[%dma_wait3A_812, %dma_wait3A_813] : memref<150000x128xf32, #tpu.memory_space<hbm>> -> memref<256x128xf32, #tpu.memory_space<hbm>>
      tpu.wait_dma2 semaphore(%arg14 : memref<!tpu.dma_semaphore, #tpu.memory_space<semaphore_mem>>) src(%arg10 : memref<256x128xf32, #tpu.memory_space<vmem>>) dst(%dma_wait3A_814 : memref<256x128xf32, #tpu.memory_space<hbm>>)
    } else {
    }
    %add3A_679 = arith.constant 32 : i32
    %add3A_680 = arith.addi %add3A, %add3A_679 : i32
    %lt3A_681 = arith.constant 585 : i32
    %lt3A_682 = arith.cmpi slt, %add3A_680, %lt3A_681 : i32
    %convert_element_type3A_683 = arith.extui %lt3A_682 : i1 to i32
    %cond3A_684 = arith.constant 0 : i32
    %cond3A_685 = arith.cmpi ne, %convert_element_type3A_683, %cond3A_684 : i32
    scf.if %cond3A_685 {
      %dma_wait3A = arith.constant 0 : i32
      %dma_wait3A_810 = arith.constant 0 : i32
      %dma_wait3A_811 = tpu.memref_slice %arg5[%dma_wait3A, %dma_wait3A_810] : memref<150000x128xf32, #tpu.memory_space<hbm>> -> memref<256x128xf32, #tpu.memory_space<hbm>>
      %dma_wait3A_812 = arith.constant 0 : i32
      %dma_wait3A_813 = arith.constant 0 : i32
      %dma_wait3A_814 = tpu.memref_slice %arg5[%dma_wait3A_812, %dma_wait3A_813] : memref<150000x128xf32, #tpu.memory_space<hbm>> -> memref<256x128xf32, #tpu.memory_space<hbm>>
      tpu.wait_dma2 semaphore(%arg14 : memref<!tpu.dma_semaphore, #tpu.memory_space<semaphore_mem>>) src(%arg10 : memref<256x128xf32, #tpu.memory_space<vmem>>) dst(%dma_wait3A_814 : memref<256x128xf32, #tpu.memory_space<hbm>>)
    } else {
    }
    %add3A_686 = arith.constant 64 : i32
    %add3A_687 = arith.addi %add3A, %add3A_686 : i32
    %lt3A_688 = arith.constant 585 : i32
    %lt3A_689 = arith.cmpi slt, %add3A_687, %lt3A_688 : i32
    %convert_element_type3A_690 = arith.extui %lt3A_689 : i1 to i32
    %cond3A_691 = arith.constant 0 : i32
    %cond3A_692 = arith.cmpi ne, %convert_element_type3A_690, %cond3A_691 : i32
    scf.if %cond3A_692 {
      %dma_wait3A = arith.constant 0 : i32
      %dma_wait3A_810 = arith.constant 0 : i32
      %dma_wait3A_811 = tpu.memref_slice %arg5[%dma_wait3A, %dma_wait3A_810] : memref<150000x128xf32, #tpu.memory_space<hbm>> -> memref<256x128xf32, #tpu.memory_space<hbm>>
      %dma_wait3A_812 = arith.constant 0 : i32
      %dma_wait3A_813 = arith.constant 0 : i32
      %dma_wait3A_814 = tpu.memref_slice %arg5[%dma_wait3A_812, %dma_wait3A_813] : memref<150000x128xf32, #tpu.memory_space<hbm>> -> memref<256x128xf32, #tpu.memory_space<hbm>>
      tpu.wait_dma2 semaphore(%arg14 : memref<!tpu.dma_semaphore, #tpu.memory_space<semaphore_mem>>) src(%arg10 : memref<256x128xf32, #tpu.memory_space<vmem>>) dst(%dma_wait3A_814 : memref<256x128xf32, #tpu.memory_space<hbm>>)
    } else {
    }
    %add3A_693 = arith.constant 96 : i32
    %add3A_694 = arith.addi %add3A, %add3A_693 : i32
    %lt3A_695 = arith.constant 585 : i32
    %lt3A_696 = arith.cmpi slt, %add3A_694, %lt3A_695 : i32
    %convert_element_type3A_697 = arith.extui %lt3A_696 : i1 to i32
    %cond3A_698 = arith.constant 0 : i32
    %cond3A_699 = arith.cmpi ne, %convert_element_type3A_697, %cond3A_698 : i32
    scf.if %cond3A_699 {
      %dma_wait3A = arith.constant 0 : i32
      %dma_wait3A_810 = arith.constant 0 : i32
      %dma_wait3A_811 = tpu.memref_slice %arg5[%dma_wait3A, %dma_wait3A_810] : memref<150000x128xf32, #tpu.memory_space<hbm>> -> memref<256x128xf32, #tpu.memory_space<hbm>>
      %dma_wait3A_812 = arith.constant 0 : i32
      %dma_wait3A_813 = arith.constant 0 : i32
      %dma_wait3A_814 = tpu.memref_slice %arg5[%dma_wait3A_812, %dma_wait3A_813] : memref<150000x128xf32, #tpu.memory_space<hbm>> -> memref<256x128xf32, #tpu.memory_space<hbm>>
      tpu.wait_dma2 semaphore(%arg14 : memref<!tpu.dma_semaphore, #tpu.memory_space<semaphore_mem>>) src(%arg10 : memref<256x128xf32, #tpu.memory_space<vmem>>) dst(%dma_wait3A_814 : memref<256x128xf32, #tpu.memory_space<hbm>>)
    } else {
    }
    %add3A_700 = arith.constant 128 : i32
    %add3A_701 = arith.addi %add3A, %add3A_700 : i32
    %lt3A_702 = arith.constant 585 : i32
    %lt3A_703 = arith.cmpi slt, %add3A_701, %lt3A_702 : i32
    %convert_element_type3A_704 = arith.extui %lt3A_703 : i1 to i32
    %cond3A_705 = arith.constant 0 : i32
    %cond3A_706 = arith.cmpi ne, %convert_element_type3A_704, %cond3A_705 : i32
    scf.if %cond3A_706 {
      %dma_wait3A = arith.constant 0 : i32
      %dma_wait3A_810 = arith.constant 0 : i32
      %dma_wait3A_811 = tpu.memref_slice %arg5[%dma_wait3A, %dma_wait3A_810] : memref<150000x128xf32, #tpu.memory_space<hbm>> -> memref<256x128xf32, #tpu.memory_space<hbm>>
      %dma_wait3A_812 = arith.constant 0 : i32
      %dma_wait3A_813 = arith.constant 0 : i32
      %dma_wait3A_814 = tpu.memref_slice %arg5[%dma_wait3A_812, %dma_wait3A_813] : memref<150000x128xf32, #tpu.memory_space<hbm>> -> memref<256x128xf32, #tpu.memory_space<hbm>>
      tpu.wait_dma2 semaphore(%arg14 : memref<!tpu.dma_semaphore, #tpu.memory_space<semaphore_mem>>) src(%arg10 : memref<256x128xf32, #tpu.memory_space<vmem>>) dst(%dma_wait3A_814 : memref<256x128xf32, #tpu.memory_space<hbm>>)
    } else {
    }
    %add3A_707 = arith.constant 160 : i32
    %add3A_708 = arith.addi %add3A, %add3A_707 : i32
    %lt3A_709 = arith.constant 585 : i32
    %lt3A_710 = arith.cmpi slt, %add3A_708, %lt3A_709 : i32
    %convert_element_type3A_711 = arith.extui %lt3A_710 : i1 to i32
    %cond3A_712 = arith.constant 0 : i32
    %cond3A_713 = arith.cmpi ne, %convert_element_type3A_711, %cond3A_712 : i32
    scf.if %cond3A_713 {
      %dma_wait3A = arith.constant 0 : i32
      %dma_wait3A_810 = arith.constant 0 : i32
      %dma_wait3A_811 = tpu.memref_slice %arg5[%dma_wait3A, %dma_wait3A_810] : memref<150000x128xf32, #tpu.memory_space<hbm>> -> memref<256x128xf32, #tpu.memory_space<hbm>>
      %dma_wait3A_812 = arith.constant 0 : i32
      %dma_wait3A_813 = arith.constant 0 : i32
      %dma_wait3A_814 = tpu.memref_slice %arg5[%dma_wait3A_812, %dma_wait3A_813] : memref<150000x128xf32, #tpu.memory_space<hbm>> -> memref<256x128xf32, #tpu.memory_space<hbm>>
      tpu.wait_dma2 semaphore(%arg14 : memref<!tpu.dma_semaphore, #tpu.memory_space<semaphore_mem>>) src(%arg10 : memref<256x128xf32, #tpu.memory_space<vmem>>) dst(%dma_wait3A_814 : memref<256x128xf32, #tpu.memory_space<hbm>>)
    } else {
    }
    %add3A_714 = arith.constant 192 : i32
    %add3A_715 = arith.addi %add3A, %add3A_714 : i32
    %lt3A_716 = arith.constant 585 : i32
    %lt3A_717 = arith.cmpi slt, %add3A_715, %lt3A_716 : i32
    %convert_element_type3A_718 = arith.extui %lt3A_717 : i1 to i32
    %cond3A_719 = arith.constant 0 : i32
    %cond3A_720 = arith.cmpi ne, %convert_element_type3A_718, %cond3A_719 : i32
    scf.if %cond3A_720 {
      %dma_wait3A = arith.constant 0 : i32
      %dma_wait3A_810 = arith.constant 0 : i32
      %dma_wait3A_811 = tpu.memref_slice %arg5[%dma_wait3A, %dma_wait3A_810] : memref<150000x128xf32, #tpu.memory_space<hbm>> -> memref<256x128xf32, #tpu.memory_space<hbm>>
      %dma_wait3A_812 = arith.constant 0 : i32
      %dma_wait3A_813 = arith.constant 0 : i32
      %dma_wait3A_814 = tpu.memref_slice %arg5[%dma_wait3A_812, %dma_wait3A_813] : memref<150000x128xf32, #tpu.memory_space<hbm>> -> memref<256x128xf32, #tpu.memory_space<hbm>>
      tpu.wait_dma2 semaphore(%arg14 : memref<!tpu.dma_semaphore, #tpu.memory_space<semaphore_mem>>) src(%arg10 : memref<256x128xf32, #tpu.memory_space<vmem>>) dst(%dma_wait3A_814 : memref<256x128xf32, #tpu.memory_space<hbm>>)
    } else {
    }
    %add3A_721 = arith.constant 224 : i32
    %add3A_722 = arith.addi %add3A, %add3A_721 : i32
    %lt3A_723 = arith.constant 585 : i32
    %lt3A_724 = arith.cmpi slt, %add3A_722, %lt3A_723 : i32
    %convert_element_type3A_725 = arith.extui %lt3A_724 : i1 to i32
    %cond3A_726 = arith.constant 0 : i32
    %cond3A_727 = arith.cmpi ne, %convert_element_type3A_725, %cond3A_726 : i32
    scf.if %cond3A_727 {
      %dma_wait3A = arith.constant 0 : i32
      %dma_wait3A_810 = arith.constant 0 : i32
      %dma_wait3A_811 = tpu.memref_slice %arg5[%dma_wait3A, %dma_wait3A_810] : memref<150000x128xf32, #tpu.memory_space<hbm>> -> memref<256x128xf32, #tpu.memory_space<hbm>>
      %dma_wait3A_812 = arith.constant 0 : i32
      %dma_wait3A_813 = arith.constant 0 : i32
      %dma_wait3A_814 = tpu.memref_slice %arg5[%dma_wait3A_812, %dma_wait3A_813] : memref<150000x128xf32, #tpu.memory_space<hbm>> -> memref<256x128xf32, #tpu.memory_space<hbm>>
      tpu.wait_dma2 semaphore(%arg14 : memref<!tpu.dma_semaphore, #tpu.memory_space<semaphore_mem>>) src(%arg10 : memref<256x128xf32, #tpu.memory_space<vmem>>) dst(%dma_wait3A_814 : memref<256x128xf32, #tpu.memory_space<hbm>>)
    } else {
    }
    %add3A_728 = arith.constant 256 : i32
    %add3A_729 = arith.addi %add3A, %add3A_728 : i32
    %lt3A_730 = arith.constant 585 : i32
    %lt3A_731 = arith.cmpi slt, %add3A_729, %lt3A_730 : i32
    %convert_element_type3A_732 = arith.extui %lt3A_731 : i1 to i32
    %cond3A_733 = arith.constant 0 : i32
    %cond3A_734 = arith.cmpi ne, %convert_element_type3A_732, %cond3A_733 : i32
    scf.if %cond3A_734 {
      %dma_wait3A = arith.constant 0 : i32
      %dma_wait3A_810 = arith.constant 0 : i32
      %dma_wait3A_811 = tpu.memref_slice %arg5[%dma_wait3A, %dma_wait3A_810] : memref<150000x128xf32, #tpu.memory_space<hbm>> -> memref<256x128xf32, #tpu.memory_space<hbm>>
      %dma_wait3A_812 = arith.constant 0 : i32
      %dma_wait3A_813 = arith.constant 0 : i32
      %dma_wait3A_814 = tpu.memref_slice %arg5[%dma_wait3A_812, %dma_wait3A_813] : memref<150000x128xf32, #tpu.memory_space<hbm>> -> memref<256x128xf32, #tpu.memory_space<hbm>>
      tpu.wait_dma2 semaphore(%arg14 : memref<!tpu.dma_semaphore, #tpu.memory_space<semaphore_mem>>) src(%arg10 : memref<256x128xf32, #tpu.memory_space<vmem>>) dst(%dma_wait3A_814 : memref<256x128xf32, #tpu.memory_space<hbm>>)
    } else {
    }
    %add3A_735 = arith.constant 288 : i32
    %add3A_736 = arith.addi %add3A, %add3A_735 : i32
    %lt3A_737 = arith.constant 585 : i32
    %lt3A_738 = arith.cmpi slt, %add3A_736, %lt3A_737 : i32
    %convert_element_type3A_739 = arith.extui %lt3A_738 : i1 to i32
    %cond3A_740 = arith.constant 0 : i32
    %cond3A_741 = arith.cmpi ne, %convert_element_type3A_739, %cond3A_740 : i32
    scf.if %cond3A_741 {
      %dma_wait3A = arith.constant 0 : i32
      %dma_wait3A_810 = arith.constant 0 : i32
      %dma_wait3A_811 = tpu.memref_slice %arg5[%dma_wait3A, %dma_wait3A_810] : memref<150000x128xf32, #tpu.memory_space<hbm>> -> memref<256x128xf32, #tpu.memory_space<hbm>>
      %dma_wait3A_812 = arith.constant 0 : i32
      %dma_wait3A_813 = arith.constant 0 : i32
      %dma_wait3A_814 = tpu.memref_slice %arg5[%dma_wait3A_812, %dma_wait3A_813] : memref<150000x128xf32, #tpu.memory_space<hbm>> -> memref<256x128xf32, #tpu.memory_space<hbm>>
      tpu.wait_dma2 semaphore(%arg14 : memref<!tpu.dma_semaphore, #tpu.memory_space<semaphore_mem>>) src(%arg10 : memref<256x128xf32, #tpu.memory_space<vmem>>) dst(%dma_wait3A_814 : memref<256x128xf32, #tpu.memory_space<hbm>>)
    } else {
    }
    %add3A_742 = arith.constant 320 : i32
    %add3A_743 = arith.addi %add3A, %add3A_742 : i32
    %lt3A_744 = arith.constant 585 : i32
    %lt3A_745 = arith.cmpi slt, %add3A_743, %lt3A_744 : i32
    %convert_element_type3A_746 = arith.extui %lt3A_745 : i1 to i32
    %cond3A_747 = arith.constant 0 : i32
    %cond3A_748 = arith.cmpi ne, %convert_element_type3A_746, %cond3A_747 : i32
    scf.if %cond3A_748 {
      %dma_wait3A = arith.constant 0 : i32
      %dma_wait3A_810 = arith.constant 0 : i32
      %dma_wait3A_811 = tpu.memref_slice %arg5[%dma_wait3A, %dma_wait3A_810] : memref<150000x128xf32, #tpu.memory_space<hbm>> -> memref<256x128xf32, #tpu.memory_space<hbm>>
      %dma_wait3A_812 = arith.constant 0 : i32
      %dma_wait3A_813 = arith.constant 0 : i32
      %dma_wait3A_814 = tpu.memref_slice %arg5[%dma_wait3A_812, %dma_wait3A_813] : memref<150000x128xf32, #tpu.memory_space<hbm>> -> memref<256x128xf32, #tpu.memory_space<hbm>>
      tpu.wait_dma2 semaphore(%arg14 : memref<!tpu.dma_semaphore, #tpu.memory_space<semaphore_mem>>) src(%arg10 : memref<256x128xf32, #tpu.memory_space<vmem>>) dst(%dma_wait3A_814 : memref<256x128xf32, #tpu.memory_space<hbm>>)
    } else {
    }
    %add3A_749 = arith.constant 352 : i32
    %add3A_750 = arith.addi %add3A, %add3A_749 : i32
    %lt3A_751 = arith.constant 585 : i32
    %lt3A_752 = arith.cmpi slt, %add3A_750, %lt3A_751 : i32
    %convert_element_type3A_753 = arith.extui %lt3A_752 : i1 to i32
    %cond3A_754 = arith.constant 0 : i32
    %cond3A_755 = arith.cmpi ne, %convert_element_type3A_753, %cond3A_754 : i32
    scf.if %cond3A_755 {
      %dma_wait3A = arith.constant 0 : i32
      %dma_wait3A_810 = arith.constant 0 : i32
      %dma_wait3A_811 = tpu.memref_slice %arg5[%dma_wait3A, %dma_wait3A_810] : memref<150000x128xf32, #tpu.memory_space<hbm>> -> memref<256x128xf32, #tpu.memory_space<hbm>>
      %dma_wait3A_812 = arith.constant 0 : i32
      %dma_wait3A_813 = arith.constant 0 : i32
      %dma_wait3A_814 = tpu.memref_slice %arg5[%dma_wait3A_812, %dma_wait3A_813] : memref<150000x128xf32, #tpu.memory_space<hbm>> -> memref<256x128xf32, #tpu.memory_space<hbm>>
      tpu.wait_dma2 semaphore(%arg14 : memref<!tpu.dma_semaphore, #tpu.memory_space<semaphore_mem>>) src(%arg10 : memref<256x128xf32, #tpu.memory_space<vmem>>) dst(%dma_wait3A_814 : memref<256x128xf32, #tpu.memory_space<hbm>>)
    } else {
    }
    %add3A_756 = arith.constant 384 : i32
    %add3A_757 = arith.addi %add3A, %add3A_756 : i32
    %lt3A_758 = arith.constant 585 : i32
    %lt3A_759 = arith.cmpi slt, %add3A_757, %lt3A_758 : i32
    %convert_element_type3A_760 = arith.extui %lt3A_759 : i1 to i32
    %cond3A_761 = arith.constant 0 : i32
    %cond3A_762 = arith.cmpi ne, %convert_element_type3A_760, %cond3A_761 : i32
    scf.if %cond3A_762 {
      %dma_wait3A = arith.constant 0 : i32
      %dma_wait3A_810 = arith.constant 0 : i32
      %dma_wait3A_811 = tpu.memref_slice %arg5[%dma_wait3A, %dma_wait3A_810] : memref<150000x128xf32, #tpu.memory_space<hbm>> -> memref<256x128xf32, #tpu.memory_space<hbm>>
      %dma_wait3A_812 = arith.constant 0 : i32
      %dma_wait3A_813 = arith.constant 0 : i32
      %dma_wait3A_814 = tpu.memref_slice %arg5[%dma_wait3A_812, %dma_wait3A_813] : memref<150000x128xf32, #tpu.memory_space<hbm>> -> memref<256x128xf32, #tpu.memory_space<hbm>>
      tpu.wait_dma2 semaphore(%arg14 : memref<!tpu.dma_semaphore, #tpu.memory_space<semaphore_mem>>) src(%arg10 : memref<256x128xf32, #tpu.memory_space<vmem>>) dst(%dma_wait3A_814 : memref<256x128xf32, #tpu.memory_space<hbm>>)
    } else {
    }
    %add3A_763 = arith.constant 416 : i32
    %add3A_764 = arith.addi %add3A, %add3A_763 : i32
    %lt3A_765 = arith.constant 585 : i32
    %lt3A_766 = arith.cmpi slt, %add3A_764, %lt3A_765 : i32
    %convert_element_type3A_767 = arith.extui %lt3A_766 : i1 to i32
    %cond3A_768 = arith.constant 0 : i32
    %cond3A_769 = arith.cmpi ne, %convert_element_type3A_767, %cond3A_768 : i32
    scf.if %cond3A_769 {
      %dma_wait3A = arith.constant 0 : i32
      %dma_wait3A_810 = arith.constant 0 : i32
      %dma_wait3A_811 = tpu.memref_slice %arg5[%dma_wait3A, %dma_wait3A_810] : memref<150000x128xf32, #tpu.memory_space<hbm>> -> memref<256x128xf32, #tpu.memory_space<hbm>>
      %dma_wait3A_812 = arith.constant 0 : i32
      %dma_wait3A_813 = arith.constant 0 : i32
      %dma_wait3A_814 = tpu.memref_slice %arg5[%dma_wait3A_812, %dma_wait3A_813] : memref<150000x128xf32, #tpu.memory_space<hbm>> -> memref<256x128xf32, #tpu.memory_space<hbm>>
      tpu.wait_dma2 semaphore(%arg14 : memref<!tpu.dma_semaphore, #tpu.memory_space<semaphore_mem>>) src(%arg10 : memref<256x128xf32, #tpu.memory_space<vmem>>) dst(%dma_wait3A_814 : memref<256x128xf32, #tpu.memory_space<hbm>>)
    } else {
    }
    %add3A_770 = arith.constant 448 : i32
    %add3A_771 = arith.addi %add3A, %add3A_770 : i32
    %lt3A_772 = arith.constant 585 : i32
    %lt3A_773 = arith.cmpi slt, %add3A_771, %lt3A_772 : i32
    %convert_element_type3A_774 = arith.extui %lt3A_773 : i1 to i32
    %cond3A_775 = arith.constant 0 : i32
    %cond3A_776 = arith.cmpi ne, %convert_element_type3A_774, %cond3A_775 : i32
    scf.if %cond3A_776 {
      %dma_wait3A = arith.constant 0 : i32
      %dma_wait3A_810 = arith.constant 0 : i32
      %dma_wait3A_811 = tpu.memref_slice %arg5[%dma_wait3A, %dma_wait3A_810] : memref<150000x128xf32, #tpu.memory_space<hbm>> -> memref<256x128xf32, #tpu.memory_space<hbm>>
      %dma_wait3A_812 = arith.constant 0 : i32
      %dma_wait3A_813 = arith.constant 0 : i32
      %dma_wait3A_814 = tpu.memref_slice %arg5[%dma_wait3A_812, %dma_wait3A_813] : memref<150000x128xf32, #tpu.memory_space<hbm>> -> memref<256x128xf32, #tpu.memory_space<hbm>>
      tpu.wait_dma2 semaphore(%arg14 : memref<!tpu.dma_semaphore, #tpu.memory_space<semaphore_mem>>) src(%arg10 : memref<256x128xf32, #tpu.memory_space<vmem>>) dst(%dma_wait3A_814 : memref<256x128xf32, #tpu.memory_space<hbm>>)
    } else {
    }
    %add3A_777 = arith.constant 480 : i32
    %add3A_778 = arith.addi %add3A, %add3A_777 : i32
    %lt3A_779 = arith.constant 585 : i32
    %lt3A_780 = arith.cmpi slt, %add3A_778, %lt3A_779 : i32
    %convert_element_type3A_781 = arith.extui %lt3A_780 : i1 to i32
    %cond3A_782 = arith.constant 0 : i32
    %cond3A_783 = arith.cmpi ne, %convert_element_type3A_781, %cond3A_782 : i32
    scf.if %cond3A_783 {
      %dma_wait3A = arith.constant 0 : i32
      %dma_wait3A_810 = arith.constant 0 : i32
      %dma_wait3A_811 = tpu.memref_slice %arg5[%dma_wait3A, %dma_wait3A_810] : memref<150000x128xf32, #tpu.memory_space<hbm>> -> memref<256x128xf32, #tpu.memory_space<hbm>>
      %dma_wait3A_812 = arith.constant 0 : i32
      %dma_wait3A_813 = arith.constant 0 : i32
      %dma_wait3A_814 = tpu.memref_slice %arg5[%dma_wait3A_812, %dma_wait3A_813] : memref<150000x128xf32, #tpu.memory_space<hbm>> -> memref<256x128xf32, #tpu.memory_space<hbm>>
      tpu.wait_dma2 semaphore(%arg14 : memref<!tpu.dma_semaphore, #tpu.memory_space<semaphore_mem>>) src(%arg10 : memref<256x128xf32, #tpu.memory_space<vmem>>) dst(%dma_wait3A_814 : memref<256x128xf32, #tpu.memory_space<hbm>>)
    } else {
    }
    %add3A_784 = arith.constant 512 : i32
    %add3A_785 = arith.addi %add3A, %add3A_784 : i32
    %lt3A_786 = arith.constant 585 : i32
    %lt3A_787 = arith.cmpi slt, %add3A_785, %lt3A_786 : i32
    %convert_element_type3A_788 = arith.extui %lt3A_787 : i1 to i32
    %cond3A_789 = arith.constant 0 : i32
    %cond3A_790 = arith.cmpi ne, %convert_element_type3A_788, %cond3A_789 : i32
    scf.if %cond3A_790 {
      %dma_wait3A = arith.constant 0 : i32
      %dma_wait3A_810 = arith.constant 0 : i32
      %dma_wait3A_811 = tpu.memref_slice %arg5[%dma_wait3A, %dma_wait3A_810] : memref<150000x128xf32, #tpu.memory_space<hbm>> -> memref<256x128xf32, #tpu.memory_space<hbm>>
      %dma_wait3A_812 = arith.constant 0 : i32
      %dma_wait3A_813 = arith.constant 0 : i32
      %dma_wait3A_814 = tpu.memref_slice %arg5[%dma_wait3A_812, %dma_wait3A_813] : memref<150000x128xf32, #tpu.memory_space<hbm>> -> memref<256x128xf32, #tpu.memory_space<hbm>>
      tpu.wait_dma2 semaphore(%arg14 : memref<!tpu.dma_semaphore, #tpu.memory_space<semaphore_mem>>) src(%arg10 : memref<256x128xf32, #tpu.memory_space<vmem>>) dst(%dma_wait3A_814 : memref<256x128xf32, #tpu.memory_space<hbm>>)
    } else {
    }
    %add3A_791 = arith.constant 544 : i32
    %add3A_792 = arith.addi %add3A, %add3A_791 : i32
    %lt3A_793 = arith.constant 585 : i32
    %lt3A_794 = arith.cmpi slt, %add3A_792, %lt3A_793 : i32
    %convert_element_type3A_795 = arith.extui %lt3A_794 : i1 to i32
    %cond3A_796 = arith.constant 0 : i32
    %cond3A_797 = arith.cmpi ne, %convert_element_type3A_795, %cond3A_796 : i32
    scf.if %cond3A_797 {
      %dma_wait3A = arith.constant 0 : i32
      %dma_wait3A_810 = arith.constant 0 : i32
      %dma_wait3A_811 = tpu.memref_slice %arg5[%dma_wait3A, %dma_wait3A_810] : memref<150000x128xf32, #tpu.memory_space<hbm>> -> memref<256x128xf32, #tpu.memory_space<hbm>>
      %dma_wait3A_812 = arith.constant 0 : i32
      %dma_wait3A_813 = arith.constant 0 : i32
      %dma_wait3A_814 = tpu.memref_slice %arg5[%dma_wait3A_812, %dma_wait3A_813] : memref<150000x128xf32, #tpu.memory_space<hbm>> -> memref<256x128xf32, #tpu.memory_space<hbm>>
      tpu.wait_dma2 semaphore(%arg14 : memref<!tpu.dma_semaphore, #tpu.memory_space<semaphore_mem>>) src(%arg10 : memref<256x128xf32, #tpu.memory_space<vmem>>) dst(%dma_wait3A_814 : memref<256x128xf32, #tpu.memory_space<hbm>>)
    } else {
    }
    %add3A_798 = arith.constant 576 : i32
    %add3A_799 = arith.addi %add3A, %add3A_798 : i32
    %lt3A_800 = arith.constant 585 : i32
    %lt3A_801 = arith.cmpi slt, %add3A_799, %lt3A_800 : i32
    %convert_element_type3A_802 = arith.extui %lt3A_801 : i1 to i32
    %cond3A_803 = arith.constant 0 : i32
    %cond3A_804 = arith.cmpi ne, %convert_element_type3A_802, %cond3A_803 : i32
    scf.if %cond3A_804 {
      %dma_wait3A = arith.constant 0 : i32
      %dma_wait3A_810 = arith.constant 0 : i32
      %dma_wait3A_811 = tpu.memref_slice %arg5[%dma_wait3A, %dma_wait3A_810] : memref<150000x128xf32, #tpu.memory_space<hbm>> -> memref<256x128xf32, #tpu.memory_space<hbm>>
      %dma_wait3A_812 = arith.constant 0 : i32
      %dma_wait3A_813 = arith.constant 0 : i32
      %dma_wait3A_814 = tpu.memref_slice %arg5[%dma_wait3A_812, %dma_wait3A_813] : memref<150000x128xf32, #tpu.memory_space<hbm>> -> memref<256x128xf32, #tpu.memory_space<hbm>>
      tpu.wait_dma2 semaphore(%arg14 : memref<!tpu.dma_semaphore, #tpu.memory_space<semaphore_mem>>) src(%arg10 : memref<256x128xf32, #tpu.memory_space<vmem>>) dst(%dma_wait3A_814 : memref<256x128xf32, #tpu.memory_space<hbm>>)
    } else {
    }
    %eq3A_805 = arith.constant 9 : i32
    %eq3A_806 = arith.cmpi eq, %add3A, %eq3A_805 : i32
    %convert_element_type3A_807 = arith.extui %eq3A_806 : i1 to i32
    %cond3A_808 = arith.constant 0 : i32
    %cond3A_809 = arith.cmpi ne, %convert_element_type3A_807, %cond3A_808 : i32
    scf.if %cond3A_809 {
      %dma_wait3A = arith.constant 0 : i32
      %dma_wait3A_810 = arith.constant 0 : i32
      %dma_wait3A_811 = tpu.memref_slice %arg10[%dma_wait3A, %dma_wait3A_810] : memref<256x128xf32, #tpu.memory_space<vmem>> -> memref<240x128xf32, #tpu.memory_space<vmem>>
      %dma_wait3A_812 = arith.constant 0 : i32
      %dma_wait3A_813 = arith.constant 0 : i32
      %dma_wait3A_814 = tpu.memref_slice %arg5[%dma_wait3A_812, %dma_wait3A_813] : memref<150000x128xf32, #tpu.memory_space<hbm>> -> memref<240x128xf32, #tpu.memory_space<hbm>>
      %dma_wait3A_815 = arith.constant 0 : i32
      %dma_wait3A_816 = arith.constant 0 : i32
      %dma_wait3A_817 = tpu.memref_slice %arg5[%dma_wait3A_815, %dma_wait3A_816] : memref<150000x128xf32, #tpu.memory_space<hbm>> -> memref<240x128xf32, #tpu.memory_space<hbm>>
      %dma_wait3A_818 = arith.constant 0 : i32
      %dma_wait3A_819 = arith.constant 0 : i32
      %dma_wait3A_820 = tpu.memref_slice %arg10[%dma_wait3A_818, %dma_wait3A_819] : memref<256x128xf32, #tpu.memory_space<vmem>> -> memref<240x128xf32, #tpu.memory_space<vmem>>
      tpu.wait_dma2 semaphore(%arg14 : memref<!tpu.dma_semaphore, #tpu.memory_space<semaphore_mem>>) src(%dma_wait3A_820 : memref<240x128xf32, #tpu.memory_space<vmem>>) dst(%dma_wait3A_817 : memref<240x128xf32, #tpu.memory_space<hbm>>)
    } else {
    }
    return
  }
}

module attributes {stable_mosaic.version = 14 : i64} {
  func.func @zk(%arg0: i32, %arg1: memref<5x2000x128xf32, #tpu.memory_space<vmem>>) attributes {dimension_semantics = [#tpu.dimension_semantics<arbitrary>], iteration_bounds = array<i64: 25>, scalar_prefetch = 0 : i64, scratch_operands = 0 : i64, tpu.core_type = #tpu.core_type<tc>, window_params = [{transform_indices = @transform_0, window_bounds = array<i64: 5, 2000, 128>}]} {
    %broadcast_in_dim3A = arith.constant 0.000000e+00 : f32
    %broadcast_in_dim3A_0 = vector.broadcast %broadcast_in_dim3A : f32 to vector<5x2000x128xf32>
    %swap3A = arith.constant 0 : index
    %swap3A_1 = arith.constant 0 : index
    %swap3A_2 = arith.constant 0 : index
    %swap3A_3 = vector.load %arg1[%swap3A, %swap3A_1, %swap3A_2] : memref<5x2000x128xf32, #tpu.memory_space<vmem>>, vector<5x2000x128xf32>
    tpu.vector_store %arg1[%swap3A, %swap3A_1, %swap3A_2], %broadcast_in_dim3A_0 {strides = array<i32>} : memref<5x2000x128xf32, #tpu.memory_space<vmem>>, vector<5x2000x128xf32>,
    return
  }
  func.func @transform_0(%arg0: i32) -> (i32, i32, i32) {
    %c0_i32 = arith.constant 0 : i32
    %c0_i32_0 = arith.constant 0 : i32
    %c0_i32_1 = arith.constant 0 : i32
    return %c0_i32, %arg0, %c0_i32_0 : i32, i32, i32
  }
}

</mosaic_0001>

<sc_bundles>
// kernel: kernel.4.cloned.1.call-start
scs
__scs_entry_jumppad:
0x0: {  	(pc) =	sbr.rel $0x88, $3  }
0x1: {  	(tag) =	ssettag $0x0;
	lr =	simm.s32 $0x1  }
0x2: {  	[smem:$0x3F9F] =	sst lr;
	_ =	strace $0xD0000000  }
0x3: {  	_ = 	snop  }
0x4: {  	_ = 	snop  }
0x5: {  	_ = 	snop  }
0x6: {  	_ = 	snop  }
0x7: {  	_ = 	snop  }
__scs_overlays_trampoline_lowered:
0x8: {  	[smem:$0x3FAE] =	sst s0  }
0x9: {  	[smem:$0x3FAF] =	sst s1  }
0xa: {  	[smem:$0x3FB0] =	sst s2  }
0xb: {  	[smem:$0x3FB1] =	sst s3  }
0xc: {  	[smem:$0x3FB2] =	sst s4  }
0xd: {  	[smem:$0x3FB3] =	sst s5  }
0xe: {  	[smem:$0x3FB4] =	sst s6  }
0xf: {  	[smem:$0x3FB5] =	sst s7  }
0x10: {  	[smem:$0x3FB6] =	sst s8  }
0x11: {  	[smem:$0x3FB7] =	sst s9;
	s0 =	simm.s32 @!p0 $0x0  }
0x12: {  	s1 =	sld [smem:$0x3F9D];
	s0 =	simm.s32 @p0 $0x1  }
0x13: {  	[smem:$0x3FB8] =	sst s0;
	s0 =	simm.s32 @!p1 $0x0  }
0x14: {  	s2 =	sld [smem:$0x3F9C];
	s0 =	simm.s32 @p1 $0x1  }
0x15: {  	[smem:$0x3FB9] =	sst s0;
	s0 =	simm.s32 @!p2 $0x0  }
0x16: {  	s3 =	sld [smem:$0x3FDB];
	s0 =	simm.s32 @p2 $0x1  }
0x17: {  	s4 =	simm.s32 $0x1BF5;
	[smem:$0x3FBB] =	sst s0  }
0x18: {  	s0 =	sld [smem:$0x3F9E];
	_ =	swait.ge [sflag:s4], $0x0  }
0x19: {  	s7 =	sld [smem:$0x3F9F]  }
0x1a: {  	s8 =	sadd.s32 $0xFFFFE003, lr  }
0x1b: {  	s9 =	sadd.s32 $0xFFFFFEF7, lr;
	s5 =	simm.s32 $0xFFFFFFFF;
	p2 =	slt.u32 s8, $0xFFFFF086  }
0x1c: {  	p1 =	slt.u32 s9, $0xF7A;
	s5 =	simm.s32 @!p2 $0x0  }
0x1d: {  	s5 =	simm.s32 @p1 $0x1;
	p0 =	seq.s32 s7, s2  }
0x1e: {  	s7 =	smul.u32 @!p0 $0xF7A, s2;
	p2 =	seq.s32 @!p0 s5, $0x0  }
0x1f: {  	s9 =	smul.u32 $0xF7A, s1;
	s8 =	simm.s32 @!p0 $0x1BF5;
	p2 =	por !p2, p0  }
0x20: {  	[sflag:s8] =	ssyncset.s32 @!p0 $0xFFFFF086;
	s6 =	sadd.s32 @!p0 s3, s7;
	s7 =	simm.s32 @!p0 $0x108  }
0x21: {  	s3 =	sadd.s32 s3, s9;
	s6 =	sadd.s32 @!p0 $0x88, s6;
	s7 =	simm.s32 @p2 $0x1082  }
0x22: {  	[simem:s7], [sflag:s8] =	dma.local @!p0 [hbm:s6], $0xF7A  }
0x23: {  	s9 =	sor.u32 $0xD0000000, s2;
	s6 =	simm.s32 $0x108;
	_ =	swait.ge @!p0 [sflag:s8], $0x0  }
0x24: {  	s3 =	sadd.s32 $0x88, s3;
	s6 =	simm.s32 @!p1 $0x1082;
	[sflag:s4] =	ssyncset.s32 $0xFFFFF086  }
0x25: {  	[simem:s6], [sflag:s4] =	dma.local [hbm:s3], $0xF7A  }
0x26: {  	[smem:$0x3F9F] =	sst s1;
	(tag) =	ssettag s2;
	_ =	strace s9  }
0x27: {  	s1 =	sld [smem:$0x3FAF]  }
0x28: {  	s2 =	sld [smem:$0x3FB0]  }
0x29: {  	s4 =	sld [smem:$0x3FB2]  }
0x2a: {  	p0 =	seq.s32 s5, $0x0;
	s5 =	sld [smem:$0x3FB3]  }
0x2b: {  	s6 =	sld [smem:$0x3FB4]  }
0x2c: {  	s7 =	sld [smem:$0x3FB5]  }
0x2d: {  	s3 =	simm.s32 $0x108;
	s8 =	sld [smem:$0x3FB6]  }
0x2e: {  	s3 =	simm.s32 @!p0 $0x1082;
	s9 =	sld [smem:$0x3FB7]  }
0x2f: {  	lr =	sadd.s32 s0, s3;
	s0 =	sld [smem:$0x3FAE]  }
0x30: {  	s3 =	sld [smem:$0x3FB1]  }
0x31: {  	[smem:$0x3FBA] =	sst s10  }
0x32: {  	s10 =	sld [smem:$0x3FB8];
	_ =	sdelay $0x3  }
0x33: {  	p0 =	seq.s32 s10, $0x1;
	s10 =	sld [smem:$0x3FBA];
	_ =	sdelay $0x3  }
0x34: {  	[smem:$0x3FBA] =	sst s10  }
0x35: {  	s10 =	sld [smem:$0x3FB9];
	_ =	sdelay $0x3  }
0x36: {  	p1 =	seq.s32 s10, $0x1;
	s10 =	sld [smem:$0x3FBA];
	_ =	sdelay $0x3  }
0x37: {  	[smem:$0x3FBA] =	sst s10  }
0x38: {  	s10 =	sld [smem:$0x3FBB]  }
0x39: {  	_ = 	snop;
	(pc) =	sbr.ind lr, $3  }
0x3a: {  	_ = 	snop  }
0x3b: {  	_ = 	snop  }
0x3c: {  	p2 =	seq.s32 s10, $0x1;
	s10 =	sld [smem:$0x3FBA]  }
0x3d: {  	_ =	shalt  }
0x3e: {  	_ =	shalt  }
0x3f: {  	_ =	shalt  }
0x40: {  	_ =	shalt  }
0x41: {  	_ =	shalt  }
0x42: {  	_ =	shalt  }
0x43: {  	_ =	shalt  }
0x44: {  	_ =	shalt  }
0x45: {  	_ =	shalt  }
0x46: {  	_ =	shalt  }
0x47: {  	_ =	shalt  }
0x48: {  	_ =	shalt  }
0x49: {  	_ =	shalt  }
0x4a: {  	_ =	shalt  }
0x4b: {  	_ =	shalt  }
0x4c: {  	_ =	shalt  }
0x4d: {  	_ =	shalt  }
0x4e: {  	_ =	shalt  }
0x4f: {  	_ =	shalt  }
0x50: {  	_ =	shalt  }
0x51: {  	_ =	shalt  }
0x52: {  	_ =	shalt  }
0x53: {  	_ =	shalt  }
0x54: {  	_ =	shalt  }
0x55: {  	_ =	shalt  }
0x56: {  	_ =	shalt  }
0x57: {  	_ =	shalt  }
0x58: {  	_ =	shalt  }
0x59: {  	_ =	shalt  }
0x5a: {  	_ =	shalt  }
0x5b: {  	_ =	shalt  }
0x5c: {  	_ =	shalt  }
0x5d: {  	_ =	shalt  }
0x5e: {  	_ =	shalt  }
0x5f: {  	_ =	shalt  }
0x60: {  	_ =	shalt  }
0x61: {  	_ =	shalt  }
0x62: {  	_ =	shalt  }
0x63: {  	_ =	shalt  }
0x64: {  	_ =	shalt  }
0x65: {  	_ =	shalt  }
0x66: {  	_ =	shalt  }
0x67: {  	_ =	shalt  }
0x68: {  	_ =	shalt  }
0x69: {  	_ =	shalt  }
0x6a: {  	_ =	shalt  }
0x6b: {  	_ =	shalt  }
0x6c: {  	_ =	shalt  }
0x6d: {  	_ =	shalt  }
0x6e: {  	_ =	shalt  }
0x6f: {  	_ =	shalt  }
0x70: {  	_ =	shalt  }
0x71: {  	_ =	shalt  }
0x72: {  	_ =	shalt  }
0x73: {  	_ =	shalt  }
0x74: {  	_ =	shalt  }
0x75: {  	_ =	shalt  }
0x76: {  	_ =	shalt  }
0x77: {  	_ =	shalt  }
0x78: {  	_ =	shalt  }
0x79: {  	_ =	shalt  }
0x7a: {  	_ =	shalt  }
0x7b: {  	_ =	shalt  }
0x7c: {  	_ =	shalt  }
0x7d: {  	_ =	shalt  }
0x7e: {  	_ =	shalt  }
0x7f: {  	_ =	shalt  }
0x80: {  	_ =	shalt  }
0x81: {  	_ =	shalt  }
0x82: {  	_ =	shalt  }
0x83: {  	_ =	shalt  }
0x84: {  	_ =	shalt  }
0x85: {  	_ =	shalt  }
0x86: {  	_ =	shalt  }
0x87: {  	_ =	shalt  }
.Lfunc_end0:
.L_simem_size_0:
called_computation_lowered:
.L_overlay_start_0:
0x88: {  	s2 =	sld [smem:$0x3FD9]  }
0x89: {  	s3 =	sld [smem:$0x3FFE];
	_ =	sdelay $0x1  }
0x8a: {  	s1 =	srdreg.scid  }
0x8b: {  	s0 =	sand.u32 $0x1, s1  }
0x8c: {  	s15 =	sshll.u32 s0, $0xA;
	s2 =	sadd.s32 s3, s2  }
0x8d: {  	s2 =	sadd.s32 s2, s15  }
0x8e: {  	[smem:$0x3FC6] =	sst s2  }
0x8f: {  	_ = 	snop  }
0x90: {  	s2 =	sld [smem:$0x3FD0];
	_ =	sdelay $0x1  }
0x91: {  	s16 =	sld [smem:$0x3FC9]  }
0x92: {  	s5 =	simm.s32 $0xA;
	s6 =	simm.s32 $0x10;
	s4 =	sld [smem:$0x3FC8]  }
0x93: {  	[smem:s6], [sflag:s5] =	dma.local [hbm:s2], $0x1  }
0x94: {  	_ =	swait.eq [sflag:s5], $0x1  }
0x95: {  	[sflag:s5] =	ssyncset.done $0x0  }
0x96: {  	s17 =	sld [smem:$0x10];
	[sflag:s5] =	ssyncadd.s32 $0xFFFFFFFF  }
0x97: {  	s18 =	sld [smem:$0x11];
	(tm) =	ssettm $0x1  }
0x98: {  	s19 =	sld [smem:$0x3FFB];
	_ =	sdelay $0x3  }
0x99: {  	_ =	strace s19  }
0x9a: {  	s6 =	sld [smem:$0x3FFC];
	_ =	sdelay $0x3  }
0x9b: {  	_ =	strace s6  }
0x9c: {  	s6 =	sld [smem:$0x3FFD];
	_ =	sdelay $0x3  }
0x9d: {  	_ =	strace s6  }
0x9e: {  	_ =	strace $0x8FFFFFFF  }
0x9f: {  	s20 =	sld [smem:$0x3FDB];
	_ =	sdelay $0x1  }
0xa0: {  	s7 =	simm.s32 $_scs_section_size  }
0xa1: {  	s8 =	simm.s32 $_size__tile_overlayer_lowered;
	s9 =	simm.s32 $_tile_overlayer_lowered  }
0xa2: {  	s23 =	simm.s32 $0x1BFF;
	s22 =	sshll.u32 s9, $0x1;
	s6 =	sadd.s32 s7, s20  }
0xa3: {  	s10 =	simm.s32 $0x0;
	s21 =	sshll.u32 s8, $0x1;
	s8 =	sadd.s32 s22, s6  }
0xa4: {  	[timem:s10], [sflag:s23] =	dma.local [hbm:s8], s21  }
0xa5: {  	_ =	swait.ge [sflag:s23], s21  }
0xa6: {  	s7 =	ssub.s32 $0x0, s21;
	[sflag:s23] =	ssyncset.done $0x0  }
0xa7: {  	[sflag:s23] =	ssyncadd.s32 s7;
	_ =	sdelay $0x1  }
0xa8: {  	s24 =	simm.s32 $0x1B8B  }
0xa9: {  	_ =	swait.ge [sflag:s24], $0x1  }
0xaa: {  	[sflag:s24] =	ssyncset.done $0x0  }
0xab: {  	s25 =	simm.s32 $0x1B8E;
	[sflag:s24] =	ssyncadd.s32 $0xFFFFFFFF  }
0xac: {  	s26 =	simm.s32 $execute0_lowered;
	[smem:$0x3FD2] =	sst s25  }
0xad: {  	s7 =	sshll.u32 s26, $0x1;
	_ =	strace $0x80000046;
	[dreg:$0x1] =	wrdreg $0xFFFFFFFF  }
0xae: {  	s28 =	simm.s32 $_size_execute0_lowered;
	s6 =	sadd.s32 s6, s7;
	[dreg:$0x0] =	wrdreg $0x0  }
0xaf: {  	s7 =	sshll.u32 s28, $0x1;
	[dreg:$0x2] =	wrdreg s6  }
0xb0: {  	[dreg:$0x3] =	wrdreg s7  }
0xb1: {  	[dreg:$0x4] =	wrdreg $0xC0  }
0xb2: {  	_ =	task [dreg:s10], $0x5FFFF  }
0xb3: {  	[dreg:$0x1] =	wrdreg $0xFFFFFFFF  }
0xb4: {  	[dreg:$0x0] =	wrdreg $0x60  }
0xb5: {  	[dreg:$0x2] =	wrdreg s16  }
0xb6: {  	[dreg:$0x3] =	wrdreg s4  }
0xb7: {  	[dreg:$0x4] =	wrdreg s17  }
0xb8: {  	[dreg:$0x5] =	wrdreg s18  }
0xb9: {  	[dreg:$0x6] =	wrdreg $0x1B0800  }
0xba: {  	[dreg:$0x7] =	wrdreg $0x9  }
0xbb: {  	_ =	task.clear_ibuf [dreg:s10], $0x8FFFF;
	_ =	strace $0x90000046  }
0xbc: {  	s29 =	simm.s32 $0x9;
	_ =	strace $0x80000048  }
0xbd: {  	_ =	swait.ge [sflag:s29], $0x1  }
0xbe: {  	[sflag:s29] =	ssyncadd.s32 $0xFFFFFFFF  }
0xbf: {  	_ =	strace $0x90000048  }
0xc0: {  	_ =	sfence  }
0xc1: {  	s30 =	sld [smem:$0x0];
	_ =	sdelay $0x2  }
0xc2: {  	s31 =	sshll.u32 s1, $0xD;
	s1 =	sshrl.u32 s1, $0x2  }
0xc3: {  	s3 =	sand.u32 $0x4000, s31;
	s1 =	sadd.s32 s1, s30  }
0xc4: {  	s0 =	sor.u32 s3, s0;
	s1 =	sshll.u32 s1, $0x11  }
0xc5: {  	s0 =	sor.u32 s1, s0  }
0xc6: {  	s0 =	sadd.s32 $0x8F2B, s0  }
0xc7: {  	[sflag:s0] =	ssyncadd.remote.s32 $0x1  }
0xc8: {  	_ =	sfence.sel $0xFFFF  }
0xc9: {  	[dreg:$0x0] =	wrdreg $0xFFFFFFFF;
	(pc) =	sbr.abs _section_cstart, $3  }
0xca: {  	[dreg:$0x1] =	wrdreg $0xFFFFFFFF  }
0xcb: {  	_ =	task.clear_ibuf [dreg:s10], $0x2FFFF;
	_ =	strace $0x9FFFFFFF  }
0xcc: {  	(tm) =	ssettm $0x7FFFFFFF  }
0xcd: {  	_ =	shalt  }
tec
execute0_lowered:
.L_overlay_start_1:
0x0: {  	(tag) =	ssettag $0x1  }
0x1: {  	s4 =	rddreg [dreg:$0x0]  }
0x2: {  	s0 =	rddreg [dreg:$0x2]  }
0x3: {  	s15 =	rddreg [dreg:$0x3]  }
0x4: {  	s2 =	rddreg [dreg:$0x4];
	s1 =	srdreg.scid  }
0x5: {  	s3 =	simm.s32 $0x0;
	s14 =	stileid.u32;
	s28 =	simm.s32 $0x3  }
0x6: {  	s29 =	simm.s32 $0x500;
	s1 =	sand.u32 $0x1, s1;
	[smem:$0x7FF] =	sst s3  }
0x7: {  	s5 =	sshll.u32 s14, $0x1;
	p0 =	sne.s32 s14, $0x0;
	p1 =	sgt.u32 s14, $0x2  }
0x8: {  	s6 =	ssub.s32 $0x2, s1;
	_ =	strace $0x80000047;
	s5 =	sor.u32 s1, s5  }
0x9: {  	s7 =	sshrl.u32 s6, $0x1;
	s21 =	sshll.u32 s5, $0xC;
	s14 =	sor.u32 $0x120, s5  }
0xa: {  	s18 =	sor.u32 $0x160, s5;
	s19 =	sor.u32 $0x180, s5;
	s30 =	sshll.u32 s5, $0x4  }
0xb: {  	p2 =	sgt.u32 s5, $0x8;
	p3 =	sne.s32 s5, $0x6;
	s1 =	ssub.s32 s6, s7  }
0xc: {  	s6 =	sor.u32 $0x20, s5;
	s21 =	sadd.s32 s15, s21;
	s7 =	sor.u32 $0x40, s5  }
0xd: {  	s17 =	sshll.u32 s14, $0xC;
	s25 =	sshll.u32 s18, $0xC;
	s20 =	sshll.u32 s19, $0xC  }
0xe: {  	s31 =	sadd.s32 s4, s30;
	p5 =	sne.s32 @p2 s5, $0x9;
	s8 =	sshll.u32 s6, $0xC  }
0xf: {  	s9 =	sshll.u32 s7, $0xC;
	s23 =	sadd.s32 s15, s17;
	[dreg:$0x13] =	wrdreg s31  }
0x10: {  	s26 =	sadd.s32 s15, s20;
	[smem:$0x7FC] =	sst s21;
	s8 =	sadd.s32 s15, s8  }
0x11: {  	s9 =	sadd.s32 s15, s9;
	[dreg:$0x6] =	wrdreg s8;
	s8 =	sor.u32 $0x60, s5  }
0x12: {  	[dreg:$0x7] =	wrdreg s9;
	s9 =	sor.u32 $0x80, s5;
	s10 =	sshll.u32 s8, $0xC  }
0x13: {  	[dreg:$0xe] =	wrdreg s23;
	s11 =	sshll.u32 s9, $0xC;
	s10 =	sadd.s32 s15, s10  }
0x14: {  	s20 =	sshll.u32 s7, $0x4;
	s11 =	sadd.s32 s15, s11;
	[dreg:$0x8] =	wrdreg s10  }
0x15: {  	s10 =	sor.u32 $0xA0, s5;
	[dreg:$0x9] =	wrdreg s11;
	s11 =	sor.u32 $0xC0, s5  }
0x16: {  	[dreg:$0x11] =	wrdreg s26;
	s12 =	sshll.u32 s10, $0xC;
	s13 =	sshll.u32 s11, $0xC  }
0x17: {  	s26 =	sshll.u32 s11, $0x4;
	s12 =	sadd.s32 s15, s12;
	s13 =	sadd.s32 s15, s13  }
0x18: {  	s30 =	sadd.s32 s4, s26;
	[dreg:$0xa] =	wrdreg s12;
	s12 =	sor.u32 $0xE0, s5  }
0x19: {  	[dreg:$0xb] =	wrdreg s13;
	s13 =	sor.u32 $0x100, s5;
	s16 =	sshll.u32 s12, $0xC  }
0x1a: {  	[dreg:$0x19] =	wrdreg s30;
	s22 =	sshll.u32 s13, $0xC;
	s16 =	sadd.s32 s15, s16  }
0x1b: {  	p4 =	por p5, !p2;
	[dreg:$0xc] =	wrdreg s16;
	s16 =	sadd.s32 s15, s22  }
0x1c: {  	p5 =	por !p5, !p2;
	s22 =	sshll.u32 s8, $0x4;
	[dreg:$0xd] =	wrdreg s16  }
0x1d: {  	s16 =	sor.u32 $0x140, s5;
	s23 =	sadd.s32 s4, s22;
	s5 =	sshll.u32 s5, $0xB  }
0x1e: {  	s24 =	sshll.u32 s16, $0xC;
	[dreg:$0x16] =	wrdreg s23;
	s30 =	sadd.s32 s0, s5  }
0x1f: {  	s31 =	sshll.u32 s12, $0x4;
	s17 =	sadd.s32 s15, s24;
	[smem:$0x7E6] =	sst s30  }
0x20: {  	s12 =	sshll.u32 s12, $0xB;
	s30 =	sadd.s32 $0x220000, s21;
	[dreg:$0xf] =	wrdreg s17  }
0x21: {  	s23 =	sshll.u32 s16, $0x4;
	s17 =	sadd.s32 s15, s25;
	[smem:$0x7FB] =	sst s30  }
0x22: {  	s15 =	sadd.s32 $0x249000, s15;
	[dreg:$0x10] =	wrdreg s17;
	s17 =	sshll.u32 s6, $0x4  }
0x23: {  	s5 =	sshll.u32 s7, $0xB;
	[dreg:$0x12] =	wrdreg s15;
	s15 =	sadd.s32 s4, s17  }
0x24: {  	s24 =	sshll.u32 s9, $0x4;
	[dreg:$0x14] =	wrdreg s15;
	s15 =	sadd.s32 s4, s20  }
0x25: {  	s20 =	sshll.u32 s14, $0x4;
	[dreg:$0x15] =	wrdreg s15;
	s15 =	sadd.s32 s4, s24  }
0x26: {  	s25 =	sshll.u32 s10, $0x4;
	s22 =	sadd.s32 s4, s20;
	[dreg:$0x17] =	wrdreg s15  }
0x27: {  	s17 =	sshll.u32 s13, $0x4;
	s15 =	sadd.s32 s4, s25;
	[dreg:$0x1c] =	wrdreg s22  }
0x28: {  	s25 =	sshll.u32 s19, $0x4;
	s22 =	smax.u32 s1, $0x1;
	[dreg:$0x18] =	wrdreg s15  }
0x29: {  	s19 =	sshll.u32 s19, $0xB;
	s15 =	sadd.s32 s4, s31;
	[smem:$0x7F4] =	sst s22  }
0x2a: {  	s26 =	sadd.s32 s4, s25;
	s31 =	sshll.u32 s6, $0xB;
	[dreg:$0x1a] =	wrdreg s15  }
0x2b: {  	s6 =	sshll.u32 s8, $0xB;
	s20 =	sadd.s32 s0, s19;
	[dreg:$0x1f] =	wrdreg s26  }
0x2c: {  	s8 =	sshll.u32 s9, $0xB;
	s25 =	sadd.s32 $0x1E0000, s21;
	[smem:$0x7F2] =	sst s20  }
0x2d: {  	s9 =	sshll.u32 s10, $0xB;
	s15 =	sadd.s32 s4, s17;
	[smem:$0x7F9] =	sst s25  }
0x2e: {  	s10 =	sshll.u32 s11, $0xB;
	s7 =	sadd.s32 s0, s6;
	[dreg:$0x1b] =	wrdreg s15  }
0x2f: {  	s13 =	sshll.u32 s13, $0xB;
	s11 =	sadd.s32 s0, s10;
	[smem:$0x7E9] =	sst s7  }
0x30: {  	s14 =	sshll.u32 s14, $0xB;
	s26 =	sadd.s32 $0x200000, s21;
	[smem:$0x7EC] =	sst s11  }
0x31: {  	s24 =	sshll.u32 s18, $0x4;
	s15 =	sadd.s32 s4, s23;
	[smem:$0x7FA] =	sst s26  }
0x32: {  	s18 =	sshll.u32 s18, $0xB;
	s23 =	sadd.s32 $0x1A0000, s21;
	[dreg:$0x1d] =	wrdreg s15  }
0x33: {  	s19 =	simm.s32 $0x9;
	s15 =	sadd.s32 s4, s24;
	[smem:$0x7F7] =	sst s23  }
0x34: {  	s22 =	simm.s32 $0x0;
	s4 =	sadd.s32 $0x1860, s4;
	[dreg:$0x1e] =	wrdreg s15  }
0x35: {  	s17 =	sshll.u32 s16, $0xB;
	s24 =	sadd.s32 $0x1C0000, s21;
	[smem:$0x7E5] =	sst s4  }
0x36: {  	s25 =	simm.s32 $0x13080;
	s4 =	sadd.s32 s0, s31;
	[smem:$0x7F8] =	sst s24  }
0x37: {  	s16 =	simm.s32 $0x6;
	s15 =	sadd.s32 s0, s14;
	[smem:$0x7E7] =	sst s4  }
0x38: {  	s20 =	simm.s32 $0xA;
	s31 =	sadd.s32 $0x240000, s21;
	[smem:$0x7EF] =	sst s15  }
0x39: {  	s6 =	simm.s32 $0x200;
	s4 =	sadd.s32 s0, s5;
	[smem:$0x7FD] =	sst s31  }
0x3a: {  	s10 =	simm.s32 $0x580;
	[smem:$0x7E8] =	sst s4;
	s4 =	sadd.s32 s0, s8  }
0x3b: {  	s26 =	simm.s32 $0x80;
	[smem:$0x7EA] =	sst s4;
	s4 =	sadd.s32 s0, s9  }
0x3c: {  	s11 =	simm.s32 $0x4;
	[smem:$0x7EB] =	sst s4;
	s4 =	sadd.s32 s0, s12  }
0x3d: {  	s7 =	simm.s32 $0x300;
	[smem:$0x7ED] =	sst s4;
	s4 =	sadd.s32 s0, s13  }
0x3e: {  	s21 =	simm.s32 $0xB;
	[smem:$0x7EE] =	sst s4;
	s4 =	sadd.s32 s0, s17  }
0x3f: {  	[smem:$0x7F0] =	sst s4;
	s4 =	sadd.s32 s0, s18;
	s0 =	sadd.s32 $0xC3000, s0  }
0x40: {  	s14 =	simm.s32 $0x400;
	[smem:$0x7F3] =	sst s0;
	s0 =	simm.s32 @!p4 $0x0  }
0x41: {  	s15 =	simm.s32 $0x380;
	s8 =	simm.s32 $0x1;
	s0 =	simm.s32 @p4 $0x1  }
0x42: {  	s9 =	simm.s32 $0x480;
	[smem:$0x7F5] =	sst s0;
	s0 =	simm.s32 @!p5 $0x0  }
0x43: {  	s13 =	simm.s32 $0x5;
	[smem:$0x7F1] =	sst s4;
	s0 =	simm.s32 @p5 $0x1  }
0x44: {  	v0 =	vimm.f32 $0.0e+00;
	s17 =	simm.s32 $0x8800;
	s18 =	simm.s32 $0x7;
	[smem:$0x7F6] =	sst s0  }
.LBB2_1:
0x45: {  	s23 =	simm.s32 $0x0;
	s24 =	simm.s32 $0x200  }
.LBB2_2:
0x46: {  	p6 =	sne.s32 s24, $0x1FE00;
	[tilespmem:s23+$0x130F0] =	vst v0  }
0x47: {  	[tilespmem:s23+$0x13080] =	vst v0  }
0x48: {  	[tilespmem:s23+$0x13090] =	vst v0  }
.Ltmp0:
0x49: {  	[tilespmem:s23+$0x130A0] =	vst v0;
	(pc) =	sbr.rel @p6 .LBB2_2-.Ltmp0, $4  }
0x4a: {  	[tilespmem:s23+$0x130B0] =	vst v0  }
0x4b: {  	[tilespmem:s23+$0x130C0] =	vst v0  }
0x4c: {  	[tilespmem:s23+$0x130D0] =	vst v0  }
0x4d: {  	[tilespmem:s23+$0x130E0] =	vst v0;
	s23 =	sshra.s32 s24, $0x2;
	s24 =	sadd.s32 $0x200, s24  }
0x4e: {  	[tilespmem:s23+$0x130F0] =	vst v0  }
0x4f: {  	[tilespmem:s23+$0x13080] =	vst v0  }
0x50: {  	[tilespmem:s23+$0x13090] =	vst v0  }
0x51: {  	[tilespmem:s23+$0x130A0] =	vst v0  }
0x52: {  	[tilespmem:s23+$0x130B0] =	vst v0  }
0x53: {  	[tilespmem:s23+$0x130C0] =	vst v0;
	s0 =	sld [smem:$0x7FC]  }
0x54: {  	[tilespmem:s23+$0x130D0] =	vst v0;
	s31 =	rddreg [dreg:$0x6]  }
0x55: {  	[tilespmem:s23+$0x130E0] =	vst v0;
	s1 =	rddreg [dreg:$0x7]  }
0x56: {  	[hbm4b:s0+s3] =	stream.linear.scatter [tilespmem:s25], [sflag:$0x3], $0x8000, $0x38;
	[tilespmem:$0x1B338] =	vst v63  }
0x57: {  	s4 =	rddreg [dreg:$0x8]  }
0x58: {  	[hbm4b:s31+s3] =	stream.linear.scatter [tilespmem:s25], [sflag:$0x3], $0x8000, $0x38;
	[tilespmem:$0x1B338] =	vst v63  }
0x59: {  	s5 =	rddreg [dreg:$0x9]  }
0x5a: {  	[hbm4b:s1+s3] =	stream.linear.scatter [tilespmem:s25], [sflag:$0x3], $0x8000, $0x38;
	[tilespmem:$0x1B338] =	vst v63  }
0x5b: {  	s12 =	rddreg [dreg:$0xa]  }
0x5c: {  	[hbm4b:s4+s3] =	stream.linear.scatter [tilespmem:s25], [sflag:$0x3], $0x8000, $0x38;
	[tilespmem:$0x1B338] =	vst v63  }
0x5d: {  	s23 =	rddreg [dreg:$0xb]  }
0x5e: {  	[hbm4b:s5+s3] =	stream.linear.scatter [tilespmem:s25], [sflag:$0x3], $0x8000, $0x38;
	[tilespmem:$0x1B338] =	vst v63  }
0x5f: {  	s24 =	rddreg [dreg:$0xc]  }
0x60: {  	[hbm4b:s12+s3] =	stream.linear.scatter [tilespmem:s25], [sflag:$0x3], $0x8000, $0x38;
	[tilespmem:$0x1B338] =	vst v63  }
0x61: {  	s30 =	rddreg [dreg:$0xd]  }
0x62: {  	[hbm4b:s23+s3] =	stream.linear.scatter [tilespmem:s25], [sflag:$0x3], $0x8000, $0x38;
	[tilespmem:$0x1B338] =	vst v63  }
0x63: {  	s31 =	rddreg [dreg:$0xe]  }
0x64: {  	[hbm4b:s24+s3] =	stream.linear.scatter [tilespmem:s25], [sflag:$0x3], $0x8000, $0x38;
	[tilespmem:$0x1B338] =	vst v63  }
0x65: {  	s1 =	rddreg [dreg:$0xf]  }
0x66: {  	[hbm4b:s30+s3] =	stream.linear.scatter [tilespmem:s25], [sflag:$0x3], $0x8000, $0x38;
	[tilespmem:$0x1B338] =	vst v63  }
0x67: {  	s4 =	rddreg [dreg:$0x10]  }
0x68: {  	[hbm4b:s31+s3] =	stream.linear.scatter [tilespmem:s25], [sflag:$0x3], $0x8000, $0x38;
	[tilespmem:$0x1B338] =	vst v63  }
0x69: {  	s5 =	rddreg [dreg:$0x11]  }
0x6a: {  	[hbm4b:s1+s3] =	stream.linear.scatter [tilespmem:s25], [sflag:$0x3], $0x8000, $0x38;
	[tilespmem:$0x1B338] =	vst v63  }
0x6b: {  	s12 =	sld [smem:$0x7F7]  }
0x6c: {  	[hbm4b:s4+s3] =	stream.linear.scatter [tilespmem:s25], [sflag:$0x3], $0x8000, $0x38;
	[tilespmem:$0x1B338] =	vst v63  }
0x6d: {  	s23 =	sld [smem:$0x7F8]  }
0x6e: {  	[hbm4b:s5+s3] =	stream.linear.scatter [tilespmem:s25], [sflag:$0x3], $0x8000, $0x38;
	[tilespmem:$0x1B338] =	vst v63  }
0x6f: {  	s24 =	sld [smem:$0x7F9]  }
0x70: {  	[hbm4b:s12+s3] =	stream.linear.scatter [tilespmem:s25], [sflag:$0x3], $0x8000, $0x38;
	[tilespmem:$0x1B338] =	vst v63  }
0x71: {  	s30 =	sld [smem:$0x7FA]  }
0x72: {  	[hbm4b:s23+s3] =	stream.linear.scatter [tilespmem:s25], [sflag:$0x3], $0x8000, $0x38;
	[tilespmem:$0x1B338] =	vst v63  }
0x73: {  	s1 =	sld [smem:$0x7F5]  }
0x74: {  	[hbm4b:s24+s3] =	stream.linear.scatter [tilespmem:s25], [sflag:$0x3], $0x8000, $0x38;
	[tilespmem:$0x1B338] =	vst v63  }
0x75: {  	s31 =	sld [smem:$0x7FB]  }
0x76: {  	[hbm4b:s30+s3] =	stream.linear.scatter [tilespmem:s25], [sflag:$0x3], $0x8000, $0x38;
	[tilespmem:$0x1B338] =	vst v63  }
0x77: {  	p4 =	seq.s32 s1, $0x1  }
0x78: {  	[hbm4b:s31+s3] =	stream.linear.scatter [tilespmem:s25], [sflag:$0x3], $0x8000, $0x38;
	[tilespmem:$0x1B338] =	vst v63  }
0x79: {  	s0 =	rddreg [dreg:$0x12];
	s23 =	simm.s32 @!p4 $0x0;
	s24 =	simm.s32 @!p4 $0x13080  }
0x7a: {  	[hbm4b:s0+s23] =	stream.linear.scatter @!p4 [tilespmem:s24], [sflag:$0x3], $0x7800, $0x38;
	[tilespmem:$0x1B338] =	vst v63  }
0x7b: {  	s0 =	sld [smem:$0x7FD];
	_ =	sdelay $0x1  }
0x7c: {  	s23 =	simm.s32 @!p2 $0x0;
	s24 =	simm.s32 @!p2 $0x13080  }
0x7d: {  	[hbm4b:s0+s23] =	stream.linear.scatter @!p2 [tilespmem:s24], [sflag:$0x3], $0x8000, $0x38;
	[tilespmem:$0x1B338] =	vst v63  }
0x7e: {  	s23 =	sshrl.u32 @!p0 s2, $0x3;
	s24 =	simm.s32 @!p0 $0x1C0C;
	s0 =	rddreg [dreg:$0x1]  }
0x7f: {  	[spmem:s23], [sflag:s24] =	dma.local @!p0 [hbm:s0], $0x570  }
0x80: {  	s23 =	simm.s32 @!p0 $0xC  }
0x81: {  	_ =	swait.ge @!p0 [sflag:s23], $0x570  }
0x82: {  	[sflag:s23] =	ssyncset.done @!p0 $0x0  }
0x83: {  	s4 =	rddreg [dreg:$0x13];
	[sflag:s23] =	ssyncadd.s32 @!p0 $0xFFFFFA90  }
0x84: {  	[tilespmem:s3], [sflag:$0x1] =	stream.linear.gather [hbm4b:s4+s3], $0x80, $0x38;
	[tilespmem:$0x1B338] =	vst v63  }
0x85: {  	s5 =	rddreg [dreg:$0x14]  }
0x86: {  	[tilespmem:s26], [sflag:$0x1] =	stream.linear.gather [hbm4b:s5+s3], $0x80, $0x38;
	[tilespmem:$0x1B338] =	vst v63  }
0x87: {  	s1 =	simm.s32 $0x100;
	s12 =	rddreg [dreg:$0x15]  }
0x88: {  	[tilespmem:s1], [sflag:$0x1] =	stream.linear.gather [hbm4b:s12+s3], $0x80, $0x38;
	[tilespmem:$0x1B338] =	vst v63  }
0x89: {  	s23 =	rddreg [dreg:$0x16];
	s5 =	simm.s32 $0x180  }
0x8a: {  	[tilespmem:s5], [sflag:$0x1] =	stream.linear.gather [hbm4b:s23+s3], $0x80, $0x38;
	[tilespmem:$0x1B338] =	vst v63  }
0x8b: {  	s24 =	rddreg [dreg:$0x17]  }
0x8c: {  	[tilespmem:s6], [sflag:$0x1] =	stream.linear.gather [hbm4b:s24+s3], $0x80, $0x38;
	[tilespmem:$0x1B338] =	vst v63  }
0x8d: {  	s30 =	rddreg [dreg:$0x18];
	s4 =	simm.s32 $0x280  }
0x8e: {  	[tilespmem:s4], [sflag:$0x1] =	stream.linear.gather [hbm4b:s30+s3], $0x80, $0x38;
	[tilespmem:$0x1B338] =	vst v63  }
0x8f: {  	s31 =	rddreg [dreg:$0x19]  }
0x90: {  	[tilespmem:s7], [sflag:$0x1] =	stream.linear.gather [hbm4b:s31+s3], $0x80, $0x38;
	[tilespmem:$0x1B338] =	vst v63  }
0x91: {  	s12 =	rddreg [dreg:$0x1a]  }
0x92: {  	[tilespmem:s15], [sflag:$0x1] =	stream.linear.gather [hbm4b:s12+s3], $0x80, $0x38;
	[tilespmem:$0x1B338] =	vst v63  }
0x93: {  	s23 =	rddreg [dreg:$0x1b]  }
0x94: {  	[tilespmem:s14], [sflag:$0x1] =	stream.linear.gather [hbm4b:s23+s3], $0x80, $0x38;
	[tilespmem:$0x1B338] =	vst v63  }
0x95: {  	s24 =	rddreg [dreg:$0x1c]  }
0x96: {  	[tilespmem:s9], [sflag:$0x1] =	stream.linear.gather [hbm4b:s24+s3], $0x80, $0x38;
	[tilespmem:$0x1B338] =	vst v63  }
0x97: {  	s30 =	rddreg [dreg:$0x1d]  }
0x98: {  	[tilespmem:s29], [sflag:$0x1] =	stream.linear.gather [hbm4b:s30+s3], $0x80, $0x38;
	[tilespmem:$0x1B338] =	vst v63  }
0x99: {  	s31 =	rddreg [dreg:$0x1e]  }
0x9a: {  	[tilespmem:s10], [sflag:$0x1] =	stream.linear.gather [hbm4b:s31+s3], $0x80, $0x38;
	[tilespmem:$0x1B338] =	vst v63  }
0x9b: {  	s0 =	rddreg [dreg:$0x1f];
	s24 =	simm.s32 @!p1 $0x600;
	s30 =	simm.s32 @!p1 $0x0  }
0x9c: {  	[tilespmem:s24], [sflag:$0x1] =	stream.linear.gather @!p1 [hbm4b:s0+s30], $0x80, $0x38;
	[tilespmem:$0x1B338] =	vst v63  }
0x9d: {  	s0 =	sld [smem:$0x7E5];
	_ =	sdelay $0x1  }
0x9e: {  	s12 =	simm.s32 @!p3 $0x0;
	s23 =	simm.s32 @!p3 $0x10800  }
0x9f: {  	[tilespmem:s23], [sflag:$0x2] =	stream.linear.gather @!p3 [hbm4b:s0+s12], $0x50, $0x38;
	[tilespmem:$0x1B338] =	vst v63  }
0xa0: {  	_ =	swait.ge [sflag:s8], $0x80  }
0xa1: {  	[sflag:s8] =	ssyncset.done $0x0  }
0xa2: {  	[sflag:s8] =	ssyncadd.s32 $0xFFFFFF80  }
0xa3: {  	_ =	swait.ge [sflag:s8], $0x80  }
0xa4: {  	[sflag:s8] =	ssyncset.done $0x0  }
0xa5: {  	[sflag:s8] =	ssyncadd.s32 $0xFFFFFF80  }
0xa6: {  	_ =	swait.ge [sflag:s8], $0x80  }
0xa7: {  	[sflag:s8] =	ssyncset.done $0x0  }
0xa8: {  	[sflag:s8] =	ssyncadd.s32 $0xFFFFFF80  }
0xa9: {  	_ =	swait.ge [sflag:s8], $0x80  }
0xaa: {  	[sflag:s8] =	ssyncset.done $0x0  }
0xab: {  	[sflag:s8] =	ssyncadd.s32 $0xFFFFFF80  }
0xac: {  	_ =	swait.ge [sflag:s8], $0x80  }
0xad: {  	[sflag:s8] =	ssyncset.done $0x0  }
0xae: {  	[sflag:s8] =	ssyncadd.s32 $0xFFFFFF80  }
0xaf: {  	_ =	swait.ge [sflag:s8], $0x80  }
0xb0: {  	[sflag:s8] =	ssyncset.done $0x0  }
0xb1: {  	[sflag:s8] =	ssyncadd.s32 $0xFFFFFF80  }
0xb2: {  	_ =	swait.ge [sflag:s8], $0x80  }
0xb3: {  	[sflag:s8] =	ssyncset.done $0x0  }
0xb4: {  	[sflag:s8] =	ssyncadd.s32 $0xFFFFFF80  }
0xb5: {  	_ =	swait.ge [sflag:s8], $0x80  }
0xb6: {  	[sflag:s8] =	ssyncset.done $0x0  }
0xb7: {  	[sflag:s8] =	ssyncadd.s32 $0xFFFFFF80  }
0xb8: {  	_ =	swait.ge [sflag:s8], $0x80  }
0xb9: {  	[sflag:s8] =	ssyncset.done $0x0  }
0xba: {  	[sflag:s8] =	ssyncadd.s32 $0xFFFFFF80  }
0xbb: {  	_ =	swait.ge [sflag:s8], $0x80  }
0xbc: {  	[sflag:s8] =	ssyncset.done $0x0  }
0xbd: {  	[sflag:s8] =	ssyncadd.s32 $0xFFFFFF80  }
0xbe: {  	_ =	swait.ge [sflag:s8], $0x80  }
0xbf: {  	[sflag:s8] =	ssyncset.done $0x0  }
0xc0: {  	[sflag:s8] =	ssyncadd.s32 $0xFFFFFF80  }
0xc1: {  	_ =	swait.ge [sflag:s8], $0x80  }
0xc2: {  	[sflag:s8] =	ssyncset.done $0x0  }
0xc3: {  	s31 =	simm.s32 @!p1 $0x1;
	[sflag:s8] =	ssyncadd.s32 $0xFFFFFF80  }
0xc4: {  	_ =	swait.ge @!p1 [sflag:s31], $0x80  }
0xc5: {  	[sflag:s31] =	ssyncset.done @!p1 $0x0  }
0xc6: {  	[sflag:s31] =	ssyncadd.s32 @!p1 $0xFFFFFF80  }
0xc7: {  	s31 =	simm.s32 $0x800;
	[bflag:$0x0] =	sbarrier.arrive $0xFFFF  }
0xc8: {  	[tilespmem:s31], [sflag:$0x4] =	stream.indirect.gather [spmem:s2], $0x80, s3, s26, $0xb8;
	[tilespmem:$0x1B338] =	vst v63  }
0xc9: {  	s12 =	simm.s32 $0x4800  }
0xca: {  	[tilespmem:s12], [sflag:$0x5] =	stream.indirect.gather [spmem:s2], $0x80, s26, s26, $0xb8;
	[tilespmem:$0x1B338] =	vst v63  }
0xcb: {  	_ =	swait.ge [sflag:s11], $0x4000  }
0xcc: {  	s0 =	sld [smem:$0x7E6]  }
0xcd: {  	[sflag:s11] =	ssyncset.done $0x0  }
0xce: {  	[sflag:s11] =	ssyncadd.s32 $0xFFFFC000  }
0xcf: {  	[hbm4b:s0+s3] =	stream.linear.scatter [tilespmem:s31], [sflag:$0x8], $0x4000, $0x38;
	[tilespmem:$0x1B338] =	vst v63  }
0xd0: {  	_ = 	snop  }
0xd1: {  	[tilespmem:s17], [sflag:$0x6] =	stream.indirect.gather [spmem:s2], $0x80, s1, s26, $0xb8;
	[tilespmem:$0x1B338] =	vst v63  }
0xd2: {  	_ =	swait.ge [sflag:s13], $0x4000  }
0xd3: {  	s1 =	sld [smem:$0x7E7]  }
0xd4: {  	[sflag:s13] =	ssyncset.done $0x0  }
0xd5: {  	[sflag:s13] =	ssyncadd.s32 $0xFFFFC000  }
0xd6: {  	[hbm4b:s1+s3] =	stream.linear.scatter [tilespmem:s12], [sflag:$0x9], $0x4000, $0x38;
	[tilespmem:$0x1B338] =	vst v63  }
0xd7: {  	s1 =	simm.s32 $0xC800  }
0xd8: {  	[tilespmem:s1], [sflag:$0x7] =	stream.indirect.gather [spmem:s2], $0x80, s5, s26, $0xb8;
	[tilespmem:$0x1B338] =	vst v63  }
0xd9: {  	_ =	swait.ge [sflag:s16], $0x4000  }
0xda: {  	s5 =	sld [smem:$0x7E8]  }
0xdb: {  	[sflag:s16] =	ssyncset.done $0x0  }
0xdc: {  	[sflag:s16] =	ssyncadd.s32 $0xFFFFC000  }
0xdd: {  	[hbm4b:s5+s3] =	stream.linear.scatter [tilespmem:s17], [sflag:$0xA], $0x4000, $0x38;
	[tilespmem:$0x1B338] =	vst v63  }
0xde: {  	s5 =	simm.s32 $0x8  }
0xdf: {  	_ =	swait.ge [sflag:s5], $0x4000  }
0xe0: {  	[sflag:s5] =	ssyncset.done $0x0  }
0xe1: {  	[sflag:s5] =	ssyncadd.s32 $0xFFFFC000  }
0xe2: {  	[tilespmem:s31], [sflag:$0x4] =	stream.indirect.gather [spmem:s2], $0x80, s6, s26, $0xb8;
	[tilespmem:$0x1B338] =	vst v63  }
0xe3: {  	_ =	swait.ge [sflag:s18], $0x4000  }
0xe4: {  	s0 =	sld [smem:$0x7E9]  }
0xe5: {  	[sflag:s18] =	ssyncset.done $0x0  }
0xe6: {  	[sflag:s18] =	ssyncadd.s32 $0xFFFFC000  }
0xe7: {  	[hbm4b:s0+s3] =	stream.linear.scatter [tilespmem:s1], [sflag:$0xB], $0x4000, $0x38;
	[tilespmem:$0x1B338] =	vst v63  }
0xe8: {  	_ =	swait.ge [sflag:s19], $0x4000  }
0xe9: {  	[sflag:s19] =	ssyncset.done $0x0  }
0xea: {  	[sflag:s19] =	ssyncadd.s32 $0xFFFFC000  }
0xeb: {  	[tilespmem:s12], [sflag:$0x5] =	stream.indirect.gather [spmem:s2], $0x80, s4, s26, $0xb8;
	[tilespmem:$0x1B338] =	vst v63  }
0xec: {  	_ =	swait.ge [sflag:s11], $0x4000  }
0xed: {  	s4 =	sld [smem:$0x7EA]  }
0xee: {  	[sflag:s11] =	ssyncset.done $0x0  }
0xef: {  	[sflag:s11] =	ssyncadd.s32 $0xFFFFC000  }
0xf0: {  	[hbm4b:s4+s3] =	stream.linear.scatter [tilespmem:s31], [sflag:$0x8], $0x4000, $0x38;
	[tilespmem:$0x1B338] =	vst v63  }
0xf1: {  	_ =	swait.ge [sflag:s20], $0x4000  }
0xf2: {  	[sflag:s20] =	ssyncset.done $0x0  }
0xf3: {  	[sflag:s20] =	ssyncadd.s32 $0xFFFFC000  }
0xf4: {  	[tilespmem:s17], [sflag:$0x6] =	stream.indirect.gather [spmem:s2], $0x80, s7, s26, $0xb8;
	[tilespmem:$0x1B338] =	vst v63  }
0xf5: {  	_ =	swait.ge [sflag:s13], $0x4000  }
0xf6: {  	s4 =	sld [smem:$0x7EB]  }
0xf7: {  	[sflag:s13] =	ssyncset.done $0x0  }
0xf8: {  	[sflag:s13] =	ssyncadd.s32 $0xFFFFC000  }
0xf9: {  	[hbm4b:s4+s3] =	stream.linear.scatter [tilespmem:s12], [sflag:$0x9], $0x4000, $0x38;
	[tilespmem:$0x1B338] =	vst v63  }
0xfa: {  	_ =	swait.ge [sflag:s21], $0x4000  }
0xfb: {  	[sflag:s21] =	ssyncset.done $0x0  }
0xfc: {  	[sflag:s21] =	ssyncadd.s32 $0xFFFFC000  }
0xfd: {  	[tilespmem:s1], [sflag:$0x7] =	stream.indirect.gather [spmem:s2], $0x80, s15, s26, $0xb8;
	[tilespmem:$0x1B338] =	vst v63  }
0xfe: {  	_ =	swait.ge [sflag:s16], $0x4000  }
0xff: {  	s4 =	sld [smem:$0x7EC]  }
0x100: {  	[sflag:s16] =	ssyncset.done $0x0  }
0x101: {  	[sflag:s16] =	ssyncadd.s32 $0xFFFFC000  }
0x102: {  	[hbm4b:s4+s3] =	stream.linear.scatter [tilespmem:s17], [sflag:$0xA], $0x4000, $0x38;
	[tilespmem:$0x1B338] =	vst v63  }
0x103: {  	_ =	swait.ge [sflag:s5], $0x4000  }
0x104: {  	[sflag:s5] =	ssyncset.done $0x0  }
0x105: {  	[sflag:s5] =	ssyncadd.s32 $0xFFFFC000  }
0x106: {  	[tilespmem:s31], [sflag:$0x4] =	stream.indirect.gather [spmem:s2], $0x80, s14, s26, $0xb8;
	[tilespmem:$0x1B338] =	vst v63  }
0x107: {  	_ =	swait.ge [sflag:s18], $0x4000  }
0x108: {  	s5 =	sld [smem:$0x7ED]  }
0x109: {  	[sflag:s18] =	ssyncset.done $0x0  }
0x10a: {  	[sflag:s18] =	ssyncadd.s32 $0xFFFFC000  }
0x10b: {  	[hbm4b:s5+s3] =	stream.linear.scatter [tilespmem:s1], [sflag:$0xB], $0x4000, $0x38;
	[tilespmem:$0x1B338] =	vst v63  }
0x10c: {  	_ =	swait.ge [sflag:s19], $0x4000  }
0x10d: {  	[sflag:s19] =	ssyncset.done $0x0  }
0x10e: {  	[sflag:s19] =	ssyncadd.s32 $0xFFFFC000  }
0x10f: {  	[tilespmem:s12], [sflag:$0x5] =	stream.indirect.gather [spmem:s2], $0x80, s9, s26, $0xb8;
	[tilespmem:$0x1B338] =	vst v63  }
0x110: {  	_ =	swait.ge [sflag:s11], $0x4000  }
0x111: {  	s4 =	sld [smem:$0x7EE]  }
0x112: {  	[sflag:s11] =	ssyncset.done $0x0  }
0x113: {  	[sflag:s11] =	ssyncadd.s32 $0xFFFFC000  }
0x114: {  	[hbm4b:s4+s3] =	stream.linear.scatter [tilespmem:s31], [sflag:$0x8], $0x4000, $0x38;
	[tilespmem:$0x1B338] =	vst v63  }
0x115: {  	_ =	swait.ge [sflag:s20], $0x4000  }
0x116: {  	[sflag:s20] =	ssyncset.done $0x0  }
0x117: {  	[sflag:s20] =	ssyncadd.s32 $0xFFFFC000  }
0x118: {  	[tilespmem:s17], [sflag:$0x6] =	stream.indirect.gather [spmem:s2], $0x80, s29, s26, $0xb8;
	[tilespmem:$0x1B338] =	vst v63  }
0x119: {  	_ =	swait.ge [sflag:s13], $0x4000  }
0x11a: {  	s5 =	sld [smem:$0x7EF]  }
0x11b: {  	[sflag:s13] =	ssyncset.done $0x0  }
0x11c: {  	[sflag:s13] =	ssyncadd.s32 $0xFFFFC000  }
0x11d: {  	[hbm4b:s5+s3] =	stream.linear.scatter [tilespmem:s12], [sflag:$0x9], $0x4000, $0x38;
	[tilespmem:$0x1B338] =	vst v63  }
0x11e: {  	_ =	swait.ge [sflag:s21], $0x4000  }
0x11f: {  	[sflag:s21] =	ssyncset.done $0x0  }
0x120: {  	[sflag:s21] =	ssyncadd.s32 $0xFFFFC000  }
0x121: {  	[tilespmem:s1], [sflag:$0x7] =	stream.indirect.gather [spmem:s2], $0x80, s10, s26, $0xb8;
	[tilespmem:$0x1B338] =	vst v63  }
0x122: {  	_ =	swait.ge [sflag:s16], $0x4000  }
0x123: {  	s12 =	sld [smem:$0x7F0]  }
0x124: {  	[sflag:s16] =	ssyncset.done $0x0  }
0x125: {  	s31 =	simm.s32 @p1 $0x7;
	[sflag:s16] =	ssyncadd.s32 $0xFFFFC000  }
0x126: {  	[hbm4b:s12+s3] =	stream.linear.scatter [tilespmem:s17], [sflag:$0xA], $0x4000, $0x38;
	[tilespmem:$0x1B338] =	vst v63  }
0x127: {  	_ =	swait.ge @p1 [sflag:s31], $0x4000  }
0x128: {  	s4 =	sld [smem:$0x7F1]  }
0x129: {  	[sflag:s31] =	ssyncset.done @p1 $0x0  }
0x12a: {  	s0 =	simm.s32 @p1 $0xC800;
	[sflag:s31] =	ssyncadd.s32 @p1 $0xFFFFC000;
	s31 =	simm.s32 @p1 $0x0  }
0x12b: {  	[hbm4b:s4+s31] =	stream.linear.scatter @p1 [tilespmem:s0], [sflag:$0xB], $0x4000, $0x38;
	[tilespmem:$0x1B338] =	vst v63  }
0x12c: {  	s0 =	simm.s32 @p1 $0x8  }
0x12d: {  	_ =	swait.ge @p1 [sflag:s0], $0x4000  }
0x12e: {  	[sflag:s0] =	ssyncset.done @p1 $0x0  }
0x12f: {  	[sflag:s0] =	ssyncadd.s32 @p1 $0xFFFFC000;
	s0 =	simm.s32 @!p1 $0x8  }
0x130: {  	_ =	swait.ge @!p1 [sflag:s0], $0x4000  }
0x131: {  	[sflag:s0] =	ssyncset.done @!p1 $0x0  }
0x132: {  	s1 =	simm.s32 @!p1 $0x800;
	s31 =	simm.s32 @!p1 $0x80;
	[sflag:s0] =	ssyncadd.s32 @!p1 $0xFFFFC000  }
0x133: {  	[tilespmem:s1], [sflag:$0x4] =	stream.indirect.gather @!p1 [spmem:s2], $0x80, s24, s31, $0xb8;
	[tilespmem:$0x1B338] =	vst v63  }
0x134: {  	s24 =	simm.s32 @!p1 $0x7  }
0x135: {  	_ =	swait.ge @!p1 [sflag:s24], $0x4000  }
0x136: {  	[sflag:s24] =	ssyncset.done @!p1 $0x0  }
0x137: {  	[sflag:s24] =	ssyncadd.s32 @!p1 $0xFFFFC000;
	s24 =	simm.s32 @!p1 $0xC800  }
0x138: {  	[hbm4b:s4+s30] =	stream.linear.scatter @!p1 [tilespmem:s24], [sflag:$0xB], $0x4000, $0x38;
	[tilespmem:$0x1B338] =	vst v63  }
0x139: {  	s24 =	simm.s32 @!p1 $0x4  }
0x13a: {  	_ =	swait.ge @!p1 [sflag:s24], $0x4000  }
0x13b: {  	[sflag:s24] =	ssyncset.done @!p1 $0x0  }
0x13c: {  	[sflag:s24] =	ssyncadd.s32 @!p1 $0xFFFFC000;
	s24 =	sld [smem:$0x7F2];
	_ =	sdelay $0x2  }
0x13d: {  	[hbm4b:s24+s30] =	stream.linear.scatter @!p1 [tilespmem:s1], [sflag:$0x8], $0x4000, $0x38;
	[tilespmem:$0x1B338] =	vst v63  }
0x13e: {  	_ =	swait.ge [sflag:s19], $0x4000  }
0x13f: {  	[sflag:s19] =	ssyncset.done $0x0  }
0x140: {  	[sflag:s19] =	ssyncadd.s32 $0xFFFFC000  }
0x141: {  	_ =	swait.ge [sflag:s20], $0x4000  }
0x142: {  	[sflag:s20] =	ssyncset.done $0x0  }
0x143: {  	[sflag:s20] =	ssyncadd.s32 $0xFFFFC000  }
0x144: {  	_ =	swait.ge [sflag:s21], $0x4000  }
0x145: {  	[sflag:s21] =	ssyncset.done $0x0  }
0x146: {  	[sflag:s21] =	ssyncadd.s32 $0xFFFFC000  }
0x147: {  	_ =	swait.ge @!p1 [sflag:s0], $0x4000  }
0x148: {  	[sflag:s0] =	ssyncset.done @!p1 $0x0  }
0x149: {  	[sflag:s0] =	ssyncadd.s32 @!p1 $0xFFFFC000;
	s0 =	simm.s32 @!p3 $0x2  }
0x14a: {  	_ =	swait.ge @!p3 [sflag:s0], $0x50  }
0x14b: {  	[sflag:s0] =	ssyncset.done @!p3 $0x0  }
0x14c: {  	s1 =	simm.s32 @!p3 $0x50;
	s24 =	simm.s32 @!p3 $0x10880;
	[sflag:s0] =	ssyncadd.s32 @!p3 $0xFFFFFFB0  }
0x14d: {  	[tilespmem:s24], [sflag:$0x2] =	stream.indirect.gather @!p3 [spmem:s2], $0x80, s23, s1, $0xb8;
	[tilespmem:$0x1B338] =	vst v63  }
0x14e: {  	_ =	swait.ge @!p3 [sflag:s0], $0x2800  }
0x14f: {  	[sflag:s0] =	ssyncset.done @!p3 $0x0  }
0x150: {  	[sflag:s0] =	ssyncadd.s32 @!p3 $0xFFFFD800;
	s0 =	sld [smem:$0x7F3];
	_ =	sdelay $0x1  }
0x151: {  	s1 =	simm.s32 @!p3 $0x0  }
0x152: {  	[hbm4b:s0+s1] =	stream.linear.scatter @!p3 [tilespmem:s24], [sflag:$0xC], $0x2800, $0x38;
	[tilespmem:$0x1B338] =	vst v63  }
0x153: {  	s0 =	simm.s32 @!p3 $0xC  }
0x154: {  	_ =	swait.ge @!p3 [sflag:s0], $0x2800  }
0x155: {  	[sflag:s0] =	ssyncset.done @!p3 $0x0  }
0x156: {  	[sflag:s0] =	ssyncadd.s32 @!p3 $0xFFFFD800  }
0x157: {  	_ =	swait.ge [sflag:s28], $0x8000  }
0x158: {  	[sflag:s28] =	ssyncset.done $0x0  }
0x159: {  	[sflag:s28] =	ssyncadd.s32 $0xFFFF8000  }
0x15a: {  	_ =	swait.ge [sflag:s28], $0x8000  }
0x15b: {  	[sflag:s28] =	ssyncset.done $0x0  }
0x15c: {  	[sflag:s28] =	ssyncadd.s32 $0xFFFF8000  }
0x15d: {  	_ =	swait.ge [sflag:s28], $0x8000  }
0x15e: {  	[sflag:s28] =	ssyncset.done $0x0  }
0x15f: {  	[sflag:s28] =	ssyncadd.s32 $0xFFFF8000  }
0x160: {  	_ =	swait.ge [sflag:s28], $0x8000  }
0x161: {  	[sflag:s28] =	ssyncset.done $0x0  }
0x162: {  	[sflag:s28] =	ssyncadd.s32 $0xFFFF8000  }
0x163: {  	_ =	swait.ge [sflag:s28], $0x8000  }
0x164: {  	[sflag:s28] =	ssyncset.done $0x0  }
0x165: {  	[sflag:s28] =	ssyncadd.s32 $0xFFFF8000  }
0x166: {  	_ =	swait.ge [sflag:s28], $0x8000  }
0x167: {  	[sflag:s28] =	ssyncset.done $0x0  }
0x168: {  	[sflag:s28] =	ssyncadd.s32 $0xFFFF8000  }
0x169: {  	_ =	swait.ge [sflag:s28], $0x8000  }
0x16a: {  	[sflag:s28] =	ssyncset.done $0x0  }
0x16b: {  	[sflag:s28] =	ssyncadd.s32 $0xFFFF8000  }
0x16c: {  	_ =	swait.ge [sflag:s28], $0x8000  }
0x16d: {  	[sflag:s28] =	ssyncset.done $0x0  }
0x16e: {  	[sflag:s28] =	ssyncadd.s32 $0xFFFF8000  }
0x16f: {  	_ =	swait.ge [sflag:s28], $0x8000  }
0x170: {  	[sflag:s28] =	ssyncset.done $0x0  }
0x171: {  	[sflag:s28] =	ssyncadd.s32 $0xFFFF8000  }
0x172: {  	_ =	swait.ge [sflag:s28], $0x8000  }
0x173: {  	[sflag:s28] =	ssyncset.done $0x0  }
0x174: {  	[sflag:s28] =	ssyncadd.s32 $0xFFFF8000  }
0x175: {  	_ =	swait.ge [sflag:s28], $0x8000  }
0x176: {  	[sflag:s28] =	ssyncset.done $0x0  }
0x177: {  	[sflag:s28] =	ssyncadd.s32 $0xFFFF8000  }
0x178: {  	_ =	swait.ge [sflag:s28], $0x8000  }
0x179: {  	[sflag:s28] =	ssyncset.done $0x0  }
0x17a: {  	[sflag:s28] =	ssyncadd.s32 $0xFFFF8000  }
0x17b: {  	_ =	swait.ge [sflag:s28], $0x8000  }
0x17c: {  	[sflag:s28] =	ssyncset.done $0x0  }
0x17d: {  	[sflag:s28] =	ssyncadd.s32 $0xFFFF8000  }
0x17e: {  	_ =	swait.ge [sflag:s28], $0x8000  }
0x17f: {  	[sflag:s28] =	ssyncset.done $0x0  }
0x180: {  	[sflag:s28] =	ssyncadd.s32 $0xFFFF8000  }
0x181: {  	_ =	swait.ge [sflag:s28], $0x8000  }
0x182: {  	[sflag:s28] =	ssyncset.done $0x0  }
0x183: {  	[sflag:s28] =	ssyncadd.s32 $0xFFFF8000  }
0x184: {  	_ =	swait.ge [sflag:s28], $0x8000  }
0x185: {  	[sflag:s28] =	ssyncset.done $0x0  }
0x186: {  	[sflag:s28] =	ssyncadd.s32 $0xFFFF8000  }
0x187: {  	_ =	swait.ge [sflag:s28], $0x8000  }
0x188: {  	[sflag:s28] =	ssyncset.done $0x0  }
0x189: {  	[sflag:s28] =	ssyncadd.s32 $0xFFFF8000  }
0x18a: {  	_ =	swait.ge [sflag:s28], $0x8000  }
0x18b: {  	s30 =	sld [smem:$0x7F6];
	_ =	sdelay $0x1  }
0x18c: {  	p6 =	por @p2 $0x0, $0x0;
	p5 =	por @!p4 $0x1, $0x1;
	[sflag:s28] =	ssyncset.done $0x0  }
0x18d: {  	s0 =	simm.s32 @!p2 $0x3;
	[sflag:s28] =	ssyncadd.s32 $0xFFFF8000;
	p4 =	seq.s32 s30, $0x1  }
0x18e: {  	_ =	swait.ge @!p2 [sflag:s0], $0x8000;
	p5 =	por @!p4 p6, p6;
	p6 =	por @!p2 $0x0, $0x0  }
0x18f: {  	[sflag:s0] =	ssyncset.done @!p2 $0x0;
	p5 =	por @!p2 p6, p6  }
0x190: {  	[sflag:s0] =	ssyncadd.s32 @!p2 $0xFFFF8000;
	s0 =	simm.s32 @p5 $0x3  }
0x191: {  	_ =	swait.ge @p5 [sflag:s0], $0x7800  }
0x192: {  	s31 =	sld [smem:$0x7F4];
	_ =	sdelay $0x1  }
0x193: {  	s22 =	sadd.s32 $0x1, s22  }
0x194: {  	p6 =	sne.s32 s22, s31  }
.Ltmp1:
0x195: {  	_ = 	snop;
	(pc) =	sbr.rel @p6 .LBB2_1-.Ltmp1, $3  }
0x196: {  	_ =	sdelay $0x1  }
0x197: {  	[sflag:s0] =	ssyncset.done @p5 $0x0  }
0x198: {  	[sflag:s0] =	ssyncadd.s32 @p5 $0xFFFF8800  }
0x199: {  	_ =	sfence.sel $0x180000  }
0x19a: {  	[bflag:$0x0] =	sbarrier.arrive $0xFFFF  }
0x19b: {  	_ =	strace $0x90000047  }
0x19c: {  	[bflag:$0x2] =	sbarrier.arrive $0xFFFF  }
0x19d: {  	s0 =	rddreg [dreg:$0x5]  }
0x19e: {  	s0 =	sadd.s32 @!p0 $0x100000, s0  }
0x19f: {  	[sflag:s0] =	ssyncadd.tile.s32 @!p0 $0x1;
	_ =	shalt  }
.Lfunc_end2:
_tile_overlayer_lowered:
.L_overlay_start_2:
0x1a0: {  	(tag) =	ssettag $0x2  }
0x1a1: {  	s0 =	rddreg [dreg:$0x0];
	s2 =	stileid.u32  }
0x1a2: {  	s1 =	rddreg [dreg:$0x1];
	p0 =	sne.s32 s2, $0x0  }
0x1a3: {  	s3 =	rddreg [dreg:$0x2];
	[bflag:$0x3] =	sbarrier.arrive $0xFFFF;
	s2 =	simm.s32 @!p0 $0x1C0C  }
0x1a4: {  	[timem:s3], [sflag:s2] =	dma.local @!p0 [hbm:s0], s1  }
0x1a5: {  	s0 =	simm.s32 @!p0 $0xC  }
0x1a6: {  	_ =	swait.ge @!p0 [sflag:s0], s1  }
0x1a7: {  	s1 =	ssub.s32 @!p0 $0x0, s1;
	[sflag:s0] =	ssyncset.done @!p0 $0x0  }
0x1a8: {  	[sflag:s0] =	ssyncadd.s32 @!p0 s1  }
0x1a9: {  	[bflag:$0x3] =	sbarrier.arrive $0xFFFF  }
0x1aa: {  	_ =	shalt  }

</sc_bundles>
